<compile_context>
chip_gen: v7x
topology: tpu7x:2x2x1
jax: 0.10.2.dev20260603
libtpu: 0.0.44.dev20260713+nightly
codegen_flags: <defaults>
</compile_context>

<pallas_src>
import functools

import jax
import jax.numpy as jnp
from jax import lax
from jax.experimental import pallas as pl
from jax.experimental.pallas import tpu as pltpu
from jax.experimental.pallas import tpu_sc as plsc

B, N, DIN, DOUT, NKEEP = 8, 1024, 256, 256, 512
bf16, f32, i32 = jnp.bfloat16, jnp.float32, jnp.int32


def _tc_body(a_ref, x_ref, wr_ref, wm_ref, br_ref, bm_ref,
             xo_ref, t_ref):
    a = a_ref[0].astype(bf16)
    x = x_ref[0].astype(bf16)
    mt = lax.dot_general(x, a, (((0,), (1,)), ((), ())),
                         preferred_element_type=f32)
    m_bf = mt.T.astype(bf16)
    wr_bf = wr_ref[...].astype(bf16)
    t_col = jnp.dot(m_bf, wr_bf.T, preferred_element_type=f32)
    t_ref[0] = t_col + br_ref[...]

    wm_bf = wm_ref[...].astype(bf16)
    xo = jnp.dot(m_bf, wm_bf.T, preferred_element_type=f32) + bm_ref[...]
    xo_ref[0] = jnp.where(xo >= 0, xo, 0.01 * xo)


def _tc_stage(A, X, Wr, Wm, br, bm):
    return pl.pallas_call(
        _tc_body,
        grid=(B,),
        in_specs=[
            pl.BlockSpec((1, N, N), lambda b: (b, 0, 0)),
            pl.BlockSpec((1, N, DIN), lambda b: (b, 0, 0)),
            pl.BlockSpec((1, DIN), lambda b: (0, 0)),
            pl.BlockSpec((DOUT, DIN), lambda b: (0, 0)),
            pl.BlockSpec((1,), lambda b: (0,)),
            pl.BlockSpec((DOUT,), lambda b: (0,)),
        ],
        out_specs=[
            pl.BlockSpec((1, N, DOUT), lambda b: (b, 0, 0)),
            pl.BlockSpec((1, N, 1), lambda b: (b, 0, 0)),
        ],
        out_shape=[
            jax.ShapeDtypeStruct((B, N, DOUT), f32),
            jax.ShapeDtypeStruct((B, N, 1), f32),
        ],
    )(A, X, Wr, Wm, br, bm)


def _rank_body(p_ref, gid_ref):
    b = pl.program_id(0)
    p_col = p_ref[0]
    p_row = p_col.T
    ii = lax.broadcasted_iota(i32, (N, N), 0)
    jj = lax.broadcasted_iota(i32, (N, N), 1)
    beats = (p_row > p_col) | ((p_row == p_col) & (jj < ii))
    rank_col = jnp.sum(jnp.where(beats, 1.0, 0.0), axis=1,
                       keepdims=True)

    pmat = lax.broadcasted_iota(i32, (N, NKEEP), 1).astype(f32)
    emat = lax.broadcasted_iota(i32, (N, NKEEP), 0).astype(f32)
    onehot = rank_col == pmat
    idx_row = jnp.sum(jnp.where(onehot, emat, 0.0), axis=0,
                      keepdims=True)
    gid_ref[0] = idx_row.astype(i32) + b * N


def _rank_stage(p3):
    return pl.pallas_call(
        _rank_body,
        grid=(B,),
        in_specs=[pl.BlockSpec((1, N, 1), lambda b: (b, 0, 0))],
        out_specs=pl.BlockSpec((1, 1, NKEEP), lambda b: (b, 0, 0)),
        out_shape=jax.ShapeDtypeStruct((B, 1, NKEEP), i32),
    )(p3)


_TOT = B * NKEEP
_NW = 32
_RPW = _TOT // _NW
_ACH = 32
_NCH = _RPW // _ACH


def _sc_body(a2, xo2, gid, aout, xout,
             gid_v, pos_v, xbuf, abuf0, abuf1, obuf, sem_x, sem_a):
    wid = lax.axis_index("s") * 2 + lax.axis_index("c")
    base = wid * _RPW
    b = base // NKEEP
    pltpu.sync_copy(gid.at[pl.ds(base, _RPW)], gid_v)
    pltpu.sync_copy(gid.at[pl.ds(b * NKEEP, NKEEP)], pos_v)

    copy_x = pltpu.async_copy(xo2.at[gid_v], xbuf, sem_x)

    for k in range(NKEEP // 16):
        pos_v[pl.ds(k * 16, 16)] = pos_v[pl.ds(k * 16, 16)] - b * N

    bufs = (abuf0, abuf1)
    copies = [None] * _NCH
    copies[0] = pltpu.async_copy(a2.at[gid_v.at[pl.ds(0, _ACH)]], abuf0,
                                 sem_a)
    for ci in range(_NCH):
        if ci + 1 < _NCH:
            copies[ci + 1] = pltpu.async_copy(
                a2.at[gid_v.at[pl.ds((ci + 1) * _ACH, _ACH)]],
                bufs[(ci + 1) % 2], sem_a)
        copies[ci].wait()
        abuf = bufs[ci % 2]

        def row_body(r, carry):
            rbase = r * NKEEP
            row_idx = jnp.full((16,), r, i32)
            for k in range(NKEEP // 16):
                colv = pos_v[pl.ds(k * 16, 16)]
                obuf[pl.ds(rbase + k * 16, 16)] = plsc.load_gather(
                    abuf, [row_idx, colv])
            return carry

        lax.fori_loop(0, _ACH, row_body, 0)
        pltpu.sync_copy(
            obuf.at[pl.ds(0, _ACH * NKEEP)],
            aout.at[pl.ds((base + ci * _ACH) * NKEEP, _ACH * NKEEP)])

    copy_x.wait()
    pltpu.sync_copy(xbuf, xout.at[pl.ds(base, _RPW)])


def _sc_stage(A2, XO2, gidf):
    mesh = plsc.VectorSubcoreMesh(core_axis_name="c", subcore_axis_name="s",
                                  num_cores=2)
    kern = functools.partial(
        pl.kernel,
        mesh=mesh,
        compiler_params=pltpu.CompilerParams(needs_layout_passes=False),
        out_type=[
            jax.ShapeDtypeStruct((_TOT * NKEEP,), f32),
            jax.ShapeDtypeStruct((_TOT, DOUT), f32),
        ],
        scratch_types=[
            pltpu.VMEM((_RPW,), i32),
            pltpu.VMEM((NKEEP,), i32),
            pltpu.VMEM((_RPW, DOUT), f32),
            pltpu.VMEM((_ACH, N), f32),
            pltpu.VMEM((_ACH, N), f32),
            pltpu.VMEM((_ACH * NKEEP,), f32),
            pltpu.SemaphoreType.DMA,
            pltpu.SemaphoreType.DMA,
        ],
    )(_sc_body)
    return kern(A2, XO2, gidf)


def kernel(A, X, W_rank, b_rank, W_model, b_model):
    xo, t3 = _tc_stage(A, X, W_rank, W_model, b_rank, b_model)
    p3 = jax.nn.softmax(t3, axis=1)
    gid = _rank_stage(p3)
    aof, xof = _sc_stage(
        A.reshape(B * N, N),
        xo.reshape(B * N, DOUT),
        gid.reshape(_TOT),
    )
    A_out = jnp.transpose(aof.reshape(B, NKEEP, NKEEP), (0, 2, 1))
    return (A_out, xof.reshape(B, NKEEP, DOUT))

# --- scband reference (transcript-rebuilt; emitter-appended) ---
"""Pipeline reference for scband-sagpool-28484223107596 (READ-ONLY COPY).

The authoritative reference and input builder live on the scoring server;
editing this copy changes nothing except your own understanding.
"""

import jax, jax.numpy as jnp
import numpy as np

B, N, D_IN, D_OUT, N_KEEP = 8, 1024, 256, 256, 512

def setup_inputs(seed: int = 0):
    key = jax.random.key(seed)
    k1, k2, k3, k4 = jax.random.split(key, 4)
    A = jax.random.uniform(k1, (B, N, N), dtype=jnp.float32)
    X = jax.random.normal(k2, (B, N, D_IN), dtype=jnp.float32)
    W_rank = jax.random.normal(k3, (1, D_IN), dtype=jnp.float32) * (1.0 / np.sqrt(D_IN))
    b_rank = jnp.zeros((1,), dtype=jnp.float32)
    W_model = jax.random.normal(k4, (D_OUT, D_IN), dtype=jnp.float32) * (1.0 / np.sqrt(D_IN))
    b_model = jnp.zeros((D_OUT,), dtype=jnp.float32)
    return {"A": A, "X": X, "W_rank": W_rank, "b_rank": b_rank, "W_model": W_model, "b_model": b_model}

def reference(A, X, W_rank, b_rank, W_model, b_model):
    # x_out = bmm(A, X) -> Linear -> leaky_relu
    x_out = jnp.matmul(A, X)
    x_out = jax.nn.leaky_relu(jnp.matmul(x_out, W_model.T) + b_model, negative_slope=0.01)
    # score = softmax(rank(bmm(A, X)), dim=1)
    x_score = jnp.matmul(A, X)
    score = jax.nn.softmax(jnp.matmul(x_score, W_rank.T) + b_rank, axis=1)
    score = jnp.squeeze(score, axis=-1)  # [B, N]
    # sort descending along node dim, take top-n indices
    idx = jnp.argsort(-score, axis=1)
    topk = idx[:, :N_KEEP]  # [B, N_KEEP]
    bat_id = jnp.arange(A.shape[0])[:, None]  # [B, 1]
    x_out = x_out[bat_id, topk]  # [B, N_KEEP, D_OUT]
    A_out = A[bat_id, topk]      # [B, N_KEEP, N]
    A_out = jnp.transpose(A_out, (0, 2, 1))  # [B, N, N_KEEP]
    A_out = A_out[bat_id, topk]  # [B, N_KEEP, N_KEEP]
    return (A_out, x_out)

if __name__ == "__main__":
    import jax
    _d = setup_inputs()
    print(jax.jit(kernel)(*tuple(_d.values())))

</pallas_src>

<mosaic_0001>
#map = affine_map<(d0, d1) -> (0, 0)>
#map1 = affine_map<(d0, d1) -> (0)>
module attributes {stable_mosaic.version = 14 : i64} {
  func.func @_sc_body(%arg0: i32, %arg1: i32, %arg2: memref<8192x1024xf32, #tpu.memory_space<hbm>>, %arg3: memref<8192x256xf32, #tpu.memory_space<hbm>>, %arg4: memref<4096xi32, #tpu.memory_space<hbm>>, %arg5: memref<2097152xf32, #tpu.memory_space<hbm>>, %arg6: memref<4096x256xf32, #tpu.memory_space<hbm>>, %arg7: memref<128xi32, #tpu.memory_space<vmem>>, %arg8: memref<512xi32, #tpu.memory_space<vmem>>, %arg9: memref<128x256xf32, #tpu.memory_space<vmem>>, %arg10: memref<32x1024xf32, #tpu.memory_space<vmem>>, %arg11: memref<32x1024xf32, #tpu.memory_space<vmem>>, %arg12: memref<16384xf32, #tpu.memory_space<vmem>>, %arg13: memref<!tpu.dma_semaphore, #tpu.memory_space<semaphore_mem>>, %arg14: memref<!tpu.dma_semaphore, #tpu.memory_space<semaphore_mem>>) attributes {dimension_semantics = [#tpu.dimension_semantics<core_parallel>, #tpu.dimension_semantics<subcore_parallel>], iteration_bounds = array<i64: 2, 16>, scalar_prefetch = 0 : i64, scratch_operands = 8 : i64, tpu.core_type = #tpu.core_type<sc_vector_subcore>, window_params = [{transform_indices = #map}, {transform_indices = #map}, {transform_indices = #map1}, {transform_indices = #map1}, {transform_indices = #map}]} {
    %mul3A = arith.constant 2 : i32
    %mul3A_0 = arith.muli %arg1, %mul3A : i32
    %add3A = arith.addi %mul3A_0, %arg0 : i32
    %mul3A_1 = arith.constant 128 : i32
    %mul3A_2 = arith.muli %add3A, %mul3A_1 : i32
    %jit3A = arith.constant 512 : i32
    %div3A = arith.divsi %mul3A_2, %jit3A : i32
    %sign3A = arith.constant 0 : i32
    %sign3A_3 = arith.cmpi sgt, %mul3A_2, %sign3A : i32
    %sign3A_4 = arith.extui %sign3A_3 : i1 to i32
    %sign3A_5 = arith.constant 0 : i32
    %sign3A_6 = arith.cmpi slt, %mul3A_2, %sign3A_5 : i32
    %sign3A_7 = arith.extui %sign3A_6 : i1 to i32
    %sign3A_8 = arith.subi %sign3A_4, %sign3A_7 : i32
    %sign3A_9 = arith.constant 0 : i32
    %sign3A_10 = arith.cmpi sgt, %jit3A, %sign3A_9 : i32
    %sign3A_11 = arith.extui %sign3A_10 : i1 to i32
    %sign3A_12 = arith.constant 0 : i32
    %sign3A_13 = arith.cmpi slt, %jit3A, %sign3A_12 : i32
    %sign3A_14 = arith.extui %sign3A_13 : i1 to i32
    %sign3A_15 = arith.subi %sign3A_11, %sign3A_14 : i32
    %ne3A = arith.cmpi ne, %sign3A_8, %sign3A_15 : i32
    %rem3A = arith.remsi %mul3A_2, %jit3A : i32
    %ne3A_16 = arith.constant 0 : i32
    %ne3A_17 = arith.cmpi ne, %rem3A, %ne3A_16 : i32
    %and3A = arith.andi %ne3A, %ne3A_17 : i1
    %sub3A = arith.constant 1 : i32
    %sub3A_18 = arith.subi %div3A, %sub3A : i32
    %select_n3A = arith.select %and3A, %sub3A_18, %div3A : i32
    "tpu.region"() ({
      %run_scoped3A = tpu.sem_alloc : memref<!tpu.dma_semaphore, #tpu.memory_space<semaphore_mem>>
      %dma_start3A_358 = tpu.memref_slice %arg4[%mul3A_2] : memref<4096xi32, #tpu.memory_space<hbm>> -> memref<128xi32, #tpu.memory_space<hbm>>
      %dma_start3A_359 = tpu.memref_slice %arg4[%mul3A_2] : memref<4096xi32, #tpu.memory_space<hbm>> -> memref<128xi32, #tpu.memory_space<hbm>>
      tpu.enqueue_dma source(%dma_start3A_359 : memref<128xi32, #tpu.memory_space<hbm>>) target(%arg7 : memref<128xi32, #tpu.memory_space<vmem>>) target_semaphore(%run_scoped3A : memref<!tpu.dma_semaphore, #tpu.memory_space<semaphore_mem>>)
      %dma_wait3A_360 = tpu.memref_slice %arg4[%mul3A_2] : memref<4096xi32, #tpu.memory_space<hbm>> -> memref<128xi32, #tpu.memory_space<hbm>>
      %dma_wait3A_361 = tpu.memref_slice %arg4[%mul3A_2] : memref<4096xi32, #tpu.memory_space<hbm>> -> memref<128xi32, #tpu.memory_space<hbm>>
      tpu.wait_dma2 semaphore(%run_scoped3A : memref<!tpu.dma_semaphore, #tpu.memory_space<semaphore_mem>>) src(%dma_wait3A_361 : memref<128xi32, #tpu.memory_space<hbm>>) dst(%arg7 : memref<128xi32, #tpu.memory_space<vmem>>)
      tpu.yield
    }) : () -> ()
    %mul3A_19 = arith.constant 512 : i32
    %mul3A_20 = arith.muli %select_n3A, %mul3A_19 : i32
    "tpu.region"() ({
      %run_scoped3A = tpu.sem_alloc : memref<!tpu.dma_semaphore, #tpu.memory_space<semaphore_mem>>
      %dma_start3A_358 = tpu.memref_slice %arg4[%mul3A_20] : memref<4096xi32, #tpu.memory_space<hbm>> -> memref<512xi32, #tpu.memory_space<hbm>>
      %dma_start3A_359 = tpu.memref_slice %arg4[%mul3A_20] : memref<4096xi32, #tpu.memory_space<hbm>> -> memref<512xi32, #tpu.memory_space<hbm>>
      tpu.enqueue_dma source(%dma_start3A_359 : memref<512xi32, #tpu.memory_space<hbm>>) target(%arg8 : memref<512xi32, #tpu.memory_space<vmem>>) target_semaphore(%run_scoped3A : memref<!tpu.dma_semaphore, #tpu.memory_space<semaphore_mem>>)
      %dma_wait3A_360 = tpu.memref_slice %arg4[%mul3A_20] : memref<4096xi32, #tpu.memory_space<hbm>> -> memref<512xi32, #tpu.memory_space<hbm>>
      %dma_wait3A_361 = tpu.memref_slice %arg4[%mul3A_20] : memref<4096xi32, #tpu.memory_space<hbm>> -> memref<512xi32, #tpu.memory_space<hbm>>
      tpu.wait_dma2 semaphore(%run_scoped3A : memref<!tpu.dma_semaphore, #tpu.memory_space<semaphore_mem>>) src(%dma_wait3A_361 : memref<512xi32, #tpu.memory_space<hbm>>) dst(%arg8 : memref<512xi32, #tpu.memory_space<vmem>>)
      tpu.yield
    }) : () -> ()
    %dma_start3A = arith.constant 0 : i32
    %dma_start3A_21 = arith.constant 0 : i32
    %dma_start3A_22 = tpu.memref_slice %arg3[%dma_start3A, %dma_start3A_21] : memref<8192x256xf32, #tpu.memory_space<hbm>> -> memref<8192x256xf32, #tpu.memory_space<hbm>>
    tpu.enqueue_indirect_dma source(%dma_start3A_22 : memref<8192x256xf32, #tpu.memory_space<hbm>>) target(%arg9 : memref<128x256xf32, #tpu.memory_space<vmem>>) offsets(%arg7 : memref<128xi32, #tpu.memory_space<vmem>>) semaphore(%arg13 : memref<!tpu.dma_semaphore, #tpu.memory_space<semaphore_mem>>)
    %get3A = arith.constant 0 : index
    %get3A_23 = tpu.vector_load %arg8[%get3A] {strides = array<i32>} : memref<512xi32, #tpu.memory_space<vmem>>, vector<16xi32>,
    %mul3A_24 = arith.constant 1024 : i32
    %mul3A_25 = arith.muli %select_n3A, %mul3A_24 : i32
    %sub3A_26 = vector.broadcast %mul3A_25 : i32 to vector<16xi32>
    %sub3A_27 = arith.subi %get3A_23, %sub3A_26 : vector<16xi32>
    %swap3A = arith.constant 0 : index
    %swap3A_28 = tpu.vector_load %arg8[%swap3A] {strides = array<i32>} : memref<512xi32, #tpu.memory_space<vmem>>, vector<16xi32>,
    tpu.vector_store %arg8[%swap3A], %sub3A_27 {strides = array<i32>} : memref<512xi32, #tpu.memory_space<vmem>>, vector<16xi32>,
    %get3A_29 = arith.constant 16 : index
    %get3A_30 = tpu.vector_load %arg8[%get3A_29] {strides = array<i32>} : memref<512xi32, #tpu.memory_space<vmem>>, vector<16xi32>,
    %mul3A_31 = arith.constant 1024 : i32
    %mul3A_32 = arith.muli %select_n3A, %mul3A_31 : i32
    %sub3A_33 = vector.broadcast %mul3A_32 : i32 to vector<16xi32>
    %sub3A_34 = arith.subi %get3A_30, %sub3A_33 : vector<16xi32>
    %swap3A_35 = arith.constant 16 : index
    %swap3A_36 = tpu.vector_load %arg8[%swap3A_35] {strides = array<i32>} : memref<512xi32, #tpu.memory_space<vmem>>, vector<16xi32>,
    tpu.vector_store %arg8[%swap3A_35], %sub3A_34 {strides = array<i32>} : memref<512xi32, #tpu.memory_space<vmem>>, vector<16xi32>,
    %get3A_37 = arith.constant 32 : index
    %get3A_38 = tpu.vector_load %arg8[%get3A_37] {strides = array<i32>} : memref<512xi32, #tpu.memory_space<vmem>>, vector<16xi32>,
    %mul3A_39 = arith.constant 1024 : i32
    %mul3A_40 = arith.muli %select_n3A, %mul3A_39 : i32
    %sub3A_41 = vector.broadcast %mul3A_40 : i32 to vector<16xi32>
    %sub3A_42 = arith.subi %get3A_38, %sub3A_41 : vector<16xi32>
    %swap3A_43 = arith.constant 32 : index
    %swap3A_44 = tpu.vector_load %arg8[%swap3A_43] {strides = array<i32>} : memref<512xi32, #tpu.memory_space<vmem>>, vector<16xi32>,
    tpu.vector_store %arg8[%swap3A_43], %sub3A_42 {strides = array<i32>} : memref<512xi32, #tpu.memory_space<vmem>>, vector<16xi32>,
    %get3A_45 = arith.constant 48 : index
    %get3A_46 = tpu.vector_load %arg8[%get3A_45] {strides = array<i32>} : memref<512xi32, #tpu.memory_space<vmem>>, vector<16xi32>,
    %mul3A_47 = arith.constant 1024 : i32
    %mul3A_48 = arith.muli %select_n3A, %mul3A_47 : i32
    %sub3A_49 = vector.broadcast %mul3A_48 : i32 to vector<16xi32>
    %sub3A_50 = arith.subi %get3A_46, %sub3A_49 : vector<16xi32>
    %swap3A_51 = arith.constant 48 : index
    %swap3A_52 = tpu.vector_load %arg8[%swap3A_51] {strides = array<i32>} : memref<512xi32, #tpu.memory_space<vmem>>, vector<16xi32>,
    tpu.vector_store %arg8[%swap3A_51], %sub3A_50 {strides = array<i32>} : memref<512xi32, #tpu.memory_space<vmem>>, vector<16xi32>,
    %get3A_53 = arith.constant 64 : index
    %get3A_54 = tpu.vector_load %arg8[%get3A_53] {strides = array<i32>} : memref<512xi32, #tpu.memory_space<vmem>>, vector<16xi32>,
    %mul3A_55 = arith.constant 1024 : i32
    %mul3A_56 = arith.muli %select_n3A, %mul3A_55 : i32
    %sub3A_57 = vector.broadcast %mul3A_56 : i32 to vector<16xi32>
    %sub3A_58 = arith.subi %get3A_54, %sub3A_57 : vector<16xi32>
    %swap3A_59 = arith.constant 64 : index
    %swap3A_60 = tpu.vector_load %arg8[%swap3A_59] {strides = array<i32>} : memref<512xi32, #tpu.memory_space<vmem>>, vector<16xi32>,
    tpu.vector_store %arg8[%swap3A_59], %sub3A_58 {strides = array<i32>} : memref<512xi32, #tpu.memory_space<vmem>>, vector<16xi32>,
    %get3A_61 = arith.constant 80 : index
    %get3A_62 = tpu.vector_load %arg8[%get3A_61] {strides = array<i32>} : memref<512xi32, #tpu.memory_space<vmem>>, vector<16xi32>,
    %mul3A_63 = arith.constant 1024 : i32
    %mul3A_64 = arith.muli %select_n3A, %mul3A_63 : i32
    %sub3A_65 = vector.broadcast %mul3A_64 : i32 to vector<16xi32>
    %sub3A_66 = arith.subi %get3A_62, %sub3A_65 : vector<16xi32>
    %swap3A_67 = arith.constant 80 : index
    %swap3A_68 = tpu.vector_load %arg8[%swap3A_67] {strides = array<i32>} : memref<512xi32, #tpu.memory_space<vmem>>, vector<16xi32>,
    tpu.vector_store %arg8[%swap3A_67], %sub3A_66 {strides = array<i32>} : memref<512xi32, #tpu.memory_space<vmem>>, vector<16xi32>,
    %get3A_69 = arith.constant 96 : index
    %get3A_70 = tpu.vector_load %arg8[%get3A_69] {strides = array<i32>} : memref<512xi32, #tpu.memory_space<vmem>>, vector<16xi32>,
    %mul3A_71 = arith.constant 1024 : i32
    %mul3A_72 = arith.muli %select_n3A, %mul3A_71 : i32
    %sub3A_73 = vector.broadcast %mul3A_72 : i32 to vector<16xi32>
    %sub3A_74 = arith.subi %get3A_70, %sub3A_73 : vector<16xi32>
    %swap3A_75 = arith.constant 96 : index
    %swap3A_76 = tpu.vector_load %arg8[%swap3A_75] {strides = array<i32>} : memref<512xi32, #tpu.memory_space<vmem>>, vector<16xi32>,
    tpu.vector_store %arg8[%swap3A_75], %sub3A_74 {strides = array<i32>} : memref<512xi32, #tpu.memory_space<vmem>>, vector<16xi32>,
    %get3A_77 = arith.constant 112 : index
    %get3A_78 = tpu.vector_load %arg8[%get3A_77] {strides = array<i32>} : memref<512xi32, #tpu.memory_space<vmem>>, vector<16xi32>,
    %mul3A_79 = arith.constant 1024 : i32
    %mul3A_80 = arith.muli %select_n3A, %mul3A_79 : i32
    %sub3A_81 = vector.broadcast %mul3A_80 : i32 to vector<16xi32>
    %sub3A_82 = arith.subi %get3A_78, %sub3A_81 : vector<16xi32>
    %swap3A_83 = arith.constant 112 : index
    %swap3A_84 = tpu.vector_load %arg8[%swap3A_83] {strides = array<i32>} : memref<512xi32, #tpu.memory_space<vmem>>, vector<16xi32>,
    tpu.vector_store %arg8[%swap3A_83], %sub3A_82 {strides = array<i32>} : memref<512xi32, #tpu.memory_space<vmem>>, vector<16xi32>,
    %get3A_85 = arith.constant 128 : index
    %get3A_86 = tpu.vector_load %arg8[%get3A_85] {strides = array<i32>} : memref<512xi32, #tpu.memory_space<vmem>>, vector<16xi32>,
    %mul3A_87 = arith.constant 1024 : i32
    %mul3A_88 = arith.muli %select_n3A, %mul3A_87 : i32
    %sub3A_89 = vector.broadcast %mul3A_88 : i32 to vector<16xi32>
    %sub3A_90 = arith.subi %get3A_86, %sub3A_89 : vector<16xi32>
    %swap3A_91 = arith.constant 128 : index
    %swap3A_92 = tpu.vector_load %arg8[%swap3A_91] {strides = array<i32>} : memref<512xi32, #tpu.memory_space<vmem>>, vector<16xi32>,
    tpu.vector_store %arg8[%swap3A_91], %sub3A_90 {strides = array<i32>} : memref<512xi32, #tpu.memory_space<vmem>>, vector<16xi32>,
    %get3A_93 = arith.constant 144 : index
    %get3A_94 = tpu.vector_load %arg8[%get3A_93] {strides = array<i32>} : memref<512xi32, #tpu.memory_space<vmem>>, vector<16xi32>,
    %mul3A_95 = arith.constant 1024 : i32
    %mul3A_96 = arith.muli %select_n3A, %mul3A_95 : i32
    %sub3A_97 = vector.broadcast %mul3A_96 : i32 to vector<16xi32>
    %sub3A_98 = arith.subi %get3A_94, %sub3A_97 : vector<16xi32>
    %swap3A_99 = arith.constant 144 : index
    %swap3A_100 = tpu.vector_load %arg8[%swap3A_99] {strides = array<i32>} : memref<512xi32, #tpu.memory_space<vmem>>, vector<16xi32>,
    tpu.vector_store %arg8[%swap3A_99], %sub3A_98 {strides = array<i32>} : memref<512xi32, #tpu.memory_space<vmem>>, vector<16xi32>,
    %get3A_101 = arith.constant 160 : index
    %get3A_102 = tpu.vector_load %arg8[%get3A_101] {strides = array<i32>} : memref<512xi32, #tpu.memory_space<vmem>>, vector<16xi32>,
    %mul3A_103 = arith.constant 1024 : i32
    %mul3A_104 = arith.muli %select_n3A, %mul3A_103 : i32
    %sub3A_105 = vector.broadcast %mul3A_104 : i32 to vector<16xi32>
    %sub3A_106 = arith.subi %get3A_102, %sub3A_105 : vector<16xi32>
    %swap3A_107 = arith.constant 160 : index
    %swap3A_108 = tpu.vector_load %arg8[%swap3A_107] {strides = array<i32>} : memref<512xi32, #tpu.memory_space<vmem>>, vector<16xi32>,
    tpu.vector_store %arg8[%swap3A_107], %sub3A_106 {strides = array<i32>} : memref<512xi32, #tpu.memory_space<vmem>>, vector<16xi32>,
    %get3A_109 = arith.constant 176 : index
    %get3A_110 = tpu.vector_load %arg8[%get3A_109] {strides = array<i32>} : memref<512xi32, #tpu.memory_space<vmem>>, vector<16xi32>,
    %mul3A_111 = arith.constant 1024 : i32
    %mul3A_112 = arith.muli %select_n3A, %mul3A_111 : i32
    %sub3A_113 = vector.broadcast %mul3A_112 : i32 to vector<16xi32>
    %sub3A_114 = arith.subi %get3A_110, %sub3A_113 : vector<16xi32>
    %swap3A_115 = arith.constant 176 : index
    %swap3A_116 = tpu.vector_load %arg8[%swap3A_115] {strides = array<i32>} : memref<512xi32, #tpu.memory_space<vmem>>, vector<16xi32>,
    tpu.vector_store %arg8[%swap3A_115], %sub3A_114 {strides = array<i32>} : memref<512xi32, #tpu.memory_space<vmem>>, vector<16xi32>,
    %get3A_117 = arith.constant 192 : index
    %get3A_118 = tpu.vector_load %arg8[%get3A_117] {strides = array<i32>} : memref<512xi32, #tpu.memory_space<vmem>>, vector<16xi32>,
    %mul3A_119 = arith.constant 1024 : i32
    %mul3A_120 = arith.muli %select_n3A, %mul3A_119 : i32
    %sub3A_121 = vector.broadcast %mul3A_120 : i32 to vector<16xi32>
    %sub3A_122 = arith.subi %get3A_118, %sub3A_121 : vector<16xi32>
    %swap3A_123 = arith.constant 192 : index
    %swap3A_124 = tpu.vector_load %arg8[%swap3A_123] {strides = array<i32>} : memref<512xi32, #tpu.memory_space<vmem>>, vector<16xi32>,
    tpu.vector_store %arg8[%swap3A_123], %sub3A_122 {strides = array<i32>} : memref<512xi32, #tpu.memory_space<vmem>>, vector<16xi32>,
    %get3A_125 = arith.constant 208 : index
    %get3A_126 = tpu.vector_load %arg8[%get3A_125] {strides = array<i32>} : memref<512xi32, #tpu.memory_space<vmem>>, vector<16xi32>,
    %mul3A_127 = arith.constant 1024 : i32
    %mul3A_128 = arith.muli %select_n3A, %mul3A_127 : i32
    %sub3A_129 = vector.broadcast %mul3A_128 : i32 to vector<16xi32>
    %sub3A_130 = arith.subi %get3A_126, %sub3A_129 : vector<16xi32>
    %swap3A_131 = arith.constant 208 : index
    %swap3A_132 = tpu.vector_load %arg8[%swap3A_131] {strides = array<i32>} : memref<512xi32, #tpu.memory_space<vmem>>, vector<16xi32>,
    tpu.vector_store %arg8[%swap3A_131], %sub3A_130 {strides = array<i32>} : memref<512xi32, #tpu.memory_space<vmem>>, vector<16xi32>,
    %get3A_133 = arith.constant 224 : index
    %get3A_134 = tpu.vector_load %arg8[%get3A_133] {strides = array<i32>} : memref<512xi32, #tpu.memory_space<vmem>>, vector<16xi32>,
    %mul3A_135 = arith.constant 1024 : i32
    %mul3A_136 = arith.muli %select_n3A, %mul3A_135 : i32
    %sub3A_137 = vector.broadcast %mul3A_136 : i32 to vector<16xi32>
    %sub3A_138 = arith.subi %get3A_134, %sub3A_137 : vector<16xi32>
    %swap3A_139 = arith.constant 224 : index
    %swap3A_140 = tpu.vector_load %arg8[%swap3A_139] {strides = array<i32>} : memref<512xi32, #tpu.memory_space<vmem>>, vector<16xi32>,
    tpu.vector_store %arg8[%swap3A_139], %sub3A_138 {strides = array<i32>} : memref<512xi32, #tpu.memory_space<vmem>>, vector<16xi32>,
    %get3A_141 = arith.constant 240 : index
    %get3A_142 = tpu.vector_load %arg8[%get3A_141] {strides = array<i32>} : memref<512xi32, #tpu.memory_space<vmem>>, vector<16xi32>,
    %mul3A_143 = arith.constant 1024 : i32
    %mul3A_144 = arith.muli %select_n3A, %mul3A_143 : i32
    %sub3A_145 = vector.broadcast %mul3A_144 : i32 to vector<16xi32>
    %sub3A_146 = arith.subi %get3A_142, %sub3A_145 : vector<16xi32>
    %swap3A_147 = arith.constant 240 : index
    %swap3A_148 = tpu.vector_load %arg8[%swap3A_147] {strides = array<i32>} : memref<512xi32, #tpu.memory_space<vmem>>, vector<16xi32>,
    tpu.vector_store %arg8[%swap3A_147], %sub3A_146 {strides = array<i32>} : memref<512xi32, #tpu.memory_space<vmem>>, vector<16xi32>,
    %get3A_149 = arith.constant 256 : index
    %get3A_150 = tpu.vector_load %arg8[%get3A_149] {strides = array<i32>} : memref<512xi32, #tpu.memory_space<vmem>>, vector<16xi32>,
    %mul3A_151 = arith.constant 1024 : i32
    %mul3A_152 = arith.muli %select_n3A, %mul3A_151 : i32
    %sub3A_153 = vector.broadcast %mul3A_152 : i32 to vector<16xi32>
    %sub3A_154 = arith.subi %get3A_150, %sub3A_153 : vector<16xi32>
    %swap3A_155 = arith.constant 256 : index
    %swap3A_156 = tpu.vector_load %arg8[%swap3A_155] {strides = array<i32>} : memref<512xi32, #tpu.memory_space<vmem>>, vector<16xi32>,
    tpu.vector_store %arg8[%swap3A_155], %sub3A_154 {strides = array<i32>} : memref<512xi32, #tpu.memory_space<vmem>>, vector<16xi32>,
    %get3A_157 = arith.constant 272 : index
    %get3A_158 = tpu.vector_load %arg8[%get3A_157] {strides = array<i32>} : memref<512xi32, #tpu.memory_space<vmem>>, vector<16xi32>,
    %mul3A_159 = arith.constant 1024 : i32
    %mul3A_160 = arith.muli %select_n3A, %mul3A_159 : i32
    %sub3A_161 = vector.broadcast %mul3A_160 : i32 to vector<16xi32>
    %sub3A_162 = arith.subi %get3A_158, %sub3A_161 : vector<16xi32>
    %swap3A_163 = arith.constant 272 : index
    %swap3A_164 = tpu.vector_load %arg8[%swap3A_163] {strides = array<i32>} : memref<512xi32, #tpu.memory_space<vmem>>, vector<16xi32>,
    tpu.vector_store %arg8[%swap3A_163], %sub3A_162 {strides = array<i32>} : memref<512xi32, #tpu.memory_space<vmem>>, vector<16xi32>,
    %get3A_165 = arith.constant 288 : index
    %get3A_166 = tpu.vector_load %arg8[%get3A_165] {strides = array<i32>} : memref<512xi32, #tpu.memory_space<vmem>>, vector<16xi32>,
    %mul3A_167 = arith.constant 1024 : i32
    %mul3A_168 = arith.muli %select_n3A, %mul3A_167 : i32
    %sub3A_169 = vector.broadcast %mul3A_168 : i32 to vector<16xi32>
    %sub3A_170 = arith.subi %get3A_166, %sub3A_169 : vector<16xi32>
    %swap3A_171 = arith.constant 288 : index
    %swap3A_172 = tpu.vector_load %arg8[%swap3A_171] {strides = array<i32>} : memref<512xi32, #tpu.memory_space<vmem>>, vector<16xi32>,
    tpu.vector_store %arg8[%swap3A_171], %sub3A_170 {strides = array<i32>} : memref<512xi32, #tpu.memory_space<vmem>>, vector<16xi32>,
    %get3A_173 = arith.constant 304 : index
    %get3A_174 = tpu.vector_load %arg8[%get3A_173] {strides = array<i32>} : memref<512xi32, #tpu.memory_space<vmem>>, vector<16xi32>,
    %mul3A_175 = arith.constant 1024 : i32
    %mul3A_176 = arith.muli %select_n3A, %mul3A_175 : i32
    %sub3A_177 = vector.broadcast %mul3A_176 : i32 to vector<16xi32>
    %sub3A_178 = arith.subi %get3A_174, %sub3A_177 : vector<16xi32>
    %swap3A_179 = arith.constant 304 : index
    %swap3A_180 = tpu.vector_load %arg8[%swap3A_179] {strides = array<i32>} : memref<512xi32, #tpu.memory_space<vmem>>, vector<16xi32>,
    tpu.vector_store %arg8[%swap3A_179], %sub3A_178 {strides = array<i32>} : memref<512xi32, #tpu.memory_space<vmem>>, vector<16xi32>,
    %get3A_181 = arith.constant 320 : index
    %get3A_182 = tpu.vector_load %arg8[%get3A_181] {strides = array<i32>} : memref<512xi32, #tpu.memory_space<vmem>>, vector<16xi32>,
    %mul3A_183 = arith.constant 1024 : i32
    %mul3A_184 = arith.muli %select_n3A, %mul3A_183 : i32
    %sub3A_185 = vector.broadcast %mul3A_184 : i32 to vector<16xi32>
    %sub3A_186 = arith.subi %get3A_182, %sub3A_185 : vector<16xi32>
    %swap3A_187 = arith.constant 320 : index
    %swap3A_188 = tpu.vector_load %arg8[%swap3A_187] {strides = array<i32>} : memref<512xi32, #tpu.memory_space<vmem>>, vector<16xi32>,
    tpu.vector_store %arg8[%swap3A_187], %sub3A_186 {strides = array<i32>} : memref<512xi32, #tpu.memory_space<vmem>>, vector<16xi32>,
    %get3A_189 = arith.constant 336 : index
    %get3A_190 = tpu.vector_load %arg8[%get3A_189] {strides = array<i32>} : memref<512xi32, #tpu.memory_space<vmem>>, vector<16xi32>,
    %mul3A_191 = arith.constant 1024 : i32
    %mul3A_192 = arith.muli %select_n3A, %mul3A_191 : i32
    %sub3A_193 = vector.broadcast %mul3A_192 : i32 to vector<16xi32>
    %sub3A_194 = arith.subi %get3A_190, %sub3A_193 : vector<16xi32>
    %swap3A_195 = arith.constant 336 : index
    %swap3A_196 = tpu.vector_load %arg8[%swap3A_195] {strides = array<i32>} : memref<512xi32, #tpu.memory_space<vmem>>, vector<16xi32>,
    tpu.vector_store %arg8[%swap3A_195], %sub3A_194 {strides = array<i32>} : memref<512xi32, #tpu.memory_space<vmem>>, vector<16xi32>,
    %get3A_197 = arith.constant 352 : index
    %get3A_198 = tpu.vector_load %arg8[%get3A_197] {strides = array<i32>} : memref<512xi32, #tpu.memory_space<vmem>>, vector<16xi32>,
    %mul3A_199 = arith.constant 1024 : i32
    %mul3A_200 = arith.muli %select_n3A, %mul3A_199 : i32
    %sub3A_201 = vector.broadcast %mul3A_200 : i32 to vector<16xi32>
    %sub3A_202 = arith.subi %get3A_198, %sub3A_201 : vector<16xi32>
    %swap3A_203 = arith.constant 352 : index
    %swap3A_204 = tpu.vector_load %arg8[%swap3A_203] {strides = array<i32>} : memref<512xi32, #tpu.memory_space<vmem>>, vector<16xi32>,
    tpu.vector_store %arg8[%swap3A_203], %sub3A_202 {strides = array<i32>} : memref<512xi32, #tpu.memory_space<vmem>>, vector<16xi32>,
    %get3A_205 = arith.constant 368 : index
    %get3A_206 = tpu.vector_load %arg8[%get3A_205] {strides = array<i32>} : memref<512xi32, #tpu.memory_space<vmem>>, vector<16xi32>,
    %mul3A_207 = arith.constant 1024 : i32
    %mul3A_208 = arith.muli %select_n3A, %mul3A_207 : i32
    %sub3A_209 = vector.broadcast %mul3A_208 : i32 to vector<16xi32>
    %sub3A_210 = arith.subi %get3A_206, %sub3A_209 : vector<16xi32>
    %swap3A_211 = arith.constant 368 : index
    %swap3A_212 = tpu.vector_load %arg8[%swap3A_211] {strides = array<i32>} : memref<512xi32, #tpu.memory_space<vmem>>, vector<16xi32>,
    tpu.vector_store %arg8[%swap3A_211], %sub3A_210 {strides = array<i32>} : memref<512xi32, #tpu.memory_space<vmem>>, vector<16xi32>,
    %get3A_213 = arith.constant 384 : index
    %get3A_214 = tpu.vector_load %arg8[%get3A_213] {strides = array<i32>} : memref<512xi32, #tpu.memory_space<vmem>>, vector<16xi32>,
    %mul3A_215 = arith.constant 1024 : i32
    %mul3A_216 = arith.muli %select_n3A, %mul3A_215 : i32
    %sub3A_217 = vector.broadcast %mul3A_216 : i32 to vector<16xi32>
    %sub3A_218 = arith.subi %get3A_214, %sub3A_217 : vector<16xi32>
    %swap3A_219 = arith.constant 384 : index
    %swap3A_220 = tpu.vector_load %arg8[%swap3A_219] {strides = array<i32>} : memref<512xi32, #tpu.memory_space<vmem>>, vector<16xi32>,
    tpu.vector_store %arg8[%swap3A_219], %sub3A_218 {strides = array<i32>} : memref<512xi32, #tpu.memory_space<vmem>>, vector<16xi32>,
    %get3A_221 = arith.constant 400 : index
    %get3A_222 = tpu.vector_load %arg8[%get3A_221] {strides = array<i32>} : memref<512xi32, #tpu.memory_space<vmem>>, vector<16xi32>,
    %mul3A_223 = arith.constant 1024 : i32
    %mul3A_224 = arith.muli %select_n3A, %mul3A_223 : i32
    %sub3A_225 = vector.broadcast %mul3A_224 : i32 to vector<16xi32>
    %sub3A_226 = arith.subi %get3A_222, %sub3A_225 : vector<16xi32>
    %swap3A_227 = arith.constant 400 : index
    %swap3A_228 = tpu.vector_load %arg8[%swap3A_227] {strides = array<i32>} : memref<512xi32, #tpu.memory_space<vmem>>, vector<16xi32>,
    tpu.vector_store %arg8[%swap3A_227], %sub3A_226 {strides = array<i32>} : memref<512xi32, #tpu.memory_space<vmem>>, vector<16xi32>,
    %get3A_229 = arith.constant 416 : index
    %get3A_230 = tpu.vector_load %arg8[%get3A_229] {strides = array<i32>} : memref<512xi32, #tpu.memory_space<vmem>>, vector<16xi32>,
    %mul3A_231 = arith.constant 1024 : i32
    %mul3A_232 = arith.muli %select_n3A, %mul3A_231 : i32
    %sub3A_233 = vector.broadcast %mul3A_232 : i32 to vector<16xi32>
    %sub3A_234 = arith.subi %get3A_230, %sub3A_233 : vector<16xi32>
    %swap3A_235 = arith.constant 416 : index
    %swap3A_236 = tpu.vector_load %arg8[%swap3A_235] {strides = array<i32>} : memref<512xi32, #tpu.memory_space<vmem>>, vector<16xi32>,
    tpu.vector_store %arg8[%swap3A_235], %sub3A_234 {strides = array<i32>} : memref<512xi32, #tpu.memory_space<vmem>>, vector<16xi32>,
    %get3A_237 = arith.constant 432 : index
    %get3A_238 = tpu.vector_load %arg8[%get3A_237] {strides = array<i32>} : memref<512xi32, #tpu.memory_space<vmem>>, vector<16xi32>,
    %mul3A_239 = arith.constant 1024 : i32
    %mul3A_240 = arith.muli %select_n3A, %mul3A_239 : i32
    %sub3A_241 = vector.broadcast %mul3A_240 : i32 to vector<16xi32>
    %sub3A_242 = arith.subi %get3A_238, %sub3A_241 : vector<16xi32>
    %swap3A_243 = arith.constant 432 : index
    %swap3A_244 = tpu.vector_load %arg8[%swap3A_243] {strides = array<i32>} : memref<512xi32, #tpu.memory_space<vmem>>, vector<16xi32>,
    tpu.vector_store %arg8[%swap3A_243], %sub3A_242 {strides = array<i32>} : memref<512xi32, #tpu.memory_space<vmem>>, vector<16xi32>,
    %get3A_245 = arith.constant 448 : index
    %get3A_246 = tpu.vector_load %arg8[%get3A_245] {strides = array<i32>} : memref<512xi32, #tpu.memory_space<vmem>>, vector<16xi32>,
    %mul3A_247 = arith.constant 1024 : i32
    %mul3A_248 = arith.muli %select_n3A, %mul3A_247 : i32
    %sub3A_249 = vector.broadcast %mul3A_248 : i32 to vector<16xi32>
    %sub3A_250 = arith.subi %get3A_246, %sub3A_249 : vector<16xi32>
    %swap3A_251 = arith.constant 448 : index
    %swap3A_252 = tpu.vector_load %arg8[%swap3A_251] {strides = array<i32>} : memref<512xi32, #tpu.memory_space<vmem>>, vector<16xi32>,
    tpu.vector_store %arg8[%swap3A_251], %sub3A_250 {strides = array<i32>} : memref<512xi32, #tpu.memory_space<vmem>>, vector<16xi32>,
    %get3A_253 = arith.constant 464 : index
    %get3A_254 = tpu.vector_load %arg8[%get3A_253] {strides = array<i32>} : memref<512xi32, #tpu.memory_space<vmem>>, vector<16xi32>,
    %mul3A_255 = arith.constant 1024 : i32
    %mul3A_256 = arith.muli %select_n3A, %mul3A_255 : i32
    %sub3A_257 = vector.broadcast %mul3A_256 : i32 to vector<16xi32>
    %sub3A_258 = arith.subi %get3A_254, %sub3A_257 : vector<16xi32>
    %swap3A_259 = arith.constant 464 : index
    %swap3A_260 = tpu.vector_load %arg8[%swap3A_259] {strides = array<i32>} : memref<512xi32, #tpu.memory_space<vmem>>, vector<16xi32>,
    tpu.vector_store %arg8[%swap3A_259], %sub3A_258 {strides = array<i32>} : memref<512xi32, #tpu.memory_space<vmem>>, vector<16xi32>,
    %get3A_261 = arith.constant 480 : index
    %get3A_262 = tpu.vector_load %arg8[%get3A_261] {strides = array<i32>} : memref<512xi32, #tpu.memory_space<vmem>>, vector<16xi32>,
    %mul3A_263 = arith.constant 1024 : i32
    %mul3A_264 = arith.muli %select_n3A, %mul3A_263 : i32
    %sub3A_265 = vector.broadcast %mul3A_264 : i32 to vector<16xi32>
    %sub3A_266 = arith.subi %get3A_262, %sub3A_265 : vector<16xi32>
    %swap3A_267 = arith.constant 480 : index
    %swap3A_268 = tpu.vector_load %arg8[%swap3A_267] {strides = array<i32>} : memref<512xi32, #tpu.memory_space<vmem>>, vector<16xi32>,
    tpu.vector_store %arg8[%swap3A_267], %sub3A_266 {strides = array<i32>} : memref<512xi32, #tpu.memory_space<vmem>>, vector<16xi32>,
    %get3A_269 = arith.constant 496 : index
    %get3A_270 = tpu.vector_load %arg8[%get3A_269] {strides = array<i32>} : memref<512xi32, #tpu.memory_space<vmem>>, vector<16xi32>,
    %mul3A_271 = arith.constant 1024 : i32
    %mul3A_272 = arith.muli %select_n3A, %mul3A_271 : i32
    %sub3A_273 = vector.broadcast %mul3A_272 : i32 to vector<16xi32>
    %sub3A_274 = arith.subi %get3A_270, %sub3A_273 : vector<16xi32>
    %swap3A_275 = arith.constant 496 : index
    %swap3A_276 = tpu.vector_load %arg8[%swap3A_275] {strides = array<i32>} : memref<512xi32, #tpu.memory_space<vmem>>, vector<16xi32>,
    tpu.vector_store %arg8[%swap3A_275], %sub3A_274 {strides = array<i32>} : memref<512xi32, #tpu.memory_space<vmem>>, vector<16xi32>,
    %dma_start3A_277 = arith.constant 0 : i32
    %dma_start3A_278 = tpu.memref_slice %arg7[%dma_start3A_277] : memref<128xi32, #tpu.memory_space<vmem>> -> memref<32xi32, #tpu.memory_space<vmem>>
    %dma_start3A_279 = arith.constant 0 : i32
    %dma_start3A_280 = arith.constant 0 : i32
    %dma_start3A_281 = tpu.memref_slice %arg2[%dma_start3A_279, %dma_start3A_280] : memref<8192x1024xf32, #tpu.memory_space<hbm>> -> memref<8192x1024xf32, #tpu.memory_space<hbm>>
    tpu.enqueue_indirect_dma source(%dma_start3A_281 : memref<8192x1024xf32, #tpu.memory_space<hbm>>) target(%arg10 : memref<32x1024xf32, #tpu.memory_space<vmem>>) offsets(%dma_start3A_278 : memref<32xi32, #tpu.memory_space<vmem>>) semaphore(%arg14 : memref<!tpu.dma_semaphore, #tpu.memory_space<semaphore_mem>>)
    %dma_start3A_282 = arith.constant 32 : i32
    %dma_start3A_283 = tpu.memref_slice %arg7[%dma_start3A_282] : memref<128xi32, #tpu.memory_space<vmem>> -> memref<32xi32, #tpu.memory_space<vmem>>
    %dma_start3A_284 = arith.constant 0 : i32
    %dma_start3A_285 = arith.constant 0 : i32
    %dma_start3A_286 = tpu.memref_slice %arg2[%dma_start3A_284, %dma_start3A_285] : memref<8192x1024xf32, #tpu.memory_space<hbm>> -> memref<8192x1024xf32, #tpu.memory_space<hbm>>
    tpu.enqueue_indirect_dma source(%dma_start3A_286 : memref<8192x1024xf32, #tpu.memory_space<hbm>>) target(%arg11 : memref<32x1024xf32, #tpu.memory_space<vmem>>) offsets(%dma_start3A_283 : memref<32xi32, #tpu.memory_space<vmem>>) semaphore(%arg14 : memref<!tpu.dma_semaphore, #tpu.memory_space<semaphore_mem>>)
    %dma_wait3A = arith.constant 0 : i32
    %dma_wait3A_287 = tpu.memref_slice %arg7[%dma_wait3A] : memref<128xi32, #tpu.memory_space<vmem>> -> memref<32xi32, #tpu.memory_space<vmem>>
    %dma_wait3A_288 = arith.constant 0 : i32
    %dma_wait3A_289 = arith.constant 0 : i32
    %dma_wait3A_290 = tpu.memref_slice %arg2[%dma_wait3A_288, %dma_wait3A_289] : memref<8192x1024xf32, #tpu.memory_space<hbm>> -> memref<8192x1024xf32, #tpu.memory_space<hbm>>
    tpu.wait_indirect_dma semaphore(%arg14 : memref<!tpu.dma_semaphore, #tpu.memory_space<semaphore_mem>>) src(%dma_wait3A_290 : memref<8192x1024xf32, #tpu.memory_space<hbm>>) dst(%arg10 : memref<32x1024xf32, #tpu.memory_space<vmem>>)
    %scan3A = arith.constant 0 : i32
    %scan3A_291 = arith.constant 0 : i32
    %scan3A_292 = arith.constant 32 : i32
    %scan3A_293 = arith.addi %scan3A_291, %scan3A_292 : i32
    %scan3A_294 = arith.constant 1 : i32
    scf.for %scan3A_358 = %scan3A_291 to %scan3A_293 step %scan3A_294  : i32 {
      %mul3A_359 = arith.constant 512 : i32
      %mul3A_360 = arith.muli %scan3A_358, %mul3A_359 : i32
      %broadcast_in_dim3A = vector.broadcast %scan3A_358 : i32 to vector<16xi32>
      %get3A_361 = arith.constant 0 : index
      %get3A_362 = tpu.vector_load %arg8[%get3A_361] {strides = array<i32>} : memref<512xi32, #tpu.memory_space<vmem>>, vector<16xi32>,
      %gather3A = tpu.vector_load_idx %arg10[%broadcast_in_dim3A, %get3A_362] : memref<32x1024xf32, #tpu.memory_space<vmem>>[vector<16xi32>, vector<16xi32>], vector<16xf32>,
      %add3A_363 = arith.constant 0 : i32
      %add3A_364 = arith.addi %mul3A_360, %add3A_363 : i32
      %swap3A_365 = arith.index_cast %add3A_364 : i32 to index
      %swap3A_366 = tpu.vector_load %arg12[%swap3A_365] {strides = array<i32>} : memref<16384xf32, #tpu.memory_space<vmem>>, vector<16xf32>,
      tpu.vector_store %arg12[%swap3A_365], %gather3A {strides = array<i32>} : memref<16384xf32, #tpu.memory_space<vmem>>, vector<16xf32>,
      %get3A_367 = arith.constant 16 : index
      %get3A_368 = tpu.vector_load %arg8[%get3A_367] {strides = array<i32>} : memref<512xi32, #tpu.memory_space<vmem>>, vector<16xi32>,
      %gather3A_369 = tpu.vector_load_idx %arg10[%broadcast_in_dim3A, %get3A_368] : memref<32x1024xf32, #tpu.memory_space<vmem>>[vector<16xi32>, vector<16xi32>], vector<16xf32>,
      %add3A_370 = arith.constant 16 : i32
      %add3A_371 = arith.addi %mul3A_360, %add3A_370 : i32
      %swap3A_372 = arith.index_cast %add3A_371 : i32 to index
      %swap3A_373 = tpu.vector_load %arg12[%swap3A_372] {strides = array<i32>} : memref<16384xf32, #tpu.memory_space<vmem>>, vector<16xf32>,
      tpu.vector_store %arg12[%swap3A_372], %gather3A_369 {strides = array<i32>} : memref<16384xf32, #tpu.memory_space<vmem>>, vector<16xf32>,
      %get3A_374 = arith.constant 32 : index
      %get3A_375 = tpu.vector_load %arg8[%get3A_374] {strides = array<i32>} : memref<512xi32, #tpu.memory_space<vmem>>, vector<16xi32>,
      %gather3A_376 = tpu.vector_load_idx %arg10[%broadcast_in_dim3A, %get3A_375] : memref<32x1024xf32, #tpu.memory_space<vmem>>[vector<16xi32>, vector<16xi32>], vector<16xf32>,
      %add3A_377 = arith.constant 32 : i32
      %add3A_378 = arith.addi %mul3A_360, %add3A_377 : i32
      %swap3A_379 = arith.index_cast %add3A_378 : i32 to index
      %swap3A_380 = tpu.vector_load %arg12[%swap3A_379] {strides = array<i32>} : memref<16384xf32, #tpu.memory_space<vmem>>, vector<16xf32>,
      tpu.vector_store %arg12[%swap3A_379], %gather3A_376 {strides = array<i32>} : memref<16384xf32, #tpu.memory_space<vmem>>, vector<16xf32>,
      %get3A_381 = arith.constant 48 : index
      %get3A_382 = tpu.vector_load %arg8[%get3A_381] {strides = array<i32>} : memref<512xi32, #tpu.memory_space<vmem>>, vector<16xi32>,
      %gather3A_383 = tpu.vector_load_idx %arg10[%broadcast_in_dim3A, %get3A_382] : memref<32x1024xf32, #tpu.memory_space<vmem>>[vector<16xi32>, vector<16xi32>], vector<16xf32>,
      %add3A_384 = arith.constant 48 : i32
      %add3A_385 = arith.addi %mul3A_360, %add3A_384 : i32
      %swap3A_386 = arith.index_cast %add3A_385 : i32 to index
      %swap3A_387 = tpu.vector_load %arg12[%swap3A_386] {strides = array<i32>} : memref<16384xf32, #tpu.memory_space<vmem>>, vector<16xf32>,
      tpu.vector_store %arg12[%swap3A_386], %gather3A_383 {strides = array<i32>} : memref<16384xf32, #tpu.memory_space<vmem>>, vector<16xf32>,
      %get3A_388 = arith.constant 64 : index
      %get3A_389 = tpu.vector_load %arg8[%get3A_388] {strides = array<i32>} : memref<512xi32, #tpu.memory_space<vmem>>, vector<16xi32>,
      %gather3A_390 = tpu.vector_load_idx %arg10[%broadcast_in_dim3A, %get3A_389] : memref<32x1024xf32, #tpu.memory_space<vmem>>[vector<16xi32>, vector<16xi32>], vector<16xf32>,
      %add3A_391 = arith.constant 64 : i32
      %add3A_392 = arith.addi %mul3A_360, %add3A_391 : i32
      %swap3A_393 = arith.index_cast %add3A_392 : i32 to index
      %swap3A_394 = tpu.vector_load %arg12[%swap3A_393] {strides = array<i32>} : memref<16384xf32, #tpu.memory_space<vmem>>, vector<16xf32>,
      tpu.vector_store %arg12[%swap3A_393], %gather3A_390 {strides = array<i32>} : memref<16384xf32, #tpu.memory_space<vmem>>, vector<16xf32>,
      %get3A_395 = arith.constant 80 : index
      %get3A_396 = tpu.vector_load %arg8[%get3A_395] {strides = array<i32>} : memref<512xi32, #tpu.memory_space<vmem>>, vector<16xi32>,
      %gather3A_397 = tpu.vector_load_idx %arg10[%broadcast_in_dim3A, %get3A_396] : memref<32x1024xf32, #tpu.memory_space<vmem>>[vector<16xi32>, vector<16xi32>], vector<16xf32>,
      %add3A_398 = arith.constant 80 : i32
      %add3A_399 = arith.addi %mul3A_360, %add3A_398 : i32
      %swap3A_400 = arith.index_cast %add3A_399 : i32 to index
      %swap3A_401 = tpu.vector_load %arg12[%swap3A_400] {strides = array<i32>} : memref<16384xf32, #tpu.memory_space<vmem>>, vector<16xf32>,
      tpu.vector_store %arg12[%swap3A_400], %gather3A_397 {strides = array<i32>} : memref<16384xf32, #tpu.memory_space<vmem>>, vector<16xf32>,
      %get3A_402 = arith.constant 96 : index
      %get3A_403 = tpu.vector_load %arg8[%get3A_402] {strides = array<i32>} : memref<512xi32, #tpu.memory_space<vmem>>, vector<16xi32>,
      %gather3A_404 = tpu.vector_load_idx %arg10[%broadcast_in_dim3A, %get3A_403] : memref<32x1024xf32, #tpu.memory_space<vmem>>[vector<16xi32>, vector<16xi32>], vector<16xf32>,
      %add3A_405 = arith.constant 96 : i32
      %add3A_406 = arith.addi %mul3A_360, %add3A_405 : i32
      %swap3A_407 = arith.index_cast %add3A_406 : i32 to index
      %swap3A_408 = tpu.vector_load %arg12[%swap3A_407] {strides = array<i32>} : memref<16384xf32, #tpu.memory_space<vmem>>, vector<16xf32>,
      tpu.vector_store %arg12[%swap3A_407], %gather3A_404 {strides = array<i32>} : memref<16384xf32, #tpu.memory_space<vmem>>, vector<16xf32>,
      %get3A_409 = arith.constant 112 : index
      %get3A_410 = tpu.vector_load %arg8[%get3A_409] {strides = array<i32>} : memref<512xi32, #tpu.memory_space<vmem>>, vector<16xi32>,
      %gather3A_411 = tpu.vector_load_idx %arg10[%broadcast_in_dim3A, %get3A_410] : memref<32x1024xf32, #tpu.memory_space<vmem>>[vector<16xi32>, vector<16xi32>], vector<16xf32>,
      %add3A_412 = arith.constant 112 : i32
      %add3A_413 = arith.addi %mul3A_360, %add3A_412 : i32
      %swap3A_414 = arith.index_cast %add3A_413 : i32 to index
      %swap3A_415 = tpu.vector_load %arg12[%swap3A_414] {strides = array<i32>} : memref<16384xf32, #tpu.memory_space<vmem>>, vector<16xf32>,
      tpu.vector_store %arg12[%swap3A_414], %gather3A_411 {strides = array<i32>} : memref<16384xf32, #tpu.memory_space<vmem>>, vector<16xf32>,
      %get3A_416 = arith.constant 128 : index
      %get3A_417 = tpu.vector_load %arg8[%get3A_416] {strides = array<i32>} : memref<512xi32, #tpu.memory_space<vmem>>, vector<16xi32>,
      %gather3A_418 = tpu.vector_load_idx %arg10[%broadcast_in_dim3A, %get3A_417] : memref<32x1024xf32, #tpu.memory_space<vmem>>[vector<16xi32>, vector<16xi32>], vector<16xf32>,
      %add3A_419 = arith.constant 128 : i32
      %add3A_420 = arith.addi %mul3A_360, %add3A_419 : i32
      %swap3A_421 = arith.index_cast %add3A_420 : i32 to index
      %swap3A_422 = tpu.vector_load %arg12[%swap3A_421] {strides = array<i32>} : memref<16384xf32, #tpu.memory_space<vmem>>, vector<16xf32>,
      tpu.vector_store %arg12[%swap3A_421], %gather3A_418 {strides = array<i32>} : memref<16384xf32, #tpu.memory_space<vmem>>, vector<16xf32>,
      %get3A_423 = arith.constant 144 : index
      %get3A_424 = tpu.vector_load %arg8[%get3A_423] {strides = array<i32>} : memref<512xi32, #tpu.memory_space<vmem>>, vector<16xi32>,
      %gather3A_425 = tpu.vector_load_idx %arg10[%broadcast_in_dim3A, %get3A_424] : memref<32x1024xf32, #tpu.memory_space<vmem>>[vector<16xi32>, vector<16xi32>], vector<16xf32>,
      %add3A_426 = arith.constant 144 : i32
      %add3A_427 = arith.addi %mul3A_360, %add3A_426 : i32
      %swap3A_428 = arith.index_cast %add3A_427 : i32 to index
      %swap3A_429 = tpu.vector_load %arg12[%swap3A_428] {strides = array<i32>} : memref<16384xf32, #tpu.memory_space<vmem>>, vector<16xf32>,
      tpu.vector_store %arg12[%swap3A_428], %gather3A_425 {strides = array<i32>} : memref<16384xf32, #tpu.memory_space<vmem>>, vector<16xf32>,
      %get3A_430 = arith.constant 160 : index
      %get3A_431 = tpu.vector_load %arg8[%get3A_430] {strides = array<i32>} : memref<512xi32, #tpu.memory_space<vmem>>, vector<16xi32>,
      %gather3A_432 = tpu.vector_load_idx %arg10[%broadcast_in_dim3A, %get3A_431] : memref<32x1024xf32, #tpu.memory_space<vmem>>[vector<16xi32>, vector<16xi32>], vector<16xf32>,
      %add3A_433 = arith.constant 160 : i32
      %add3A_434 = arith.addi %mul3A_360, %add3A_433 : i32
      %swap3A_435 = arith.index_cast %add3A_434 : i32 to index
      %swap3A_436 = tpu.vector_load %arg12[%swap3A_435] {strides = array<i32>} : memref<16384xf32, #tpu.memory_space<vmem>>, vector<16xf32>,
      tpu.vector_store %arg12[%swap3A_435], %gather3A_432 {strides = array<i32>} : memref<16384xf32, #tpu.memory_space<vmem>>, vector<16xf32>,
      %get3A_437 = arith.constant 176 : index
      %get3A_438 = tpu.vector_load %arg8[%get3A_437] {strides = array<i32>} : memref<512xi32, #tpu.memory_space<vmem>>, vector<16xi32>,
      %gather3A_439 = tpu.vector_load_idx %arg10[%broadcast_in_dim3A, %get3A_438] : memref<32x1024xf32, #tpu.memory_space<vmem>>[vector<16xi32>, vector<16xi32>], vector<16xf32>,
      %add3A_440 = arith.constant 176 : i32
      %add3A_441 = arith.addi %mul3A_360, %add3A_440 : i32
      %swap3A_442 = arith.index_cast %add3A_441 : i32 to index
      %swap3A_443 = tpu.vector_load %arg12[%swap3A_442] {strides = array<i32>} : memref<16384xf32, #tpu.memory_space<vmem>>, vector<16xf32>,
      tpu.vector_store %arg12[%swap3A_442], %gather3A_439 {strides = array<i32>} : memref<16384xf32, #tpu.memory_space<vmem>>, vector<16xf32>,
      %get3A_444 = arith.constant 192 : index
      %get3A_445 = tpu.vector_load %arg8[%get3A_444] {strides = array<i32>} : memref<512xi32, #tpu.memory_space<vmem>>, vector<16xi32>,
      %gather3A_446 = tpu.vector_load_idx %arg10[%broadcast_in_dim3A, %get3A_445] : memref<32x1024xf32, #tpu.memory_space<vmem>>[vector<16xi32>, vector<16xi32>], vector<16xf32>,
      %add3A_447 = arith.constant 192 : i32
      %add3A_448 = arith.addi %mul3A_360, %add3A_447 : i32
      %swap3A_449 = arith.index_cast %add3A_448 : i32 to index
      %swap3A_450 = tpu.vector_load %arg12[%swap3A_449] {strides = array<i32>} : memref<16384xf32, #tpu.memory_space<vmem>>, vector<16xf32>,
      tpu.vector_store %arg12[%swap3A_449], %gather3A_446 {strides = array<i32>} : memref<16384xf32, #tpu.memory_space<vmem>>, vector<16xf32>,
      %get3A_451 = arith.constant 208 : index
      %get3A_452 = tpu.vector_load %arg8[%get3A_451] {strides = array<i32>} : memref<512xi32, #tpu.memory_space<vmem>>, vector<16xi32>,
      %gather3A_453 = tpu.vector_load_idx %arg10[%broadcast_in_dim3A, %get3A_452] : memref<32x1024xf32, #tpu.memory_space<vmem>>[vector<16xi32>, vector<16xi32>], vector<16xf32>,
      %add3A_454 = arith.constant 208 : i32
      %add3A_455 = arith.addi %mul3A_360, %add3A_454 : i32
      %swap3A_456 = arith.index_cast %add3A_455 : i32 to index
      %swap3A_457 = tpu.vector_load %arg12[%swap3A_456] {strides = array<i32>} : memref<16384xf32, #tpu.memory_space<vmem>>, vector<16xf32>,
      tpu.vector_store %arg12[%swap3A_456], %gather3A_453 {strides = array<i32>} : memref<16384xf32, #tpu.memory_space<vmem>>, vector<16xf32>,
      %get3A_458 = arith.constant 224 : index
      %get3A_459 = tpu.vector_load %arg8[%get3A_458] {strides = array<i32>} : memref<512xi32, #tpu.memory_space<vmem>>, vector<16xi32>,
      %gather3A_460 = tpu.vector_load_idx %arg10[%broadcast_in_dim3A, %get3A_459] : memref<32x1024xf32, #tpu.memory_space<vmem>>[vector<16xi32>, vector<16xi32>], vector<16xf32>,
      %add3A_461 = arith.constant 224 : i32
      %add3A_462 = arith.addi %mul3A_360, %add3A_461 : i32
      %swap3A_463 = arith.index_cast %add3A_462 : i32 to index
      %swap3A_464 = tpu.vector_load %arg12[%swap3A_463] {strides = array<i32>} : memref<16384xf32, #tpu.memory_space<vmem>>, vector<16xf32>,
      tpu.vector_store %arg12[%swap3A_463], %gather3A_460 {strides = array<i32>} : memref<16384xf32, #tpu.memory_space<vmem>>, vector<16xf32>,
      %get3A_465 = arith.constant 240 : index
      %get3A_466 = tpu.vector_load %arg8[%get3A_465] {strides = array<i32>} : memref<512xi32, #tpu.memory_space<vmem>>, vector<16xi32>,
      %gather3A_467 = tpu.vector_load_idx %arg10[%broadcast_in_dim3A, %get3A_466] : memref<32x1024xf32, #tpu.memory_space<vmem>>[vector<16xi32>, vector<16xi32>], vector<16xf32>,
      %add3A_468 = arith.constant 240 : i32
      %add3A_469 = arith.addi %mul3A_360, %add3A_468 : i32
      %swap3A_470 = arith.index_cast %add3A_469 : i32 to index
      %swap3A_471 = tpu.vector_load %arg12[%swap3A_470] {strides = array<i32>} : memref<16384xf32, #tpu.memory_space<vmem>>, vector<16xf32>,
      tpu.vector_store %arg12[%swap3A_470], %gather3A_467 {strides = array<i32>} : memref<16384xf32, #tpu.memory_space<vmem>>, vector<16xf32>,
      %get3A_472 = arith.constant 256 : index
      %get3A_473 = tpu.vector_load %arg8[%get3A_472] {strides = array<i32>} : memref<512xi32, #tpu.memory_space<vmem>>, vector<16xi32>,
      %gather3A_474 = tpu.vector_load_idx %arg10[%broadcast_in_dim3A, %get3A_473] : memref<32x1024xf32, #tpu.memory_space<vmem>>[vector<16xi32>, vector<16xi32>], vector<16xf32>,
      %add3A_475 = arith.constant 256 : i32
      %add3A_476 = arith.addi %mul3A_360, %add3A_475 : i32
      %swap3A_477 = arith.index_cast %add3A_476 : i32 to index
      %swap3A_478 = tpu.vector_load %arg12[%swap3A_477] {strides = array<i32>} : memref<16384xf32, #tpu.memory_space<vmem>>, vector<16xf32>,
      tpu.vector_store %arg12[%swap3A_477], %gather3A_474 {strides = array<i32>} : memref<16384xf32, #tpu.memory_space<vmem>>, vector<16xf32>,
      %get3A_479 = arith.constant 272 : index
      %get3A_480 = tpu.vector_load %arg8[%get3A_479] {strides = array<i32>} : memref<512xi32, #tpu.memory_space<vmem>>, vector<16xi32>,
      %gather3A_481 = tpu.vector_load_idx %arg10[%broadcast_in_dim3A, %get3A_480] : memref<32x1024xf32, #tpu.memory_space<vmem>>[vector<16xi32>, vector<16xi32>], vector<16xf32>,
      %add3A_482 = arith.constant 272 : i32
      %add3A_483 = arith.addi %mul3A_360, %add3A_482 : i32
      %swap3A_484 = arith.index_cast %add3A_483 : i32 to index
      %swap3A_485 = tpu.vector_load %arg12[%swap3A_484] {strides = array<i32>} : memref<16384xf32, #tpu.memory_space<vmem>>, vector<16xf32>,
      tpu.vector_store %arg12[%swap3A_484], %gather3A_481 {strides = array<i32>} : memref<16384xf32, #tpu.memory_space<vmem>>, vector<16xf32>,
      %get3A_486 = arith.constant 288 : index
      %get3A_487 = tpu.vector_load %arg8[%get3A_486] {strides = array<i32>} : memref<512xi32, #tpu.memory_space<vmem>>, vector<16xi32>,
      %gather3A_488 = tpu.vector_load_idx %arg10[%broadcast_in_dim3A, %get3A_487] : memref<32x1024xf32, #tpu.memory_space<vmem>>[vector<16xi32>, vector<16xi32>], vector<16xf32>,
      %add3A_489 = arith.constant 288 : i32
      %add3A_490 = arith.addi %mul3A_360, %add3A_489 : i32
      %swap3A_491 = arith.index_cast %add3A_490 : i32 to index
      %swap3A_492 = tpu.vector_load %arg12[%swap3A_491] {strides = array<i32>} : memref<16384xf32, #tpu.memory_space<vmem>>, vector<16xf32>,
      tpu.vector_store %arg12[%swap3A_491], %gather3A_488 {strides = array<i32>} : memref<16384xf32, #tpu.memory_space<vmem>>, vector<16xf32>,
      %get3A_493 = arith.constant 304 : index
      %get3A_494 = tpu.vector_load %arg8[%get3A_493] {strides = array<i32>} : memref<512xi32, #tpu.memory_space<vmem>>, vector<16xi32>,
      %gather3A_495 = tpu.vector_load_idx %arg10[%broadcast_in_dim3A, %get3A_494] : memref<32x1024xf32, #tpu.memory_space<vmem>>[vector<16xi32>, vector<16xi32>], vector<16xf32>,
      %add3A_496 = arith.constant 304 : i32
      %add3A_497 = arith.addi %mul3A_360, %add3A_496 : i32
      %swap3A_498 = arith.index_cast %add3A_497 : i32 to index
      %swap3A_499 = tpu.vector_load %arg12[%swap3A_498] {strides = array<i32>} : memref<16384xf32, #tpu.memory_space<vmem>>, vector<16xf32>,
      tpu.vector_store %arg12[%swap3A_498], %gather3A_495 {strides = array<i32>} : memref<16384xf32, #tpu.memory_space<vmem>>, vector<16xf32>,
      %get3A_500 = arith.constant 320 : index
      %get3A_501 = tpu.vector_load %arg8[%get3A_500] {strides = array<i32>} : memref<512xi32, #tpu.memory_space<vmem>>, vector<16xi32>,
      %gather3A_502 = tpu.vector_load_idx %arg10[%broadcast_in_dim3A, %get3A_501] : memref<32x1024xf32, #tpu.memory_space<vmem>>[vector<16xi32>, vector<16xi32>], vector<16xf32>,
      %add3A_503 = arith.constant 320 : i32
      %add3A_504 = arith.addi %mul3A_360, %add3A_503 : i32
      %swap3A_505 = arith.index_cast %add3A_504 : i32 to index
      %swap3A_506 = tpu.vector_load %arg12[%swap3A_505] {strides = array<i32>} : memref<16384xf32, #tpu.memory_space<vmem>>, vector<16xf32>,
      tpu.vector_store %arg12[%swap3A_505], %gather3A_502 {strides = array<i32>} : memref<16384xf32, #tpu.memory_space<vmem>>, vector<16xf32>,
      %get3A_507 = arith.constant 336 : index
      %get3A_508 = tpu.vector_load %arg8[%get3A_507] {strides = array<i32>} : memref<512xi32, #tpu.memory_space<vmem>>, vector<16xi32>,
      %gather3A_509 = tpu.vector_load_idx %arg10[%broadcast_in_dim3A, %get3A_508] : memref<32x1024xf32, #tpu.memory_space<vmem>>[vector<16xi32>, vector<16xi32>], vector<16xf32>,
      %add3A_510 = arith.constant 336 : i32
      %add3A_511 = arith.addi %mul3A_360, %add3A_510 : i32
      %swap3A_512 = arith.index_cast %add3A_511 : i32 to index
      %swap3A_513 = tpu.vector_load %arg12[%swap3A_512] {strides = array<i32>} : memref<16384xf32, #tpu.memory_space<vmem>>, vector<16xf32>,
      tpu.vector_store %arg12[%swap3A_512], %gather3A_509 {strides = array<i32>} : memref<16384xf32, #tpu.memory_space<vmem>>, vector<16xf32>,
      %get3A_514 = arith.constant 352 : index
      %get3A_515 = tpu.vector_load %arg8[%get3A_514] {strides = array<i32>} : memref<512xi32, #tpu.memory_space<vmem>>, vector<16xi32>,
      %gather3A_516 = tpu.vector_load_idx %arg10[%broadcast_in_dim3A, %get3A_515] : memref<32x1024xf32, #tpu.memory_space<vmem>>[vector<16xi32>, vector<16xi32>], vector<16xf32>,
      %add3A_517 = arith.constant 352 : i32
      %add3A_518 = arith.addi %mul3A_360, %add3A_517 : i32
      %swap3A_519 = arith.index_cast %add3A_518 : i32 to index
      %swap3A_520 = tpu.vector_load %arg12[%swap3A_519] {strides = array<i32>} : memref<16384xf32, #tpu.memory_space<vmem>>, vector<16xf32>,
      tpu.vector_store %arg12[%swap3A_519], %gather3A_516 {strides = array<i32>} : memref<16384xf32, #tpu.memory_space<vmem>>, vector<16xf32>,
      %get3A_521 = arith.constant 368 : index
      %get3A_522 = tpu.vector_load %arg8[%get3A_521] {strides = array<i32>} : memref<512xi32, #tpu.memory_space<vmem>>, vector<16xi32>,
      %gather3A_523 = tpu.vector_load_idx %arg10[%broadcast_in_dim3A, %get3A_522] : memref<32x1024xf32, #tpu.memory_space<vmem>>[vector<16xi32>, vector<16xi32>], vector<16xf32>,
      %add3A_524 = arith.constant 368 : i32
      %add3A_525 = arith.addi %mul3A_360, %add3A_524 : i32
      %swap3A_526 = arith.index_cast %add3A_525 : i32 to index
      %swap3A_527 = tpu.vector_load %arg12[%swap3A_526] {strides = array<i32>} : memref<16384xf32, #tpu.memory_space<vmem>>, vector<16xf32>,
      tpu.vector_store %arg12[%swap3A_526], %gather3A_523 {strides = array<i32>} : memref<16384xf32, #tpu.memory_space<vmem>>, vector<16xf32>,
      %get3A_528 = arith.constant 384 : index
      %get3A_529 = tpu.vector_load %arg8[%get3A_528] {strides = array<i32>} : memref<512xi32, #tpu.memory_space<vmem>>, vector<16xi32>,
      %gather3A_530 = tpu.vector_load_idx %arg10[%broadcast_in_dim3A, %get3A_529] : memref<32x1024xf32, #tpu.memory_space<vmem>>[vector<16xi32>, vector<16xi32>], vector<16xf32>,
      %add3A_531 = arith.constant 384 : i32
      %add3A_532 = arith.addi %mul3A_360, %add3A_531 : i32
      %swap3A_533 = arith.index_cast %add3A_532 : i32 to index
      %swap3A_534 = tpu.vector_load %arg12[%swap3A_533] {strides = array<i32>} : memref<16384xf32, #tpu.memory_space<vmem>>, vector<16xf32>,
      tpu.vector_store %arg12[%swap3A_533], %gather3A_530 {strides = array<i32>} : memref<16384xf32, #tpu.memory_space<vmem>>, vector<16xf32>,
      %get3A_535 = arith.constant 400 : index
      %get3A_536 = tpu.vector_load %arg8[%get3A_535] {strides = array<i32>} : memref<512xi32, #tpu.memory_space<vmem>>, vector<16xi32>,
      %gather3A_537 = tpu.vector_load_idx %arg10[%broadcast_in_dim3A, %get3A_536] : memref<32x1024xf32, #tpu.memory_space<vmem>>[vector<16xi32>, vector<16xi32>], vector<16xf32>,
      %add3A_538 = arith.constant 400 : i32
      %add3A_539 = arith.addi %mul3A_360, %add3A_538 : i32
      %swap3A_540 = arith.index_cast %add3A_539 : i32 to index
      %swap3A_541 = tpu.vector_load %arg12[%swap3A_540] {strides = array<i32>} : memref<16384xf32, #tpu.memory_space<vmem>>, vector<16xf32>,
      tpu.vector_store %arg12[%swap3A_540], %gather3A_537 {strides = array<i32>} : memref<16384xf32, #tpu.memory_space<vmem>>, vector<16xf32>,
      %get3A_542 = arith.constant 416 : index
      %get3A_543 = tpu.vector_load %arg8[%get3A_542] {strides = array<i32>} : memref<512xi32, #tpu.memory_space<vmem>>, vector<16xi32>,
      %gather3A_544 = tpu.vector_load_idx %arg10[%broadcast_in_dim3A, %get3A_543] : memref<32x1024xf32, #tpu.memory_space<vmem>>[vector<16xi32>, vector<16xi32>], vector<16xf32>,
      %add3A_545 = arith.constant 416 : i32
      %add3A_546 = arith.addi %mul3A_360, %add3A_545 : i32
      %swap3A_547 = arith.index_cast %add3A_546 : i32 to index
      %swap3A_548 = tpu.vector_load %arg12[%swap3A_547] {strides = array<i32>} : memref<16384xf32, #tpu.memory_space<vmem>>, vector<16xf32>,
      tpu.vector_store %arg12[%swap3A_547], %gather3A_544 {strides = array<i32>} : memref<16384xf32, #tpu.memory_space<vmem>>, vector<16xf32>,
      %get3A_549 = arith.constant 432 : index
      %get3A_550 = tpu.vector_load %arg8[%get3A_549] {strides = array<i32>} : memref<512xi32, #tpu.memory_space<vmem>>, vector<16xi32>,
      %gather3A_551 = tpu.vector_load_idx %arg10[%broadcast_in_dim3A, %get3A_550] : memref<32x1024xf32, #tpu.memory_space<vmem>>[vector<16xi32>, vector<16xi32>], vector<16xf32>,
      %add3A_552 = arith.constant 432 : i32
      %add3A_553 = arith.addi %mul3A_360, %add3A_552 : i32
      %swap3A_554 = arith.index_cast %add3A_553 : i32 to index
      %swap3A_555 = tpu.vector_load %arg12[%swap3A_554] {strides = array<i32>} : memref<16384xf32, #tpu.memory_space<vmem>>, vector<16xf32>,
      tpu.vector_store %arg12[%swap3A_554], %gather3A_551 {strides = array<i32>} : memref<16384xf32, #tpu.memory_space<vmem>>, vector<16xf32>,
      %get3A_556 = arith.constant 448 : index
      %get3A_557 = tpu.vector_load %arg8[%get3A_556] {strides = array<i32>} : memref<512xi32, #tpu.memory_space<vmem>>, vector<16xi32>,
      %gather3A_558 = tpu.vector_load_idx %arg10[%broadcast_in_dim3A, %get3A_557] : memref<32x1024xf32, #tpu.memory_space<vmem>>[vector<16xi32>, vector<16xi32>], vector<16xf32>,
      %add3A_559 = arith.constant 448 : i32
      %add3A_560 = arith.addi %mul3A_360, %add3A_559 : i32
      %swap3A_561 = arith.index_cast %add3A_560 : i32 to index
      %swap3A_562 = tpu.vector_load %arg12[%swap3A_561] {strides = array<i32>} : memref<16384xf32, #tpu.memory_space<vmem>>, vector<16xf32>,
      tpu.vector_store %arg12[%swap3A_561], %gather3A_558 {strides = array<i32>} : memref<16384xf32, #tpu.memory_space<vmem>>, vector<16xf32>,
      %get3A_563 = arith.constant 464 : index
      %get3A_564 = tpu.vector_load %arg8[%get3A_563] {strides = array<i32>} : memref<512xi32, #tpu.memory_space<vmem>>, vector<16xi32>,
      %gather3A_565 = tpu.vector_load_idx %arg10[%broadcast_in_dim3A, %get3A_564] : memref<32x1024xf32, #tpu.memory_space<vmem>>[vector<16xi32>, vector<16xi32>], vector<16xf32>,
      %add3A_566 = arith.constant 464 : i32
      %add3A_567 = arith.addi %mul3A_360, %add3A_566 : i32
      %swap3A_568 = arith.index_cast %add3A_567 : i32 to index
      %swap3A_569 = tpu.vector_load %arg12[%swap3A_568] {strides = array<i32>} : memref<16384xf32, #tpu.memory_space<vmem>>, vector<16xf32>,
      tpu.vector_store %arg12[%swap3A_568], %gather3A_565 {strides = array<i32>} : memref<16384xf32, #tpu.memory_space<vmem>>, vector<16xf32>,
      %get3A_570 = arith.constant 480 : index
      %get3A_571 = tpu.vector_load %arg8[%get3A_570] {strides = array<i32>} : memref<512xi32, #tpu.memory_space<vmem>>, vector<16xi32>,
      %gather3A_572 = tpu.vector_load_idx %arg10[%broadcast_in_dim3A, %get3A_571] : memref<32x1024xf32, #tpu.memory_space<vmem>>[vector<16xi32>, vector<16xi32>], vector<16xf32>,
      %add3A_573 = arith.constant 480 : i32
      %add3A_574 = arith.addi %mul3A_360, %add3A_573 : i32
      %swap3A_575 = arith.index_cast %add3A_574 : i32 to index
      %swap3A_576 = tpu.vector_load %arg12[%swap3A_575] {strides = array<i32>} : memref<16384xf32, #tpu.memory_space<vmem>>, vector<16xf32>,
      tpu.vector_store %arg12[%swap3A_575], %gather3A_572 {strides = array<i32>} : memref<16384xf32, #tpu.memory_space<vmem>>, vector<16xf32>,
      %get3A_577 = arith.constant 496 : index
      %get3A_578 = tpu.vector_load %arg8[%get3A_577] {strides = array<i32>} : memref<512xi32, #tpu.memory_space<vmem>>, vector<16xi32>,
      %gather3A_579 = tpu.vector_load_idx %arg10[%broadcast_in_dim3A, %get3A_578] : memref<32x1024xf32, #tpu.memory_space<vmem>>[vector<16xi32>, vector<16xi32>], vector<16xf32>,
      %add3A_580 = arith.constant 496 : i32
      %add3A_581 = arith.addi %mul3A_360, %add3A_580 : i32
      %swap3A_582 = arith.index_cast %add3A_581 : i32 to index
      %swap3A_583 = tpu.vector_load %arg12[%swap3A_582] {strides = array<i32>} : memref<16384xf32, #tpu.memory_space<vmem>>, vector<16xf32>,
      tpu.vector_store %arg12[%swap3A_582], %gather3A_579 {strides = array<i32>} : memref<16384xf32, #tpu.memory_space<vmem>>, vector<16xf32>,
    }
    %scan3A_295 = arith.constant 32 : i32
    %add3A_296 = arith.constant 0 : i32
    %add3A_297 = arith.addi %mul3A_2, %add3A_296 : i32
    %mul3A_298 = arith.constant 512 : i32
    %mul3A_299 = arith.muli %add3A_297, %mul3A_298 : i32
    "tpu.region"() ({
      %run_scoped3A = tpu.sem_alloc : memref<!tpu.dma_semaphore, #tpu.memory_space<semaphore_mem>>
      %dma_start3A_358 = arith.constant 0 : i32
      %dma_start3A_359 = tpu.memref_slice %arg12[%dma_start3A_358] : memref<16384xf32, #tpu.memory_space<vmem>> -> memref<16384xf32, #tpu.memory_space<vmem>>
      %dma_start3A_360 = tpu.memref_slice %arg5[%mul3A_299] : memref<2097152xf32, #tpu.memory_space<hbm>> -> memref<16384xf32, #tpu.memory_space<hbm>>
      %dma_start3A_361 = tpu.memref_slice %arg5[%mul3A_299] : memref<2097152xf32, #tpu.memory_space<hbm>> -> memref<16384xf32, #tpu.memory_space<hbm>>
      %dma_start3A_362 = arith.constant 0 : i32
      %dma_start3A_363 = tpu.memref_slice %arg12[%dma_start3A_362] : memref<16384xf32, #tpu.memory_space<vmem>> -> memref<16384xf32, #tpu.memory_space<vmem>>
      tpu.enqueue_dma source(%dma_start3A_363 : memref<16384xf32, #tpu.memory_space<vmem>>) target(%dma_start3A_361 : memref<16384xf32, #tpu.memory_space<hbm>>) target_semaphore(%run_scoped3A : memref<!tpu.dma_semaphore, #tpu.memory_space<semaphore_mem>>)
      %dma_wait3A_364 = arith.constant 0 : i32
      %dma_wait3A_365 = tpu.memref_slice %arg12[%dma_wait3A_364] : memref<16384xf32, #tpu.memory_space<vmem>> -> memref<16384xf32, #tpu.memory_space<vmem>>
      %dma_wait3A_366 = tpu.memref_slice %arg5[%mul3A_299] : memref<2097152xf32, #tpu.memory_space<hbm>> -> memref<16384xf32, #tpu.memory_space<hbm>>
      %dma_wait3A_367 = tpu.memref_slice %arg5[%mul3A_299] : memref<2097152xf32, #tpu.memory_space<hbm>> -> memref<16384xf32, #tpu.memory_space<hbm>>
      %dma_wait3A_368 = arith.constant 0 : i32
      %dma_wait3A_369 = tpu.memref_slice %arg12[%dma_wait3A_368] : memref<16384xf32, #tpu.memory_space<vmem>> -> memref<16384xf32, #tpu.memory_space<vmem>>
      tpu.wait_dma2 semaphore(%run_scoped3A : memref<!tpu.dma_semaphore, #tpu.memory_space<semaphore_mem>>) src(%dma_wait3A_369 : memref<16384xf32, #tpu.memory_space<vmem>>) dst(%dma_wait3A_367 : memref<16384xf32, #tpu.memory_space<hbm>>)
      tpu.yield
    }) : () -> ()
    %dma_start3A_300 = arith.constant 64 : i32
    %dma_start3A_301 = tpu.memref_slice %arg7[%dma_start3A_300] : memref<128xi32, #tpu.memory_space<vmem>> -> memref<32xi32, #tpu.memory_space<vmem>>
    %dma_start3A_302 = arith.constant 0 : i32
    %dma_start3A_303 = arith.constant 0 : i32
    %dma_start3A_304 = tpu.memref_slice %arg2[%dma_start3A_302, %dma_start3A_303] : memref<8192x1024xf32, #tpu.memory_space<hbm>> -> memref<8192x1024xf32, #tpu.memory_space<hbm>>
    tpu.enqueue_indirect_dma source(%dma_start3A_304 : memref<8192x1024xf32, #tpu.memory_space<hbm>>) target(%arg10 : memref<32x1024xf32, #tpu.memory_space<vmem>>) offsets(%dma_start3A_301 : memref<32xi32, #tpu.memory_space<vmem>>) semaphore(%arg14 : memref<!tpu.dma_semaphore, #tpu.memory_space<semaphore_mem>>)
    %dma_wait3A_305 = arith.constant 32 : i32
    %dma_wait3A_306 = tpu.memref_slice %arg7[%dma_wait3A_305] : memref<128xi32, #tpu.memory_space<vmem>> -> memref<32xi32, #tpu.memory_space<vmem>>
    %dma_wait3A_307 = arith.constant 0 : i32
    %dma_wait3A_308 = arith.constant 0 : i32
    %dma_wait3A_309 = tpu.memref_slice %arg2[%dma_wait3A_307, %dma_wait3A_308] : memref<8192x1024xf32, #tpu.memory_space<hbm>> -> memref<8192x1024xf32, #tpu.memory_space<hbm>>
    tpu.wait_indirect_dma semaphore(%arg14 : memref<!tpu.dma_semaphore, #tpu.memory_space<semaphore_mem>>) src(%dma_wait3A_309 : memref<8192x1024xf32, #tpu.memory_space<hbm>>) dst(%arg11 : memref<32x1024xf32, #tpu.memory_space<vmem>>)
    %scan3A_310 = arith.constant 0 : i32
    %scan3A_311 = arith.constant 0 : i32
    %scan3A_312 = arith.constant 32 : i32
    %scan3A_313 = arith.addi %scan3A_311, %scan3A_312 : i32
    %scan3A_314 = arith.constant 1 : i32
    scf.for %scan3A_358 = %scan3A_311 to %scan3A_313 step %scan3A_314  : i32 {
      %mul3A_359 = arith.constant 512 : i32
      %mul3A_360 = arith.muli %scan3A_358, %mul3A_359 : i32
      %broadcast_in_dim3A = vector.broadcast %scan3A_358 : i32 to vector<16xi32>
      %get3A_361 = arith.constant 0 : index
      %get3A_362 = tpu.vector_load %arg8[%get3A_361] {strides = array<i32>} : memref<512xi32, #tpu.memory_space<vmem>>, vector<16xi32>,
      %gather3A = tpu.vector_load_idx %arg11[%broadcast_in_dim3A, %get3A_362] : memref<32x1024xf32, #tpu.memory_space<vmem>>[vector<16xi32>, vector<16xi32>], vector<16xf32>,
      %add3A_363 = arith.constant 0 : i32
      %add3A_364 = arith.addi %mul3A_360, %add3A_363 : i32
      %swap3A_365 = arith.index_cast %add3A_364 : i32 to index
      %swap3A_366 = tpu.vector_load %arg12[%swap3A_365] {strides = array<i32>} : memref<16384xf32, #tpu.memory_space<vmem>>, vector<16xf32>,
      tpu.vector_store %arg12[%swap3A_365], %gather3A {strides = array<i32>} : memref<16384xf32, #tpu.memory_space<vmem>>, vector<16xf32>,
      %get3A_367 = arith.constant 16 : index
      %get3A_368 = tpu.vector_load %arg8[%get3A_367] {strides = array<i32>} : memref<512xi32, #tpu.memory_space<vmem>>, vector<16xi32>,
      %gather3A_369 = tpu.vector_load_idx %arg11[%broadcast_in_dim3A, %get3A_368] : memref<32x1024xf32, #tpu.memory_space<vmem>>[vector<16xi32>, vector<16xi32>], vector<16xf32>,
      %add3A_370 = arith.constant 16 : i32
      %add3A_371 = arith.addi %mul3A_360, %add3A_370 : i32
      %swap3A_372 = arith.index_cast %add3A_371 : i32 to index
      %swap3A_373 = tpu.vector_load %arg12[%swap3A_372] {strides = array<i32>} : memref<16384xf32, #tpu.memory_space<vmem>>, vector<16xf32>,
      tpu.vector_store %arg12[%swap3A_372], %gather3A_369 {strides = array<i32>} : memref<16384xf32, #tpu.memory_space<vmem>>, vector<16xf32>,
      %get3A_374 = arith.constant 32 : index
      %get3A_375 = tpu.vector_load %arg8[%get3A_374] {strides = array<i32>} : memref<512xi32, #tpu.memory_space<vmem>>, vector<16xi32>,
      %gather3A_376 = tpu.vector_load_idx %arg11[%broadcast_in_dim3A, %get3A_375] : memref<32x1024xf32, #tpu.memory_space<vmem>>[vector<16xi32>, vector<16xi32>], vector<16xf32>,
      %add3A_377 = arith.constant 32 : i32
      %add3A_378 = arith.addi %mul3A_360, %add3A_377 : i32
      %swap3A_379 = arith.index_cast %add3A_378 : i32 to index
      %swap3A_380 = tpu.vector_load %arg12[%swap3A_379] {strides = array<i32>} : memref<16384xf32, #tpu.memory_space<vmem>>, vector<16xf32>,
      tpu.vector_store %arg12[%swap3A_379], %gather3A_376 {strides = array<i32>} : memref<16384xf32, #tpu.memory_space<vmem>>, vector<16xf32>,
      %get3A_381 = arith.constant 48 : index
      %get3A_382 = tpu.vector_load %arg8[%get3A_381] {strides = array<i32>} : memref<512xi32, #tpu.memory_space<vmem>>, vector<16xi32>,
      %gather3A_383 = tpu.vector_load_idx %arg11[%broadcast_in_dim3A, %get3A_382] : memref<32x1024xf32, #tpu.memory_space<vmem>>[vector<16xi32>, vector<16xi32>], vector<16xf32>,
      %add3A_384 = arith.constant 48 : i32
      %add3A_385 = arith.addi %mul3A_360, %add3A_384 : i32
      %swap3A_386 = arith.index_cast %add3A_385 : i32 to index
      %swap3A_387 = tpu.vector_load %arg12[%swap3A_386] {strides = array<i32>} : memref<16384xf32, #tpu.memory_space<vmem>>, vector<16xf32>,
      tpu.vector_store %arg12[%swap3A_386], %gather3A_383 {strides = array<i32>} : memref<16384xf32, #tpu.memory_space<vmem>>, vector<16xf32>,
      %get3A_388 = arith.constant 64 : index
      %get3A_389 = tpu.vector_load %arg8[%get3A_388] {strides = array<i32>} : memref<512xi32, #tpu.memory_space<vmem>>, vector<16xi32>,
      %gather3A_390 = tpu.vector_load_idx %arg11[%broadcast_in_dim3A, %get3A_389] : memref<32x1024xf32, #tpu.memory_space<vmem>>[vector<16xi32>, vector<16xi32>], vector<16xf32>,
      %add3A_391 = arith.constant 64 : i32
      %add3A_392 = arith.addi %mul3A_360, %add3A_391 : i32
      %swap3A_393 = arith.index_cast %add3A_392 : i32 to index
      %swap3A_394 = tpu.vector_load %arg12[%swap3A_393] {strides = array<i32>} : memref<16384xf32, #tpu.memory_space<vmem>>, vector<16xf32>,
      tpu.vector_store %arg12[%swap3A_393], %gather3A_390 {strides = array<i32>} : memref<16384xf32, #tpu.memory_space<vmem>>, vector<16xf32>,
      %get3A_395 = arith.constant 80 : index
      %get3A_396 = tpu.vector_load %arg8[%get3A_395] {strides = array<i32>} : memref<512xi32, #tpu.memory_space<vmem>>, vector<16xi32>,
      %gather3A_397 = tpu.vector_load_idx %arg11[%broadcast_in_dim3A, %get3A_396] : memref<32x1024xf32, #tpu.memory_space<vmem>>[vector<16xi32>, vector<16xi32>], vector<16xf32>,
      %add3A_398 = arith.constant 80 : i32
      %add3A_399 = arith.addi %mul3A_360, %add3A_398 : i32
      %swap3A_400 = arith.index_cast %add3A_399 : i32 to index
      %swap3A_401 = tpu.vector_load %arg12[%swap3A_400] {strides = array<i32>} : memref<16384xf32, #tpu.memory_space<vmem>>, vector<16xf32>,
      tpu.vector_store %arg12[%swap3A_400], %gather3A_397 {strides = array<i32>} : memref<16384xf32, #tpu.memory_space<vmem>>, vector<16xf32>,
      %get3A_402 = arith.constant 96 : index
      %get3A_403 = tpu.vector_load %arg8[%get3A_402] {strides = array<i32>} : memref<512xi32, #tpu.memory_space<vmem>>, vector<16xi32>,
      %gather3A_404 = tpu.vector_load_idx %arg11[%broadcast_in_dim3A, %get3A_403] : memref<32x1024xf32, #tpu.memory_space<vmem>>[vector<16xi32>, vector<16xi32>], vector<16xf32>,
      %add3A_405 = arith.constant 96 : i32
      %add3A_406 = arith.addi %mul3A_360, %add3A_405 : i32
      %swap3A_407 = arith.index_cast %add3A_406 : i32 to index
      %swap3A_408 = tpu.vector_load %arg12[%swap3A_407] {strides = array<i32>} : memref<16384xf32, #tpu.memory_space<vmem>>, vector<16xf32>,
      tpu.vector_store %arg12[%swap3A_407], %gather3A_404 {strides = array<i32>} : memref<16384xf32, #tpu.memory_space<vmem>>, vector<16xf32>,
      %get3A_409 = arith.constant 112 : index
      %get3A_410 = tpu.vector_load %arg8[%get3A_409] {strides = array<i32>} : memref<512xi32, #tpu.memory_space<vmem>>, vector<16xi32>,
      %gather3A_411 = tpu.vector_load_idx %arg11[%broadcast_in_dim3A, %get3A_410] : memref<32x1024xf32, #tpu.memory_space<vmem>>[vector<16xi32>, vector<16xi32>], vector<16xf32>,
      %add3A_412 = arith.constant 112 : i32
      %add3A_413 = arith.addi %mul3A_360, %add3A_412 : i32
      %swap3A_414 = arith.index_cast %add3A_413 : i32 to index
      %swap3A_415 = tpu.vector_load %arg12[%swap3A_414] {strides = array<i32>} : memref<16384xf32, #tpu.memory_space<vmem>>, vector<16xf32>,
      tpu.vector_store %arg12[%swap3A_414], %gather3A_411 {strides = array<i32>} : memref<16384xf32, #tpu.memory_space<vmem>>, vector<16xf32>,
      %get3A_416 = arith.constant 128 : index
      %get3A_417 = tpu.vector_load %arg8[%get3A_416] {strides = array<i32>} : memref<512xi32, #tpu.memory_space<vmem>>, vector<16xi32>,
      %gather3A_418 = tpu.vector_load_idx %arg11[%broadcast_in_dim3A, %get3A_417] : memref<32x1024xf32, #tpu.memory_space<vmem>>[vector<16xi32>, vector<16xi32>], vector<16xf32>,
      %add3A_419 = arith.constant 128 : i32
      %add3A_420 = arith.addi %mul3A_360, %add3A_419 : i32
      %swap3A_421 = arith.index_cast %add3A_420 : i32 to index
      %swap3A_422 = tpu.vector_load %arg12[%swap3A_421] {strides = array<i32>} : memref<16384xf32, #tpu.memory_space<vmem>>, vector<16xf32>,
      tpu.vector_store %arg12[%swap3A_421], %gather3A_418 {strides = array<i32>} : memref<16384xf32, #tpu.memory_space<vmem>>, vector<16xf32>,
      %get3A_423 = arith.constant 144 : index
      %get3A_424 = tpu.vector_load %arg8[%get3A_423] {strides = array<i32>} : memref<512xi32, #tpu.memory_space<vmem>>, vector<16xi32>,
      %gather3A_425 = tpu.vector_load_idx %arg11[%broadcast_in_dim3A, %get3A_424] : memref<32x1024xf32, #tpu.memory_space<vmem>>[vector<16xi32>, vector<16xi32>], vector<16xf32>,
      %add3A_426 = arith.constant 144 : i32
      %add3A_427 = arith.addi %mul3A_360, %add3A_426 : i32
      %swap3A_428 = arith.index_cast %add3A_427 : i32 to index
      %swap3A_429 = tpu.vector_load %arg12[%swap3A_428] {strides = array<i32>} : memref<16384xf32, #tpu.memory_space<vmem>>, vector<16xf32>,
      tpu.vector_store %arg12[%swap3A_428], %gather3A_425 {strides = array<i32>} : memref<16384xf32, #tpu.memory_space<vmem>>, vector<16xf32>,
      %get3A_430 = arith.constant 160 : index
      %get3A_431 = tpu.vector_load %arg8[%get3A_430] {strides = array<i32>} : memref<512xi32, #tpu.memory_space<vmem>>, vector<16xi32>,
      %gather3A_432 = tpu.vector_load_idx %arg11[%broadcast_in_dim3A, %get3A_431] : memref<32x1024xf32, #tpu.memory_space<vmem>>[vector<16xi32>, vector<16xi32>], vector<16xf32>,
      %add3A_433 = arith.constant 160 : i32
      %add3A_434 = arith.addi %mul3A_360, %add3A_433 : i32
      %swap3A_435 = arith.index_cast %add3A_434 : i32 to index
      %swap3A_436 = tpu.vector_load %arg12[%swap3A_435] {strides = array<i32>} : memref<16384xf32, #tpu.memory_space<vmem>>, vector<16xf32>,
      tpu.vector_store %arg12[%swap3A_435], %gather3A_432 {strides = array<i32>} : memref<16384xf32, #tpu.memory_space<vmem>>, vector<16xf32>,
      %get3A_437 = arith.constant 176 : index
      %get3A_438 = tpu.vector_load %arg8[%get3A_437] {strides = array<i32>} : memref<512xi32, #tpu.memory_space<vmem>>, vector<16xi32>,
      %gather3A_439 = tpu.vector_load_idx %arg11[%broadcast_in_dim3A, %get3A_438] : memref<32x1024xf32, #tpu.memory_space<vmem>>[vector<16xi32>, vector<16xi32>], vector<16xf32>,
      %add3A_440 = arith.constant 176 : i32
      %add3A_441 = arith.addi %mul3A_360, %add3A_440 : i32
      %swap3A_442 = arith.index_cast %add3A_441 : i32 to index
      %swap3A_443 = tpu.vector_load %arg12[%swap3A_442] {strides = array<i32>} : memref<16384xf32, #tpu.memory_space<vmem>>, vector<16xf32>,
      tpu.vector_store %arg12[%swap3A_442], %gather3A_439 {strides = array<i32>} : memref<16384xf32, #tpu.memory_space<vmem>>, vector<16xf32>,
      %get3A_444 = arith.constant 192 : index
      %get3A_445 = tpu.vector_load %arg8[%get3A_444] {strides = array<i32>} : memref<512xi32, #tpu.memory_space<vmem>>, vector<16xi32>,
      %gather3A_446 = tpu.vector_load_idx %arg11[%broadcast_in_dim3A, %get3A_445] : memref<32x1024xf32, #tpu.memory_space<vmem>>[vector<16xi32>, vector<16xi32>], vector<16xf32>,
      %add3A_447 = arith.constant 192 : i32
      %add3A_448 = arith.addi %mul3A_360, %add3A_447 : i32
      %swap3A_449 = arith.index_cast %add3A_448 : i32 to index
      %swap3A_450 = tpu.vector_load %arg12[%swap3A_449] {strides = array<i32>} : memref<16384xf32, #tpu.memory_space<vmem>>, vector<16xf32>,
      tpu.vector_store %arg12[%swap3A_449], %gather3A_446 {strides = array<i32>} : memref<16384xf32, #tpu.memory_space<vmem>>, vector<16xf32>,
      %get3A_451 = arith.constant 208 : index
      %get3A_452 = tpu.vector_load %arg8[%get3A_451] {strides = array<i32>} : memref<512xi32, #tpu.memory_space<vmem>>, vector<16xi32>,
      %gather3A_453 = tpu.vector_load_idx %arg11[%broadcast_in_dim3A, %get3A_452] : memref<32x1024xf32, #tpu.memory_space<vmem>>[vector<16xi32>, vector<16xi32>], vector<16xf32>,
      %add3A_454 = arith.constant 208 : i32
      %add3A_455 = arith.addi %mul3A_360, %add3A_454 : i32
      %swap3A_456 = arith.index_cast %add3A_455 : i32 to index
      %swap3A_457 = tpu.vector_load %arg12[%swap3A_456] {strides = array<i32>} : memref<16384xf32, #tpu.memory_space<vmem>>, vector<16xf32>,
      tpu.vector_store %arg12[%swap3A_456], %gather3A_453 {strides = array<i32>} : memref<16384xf32, #tpu.memory_space<vmem>>, vector<16xf32>,
      %get3A_458 = arith.constant 224 : index
      %get3A_459 = tpu.vector_load %arg8[%get3A_458] {strides = array<i32>} : memref<512xi32, #tpu.memory_space<vmem>>, vector<16xi32>,
      %gather3A_460 = tpu.vector_load_idx %arg11[%broadcast_in_dim3A, %get3A_459] : memref<32x1024xf32, #tpu.memory_space<vmem>>[vector<16xi32>, vector<16xi32>], vector<16xf32>,
      %add3A_461 = arith.constant 224 : i32
      %add3A_462 = arith.addi %mul3A_360, %add3A_461 : i32
      %swap3A_463 = arith.index_cast %add3A_462 : i32 to index
      %swap3A_464 = tpu.vector_load %arg12[%swap3A_463] {strides = array<i32>} : memref<16384xf32, #tpu.memory_space<vmem>>, vector<16xf32>,
      tpu.vector_store %arg12[%swap3A_463], %gather3A_460 {strides = array<i32>} : memref<16384xf32, #tpu.memory_space<vmem>>, vector<16xf32>,
      %get3A_465 = arith.constant 240 : index
      %get3A_466 = tpu.vector_load %arg8[%get3A_465] {strides = array<i32>} : memref<512xi32, #tpu.memory_space<vmem>>, vector<16xi32>,
      %gather3A_467 = tpu.vector_load_idx %arg11[%broadcast_in_dim3A, %get3A_466] : memref<32x1024xf32, #tpu.memory_space<vmem>>[vector<16xi32>, vector<16xi32>], vector<16xf32>,
      %add3A_468 = arith.constant 240 : i32
      %add3A_469 = arith.addi %mul3A_360, %add3A_468 : i32
      %swap3A_470 = arith.index_cast %add3A_469 : i32 to index
      %swap3A_471 = tpu.vector_load %arg12[%swap3A_470] {strides = array<i32>} : memref<16384xf32, #tpu.memory_space<vmem>>, vector<16xf32>,
      tpu.vector_store %arg12[%swap3A_470], %gather3A_467 {strides = array<i32>} : memref<16384xf32, #tpu.memory_space<vmem>>, vector<16xf32>,
      %get3A_472 = arith.constant 256 : index
      %get3A_473 = tpu.vector_load %arg8[%get3A_472] {strides = array<i32>} : memref<512xi32, #tpu.memory_space<vmem>>, vector<16xi32>,
      %gather3A_474 = tpu.vector_load_idx %arg11[%broadcast_in_dim3A, %get3A_473] : memref<32x1024xf32, #tpu.memory_space<vmem>>[vector<16xi32>, vector<16xi32>], vector<16xf32>,
      %add3A_475 = arith.constant 256 : i32
      %add3A_476 = arith.addi %mul3A_360, %add3A_475 : i32
      %swap3A_477 = arith.index_cast %add3A_476 : i32 to index
      %swap3A_478 = tpu.vector_load %arg12[%swap3A_477] {strides = array<i32>} : memref<16384xf32, #tpu.memory_space<vmem>>, vector<16xf32>,
      tpu.vector_store %arg12[%swap3A_477], %gather3A_474 {strides = array<i32>} : memref<16384xf32, #tpu.memory_space<vmem>>, vector<16xf32>,
      %get3A_479 = arith.constant 272 : index
      %get3A_480 = tpu.vector_load %arg8[%get3A_479] {strides = array<i32>} : memref<512xi32, #tpu.memory_space<vmem>>, vector<16xi32>,
      %gather3A_481 = tpu.vector_load_idx %arg11[%broadcast_in_dim3A, %get3A_480] : memref<32x1024xf32, #tpu.memory_space<vmem>>[vector<16xi32>, vector<16xi32>], vector<16xf32>,
      %add3A_482 = arith.constant 272 : i32
      %add3A_483 = arith.addi %mul3A_360, %add3A_482 : i32
      %swap3A_484 = arith.index_cast %add3A_483 : i32 to index
      %swap3A_485 = tpu.vector_load %arg12[%swap3A_484] {strides = array<i32>} : memref<16384xf32, #tpu.memory_space<vmem>>, vector<16xf32>,
      tpu.vector_store %arg12[%swap3A_484], %gather3A_481 {strides = array<i32>} : memref<16384xf32, #tpu.memory_space<vmem>>, vector<16xf32>,
      %get3A_486 = arith.constant 288 : index
      %get3A_487 = tpu.vector_load %arg8[%get3A_486] {strides = array<i32>} : memref<512xi32, #tpu.memory_space<vmem>>, vector<16xi32>,
      %gather3A_488 = tpu.vector_load_idx %arg11[%broadcast_in_dim3A, %get3A_487] : memref<32x1024xf32, #tpu.memory_space<vmem>>[vector<16xi32>, vector<16xi32>], vector<16xf32>,
      %add3A_489 = arith.constant 288 : i32
      %add3A_490 = arith.addi %mul3A_360, %add3A_489 : i32
      %swap3A_491 = arith.index_cast %add3A_490 : i32 to index
      %swap3A_492 = tpu.vector_load %arg12[%swap3A_491] {strides = array<i32>} : memref<16384xf32, #tpu.memory_space<vmem>>, vector<16xf32>,
      tpu.vector_store %arg12[%swap3A_491], %gather3A_488 {strides = array<i32>} : memref<16384xf32, #tpu.memory_space<vmem>>, vector<16xf32>,
      %get3A_493 = arith.constant 304 : index
      %get3A_494 = tpu.vector_load %arg8[%get3A_493] {strides = array<i32>} : memref<512xi32, #tpu.memory_space<vmem>>, vector<16xi32>,
      %gather3A_495 = tpu.vector_load_idx %arg11[%broadcast_in_dim3A, %get3A_494] : memref<32x1024xf32, #tpu.memory_space<vmem>>[vector<16xi32>, vector<16xi32>], vector<16xf32>,
      %add3A_496 = arith.constant 304 : i32
      %add3A_497 = arith.addi %mul3A_360, %add3A_496 : i32
      %swap3A_498 = arith.index_cast %add3A_497 : i32 to index
      %swap3A_499 = tpu.vector_load %arg12[%swap3A_498] {strides = array<i32>} : memref<16384xf32, #tpu.memory_space<vmem>>, vector<16xf32>,
      tpu.vector_store %arg12[%swap3A_498], %gather3A_495 {strides = array<i32>} : memref<16384xf32, #tpu.memory_space<vmem>>, vector<16xf32>,
      %get3A_500 = arith.constant 320 : index
      %get3A_501 = tpu.vector_load %arg8[%get3A_500] {strides = array<i32>} : memref<512xi32, #tpu.memory_space<vmem>>, vector<16xi32>,
      %gather3A_502 = tpu.vector_load_idx %arg11[%broadcast_in_dim3A, %get3A_501] : memref<32x1024xf32, #tpu.memory_space<vmem>>[vector<16xi32>, vector<16xi32>], vector<16xf32>,
      %add3A_503 = arith.constant 320 : i32
      %add3A_504 = arith.addi %mul3A_360, %add3A_503 : i32
      %swap3A_505 = arith.index_cast %add3A_504 : i32 to index
      %swap3A_506 = tpu.vector_load %arg12[%swap3A_505] {strides = array<i32>} : memref<16384xf32, #tpu.memory_space<vmem>>, vector<16xf32>,
      tpu.vector_store %arg12[%swap3A_505], %gather3A_502 {strides = array<i32>} : memref<16384xf32, #tpu.memory_space<vmem>>, vector<16xf32>,
      %get3A_507 = arith.constant 336 : index
      %get3A_508 = tpu.vector_load %arg8[%get3A_507] {strides = array<i32>} : memref<512xi32, #tpu.memory_space<vmem>>, vector<16xi32>,
      %gather3A_509 = tpu.vector_load_idx %arg11[%broadcast_in_dim3A, %get3A_508] : memref<32x1024xf32, #tpu.memory_space<vmem>>[vector<16xi32>, vector<16xi32>], vector<16xf32>,
      %add3A_510 = arith.constant 336 : i32
      %add3A_511 = arith.addi %mul3A_360, %add3A_510 : i32
      %swap3A_512 = arith.index_cast %add3A_511 : i32 to index
      %swap3A_513 = tpu.vector_load %arg12[%swap3A_512] {strides = array<i32>} : memref<16384xf32, #tpu.memory_space<vmem>>, vector<16xf32>,
      tpu.vector_store %arg12[%swap3A_512], %gather3A_509 {strides = array<i32>} : memref<16384xf32, #tpu.memory_space<vmem>>, vector<16xf32>,
      %get3A_514 = arith.constant 352 : index
      %get3A_515 = tpu.vector_load %arg8[%get3A_514] {strides = array<i32>} : memref<512xi32, #tpu.memory_space<vmem>>, vector<16xi32>,
      %gather3A_516 = tpu.vector_load_idx %arg11[%broadcast_in_dim3A, %get3A_515] : memref<32x1024xf32, #tpu.memory_space<vmem>>[vector<16xi32>, vector<16xi32>], vector<16xf32>,
      %add3A_517 = arith.constant 352 : i32
      %add3A_518 = arith.addi %mul3A_360, %add3A_517 : i32
      %swap3A_519 = arith.index_cast %add3A_518 : i32 to index
      %swap3A_520 = tpu.vector_load %arg12[%swap3A_519] {strides = array<i32>} : memref<16384xf32, #tpu.memory_space<vmem>>, vector<16xf32>,
      tpu.vector_store %arg12[%swap3A_519], %gather3A_516 {strides = array<i32>} : memref<16384xf32, #tpu.memory_space<vmem>>, vector<16xf32>,
      %get3A_521 = arith.constant 368 : index
      %get3A_522 = tpu.vector_load %arg8[%get3A_521] {strides = array<i32>} : memref<512xi32, #tpu.memory_space<vmem>>, vector<16xi32>,
      %gather3A_523 = tpu.vector_load_idx %arg11[%broadcast_in_dim3A, %get3A_522] : memref<32x1024xf32, #tpu.memory_space<vmem>>[vector<16xi32>, vector<16xi32>], vector<16xf32>,
      %add3A_524 = arith.constant 368 : i32
      %add3A_525 = arith.addi %mul3A_360, %add3A_524 : i32
      %swap3A_526 = arith.index_cast %add3A_525 : i32 to index
      %swap3A_527 = tpu.vector_load %arg12[%swap3A_526] {strides = array<i32>} : memref<16384xf32, #tpu.memory_space<vmem>>, vector<16xf32>,
      tpu.vector_store %arg12[%swap3A_526], %gather3A_523 {strides = array<i32>} : memref<16384xf32, #tpu.memory_space<vmem>>, vector<16xf32>,
      %get3A_528 = arith.constant 384 : index
      %get3A_529 = tpu.vector_load %arg8[%get3A_528] {strides = array<i32>} : memref<512xi32, #tpu.memory_space<vmem>>, vector<16xi32>,
      %gather3A_530 = tpu.vector_load_idx %arg11[%broadcast_in_dim3A, %get3A_529] : memref<32x1024xf32, #tpu.memory_space<vmem>>[vector<16xi32>, vector<16xi32>], vector<16xf32>,
      %add3A_531 = arith.constant 384 : i32
      %add3A_532 = arith.addi %mul3A_360, %add3A_531 : i32
      %swap3A_533 = arith.index_cast %add3A_532 : i32 to index
      %swap3A_534 = tpu.vector_load %arg12[%swap3A_533] {strides = array<i32>} : memref<16384xf32, #tpu.memory_space<vmem>>, vector<16xf32>,
      tpu.vector_store %arg12[%swap3A_533], %gather3A_530 {strides = array<i32>} : memref<16384xf32, #tpu.memory_space<vmem>>, vector<16xf32>,
      %get3A_535 = arith.constant 400 : index
      %get3A_536 = tpu.vector_load %arg8[%get3A_535] {strides = array<i32>} : memref<512xi32, #tpu.memory_space<vmem>>, vector<16xi32>,
      %gather3A_537 = tpu.vector_load_idx %arg11[%broadcast_in_dim3A, %get3A_536] : memref<32x1024xf32, #tpu.memory_space<vmem>>[vector<16xi32>, vector<16xi32>], vector<16xf32>,
      %add3A_538 = arith.constant 400 : i32
      %add3A_539 = arith.addi %mul3A_360, %add3A_538 : i32
      %swap3A_540 = arith.index_cast %add3A_539 : i32 to index
      %swap3A_541 = tpu.vector_load %arg12[%swap3A_540] {strides = array<i32>} : memref<16384xf32, #tpu.memory_space<vmem>>, vector<16xf32>,
      tpu.vector_store %arg12[%swap3A_540], %gather3A_537 {strides = array<i32>} : memref<16384xf32, #tpu.memory_space<vmem>>, vector<16xf32>,
      %get3A_542 = arith.constant 416 : index
      %get3A_543 = tpu.vector_load %arg8[%get3A_542] {strides = array<i32>} : memref<512xi32, #tpu.memory_space<vmem>>, vector<16xi32>,
      %gather3A_544 = tpu.vector_load_idx %arg11[%broadcast_in_dim3A, %get3A_543] : memref<32x1024xf32, #tpu.memory_space<vmem>>[vector<16xi32>, vector<16xi32>], vector<16xf32>,
      %add3A_545 = arith.constant 416 : i32
      %add3A_546 = arith.addi %mul3A_360, %add3A_545 : i32
      %swap3A_547 = arith.index_cast %add3A_546 : i32 to index
      %swap3A_548 = tpu.vector_load %arg12[%swap3A_547] {strides = array<i32>} : memref<16384xf32, #tpu.memory_space<vmem>>, vector<16xf32>,
      tpu.vector_store %arg12[%swap3A_547], %gather3A_544 {strides = array<i32>} : memref<16384xf32, #tpu.memory_space<vmem>>, vector<16xf32>,
      %get3A_549 = arith.constant 432 : index
      %get3A_550 = tpu.vector_load %arg8[%get3A_549] {strides = array<i32>} : memref<512xi32, #tpu.memory_space<vmem>>, vector<16xi32>,
      %gather3A_551 = tpu.vector_load_idx %arg11[%broadcast_in_dim3A, %get3A_550] : memref<32x1024xf32, #tpu.memory_space<vmem>>[vector<16xi32>, vector<16xi32>], vector<16xf32>,
      %add3A_552 = arith.constant 432 : i32
      %add3A_553 = arith.addi %mul3A_360, %add3A_552 : i32
      %swap3A_554 = arith.index_cast %add3A_553 : i32 to index
      %swap3A_555 = tpu.vector_load %arg12[%swap3A_554] {strides = array<i32>} : memref<16384xf32, #tpu.memory_space<vmem>>, vector<16xf32>,
      tpu.vector_store %arg12[%swap3A_554], %gather3A_551 {strides = array<i32>} : memref<16384xf32, #tpu.memory_space<vmem>>, vector<16xf32>,
      %get3A_556 = arith.constant 448 : index
      %get3A_557 = tpu.vector_load %arg8[%get3A_556] {strides = array<i32>} : memref<512xi32, #tpu.memory_space<vmem>>, vector<16xi32>,
      %gather3A_558 = tpu.vector_load_idx %arg11[%broadcast_in_dim3A, %get3A_557] : memref<32x1024xf32, #tpu.memory_space<vmem>>[vector<16xi32>, vector<16xi32>], vector<16xf32>,
      %add3A_559 = arith.constant 448 : i32
      %add3A_560 = arith.addi %mul3A_360, %add3A_559 : i32
      %swap3A_561 = arith.index_cast %add3A_560 : i32 to index
      %swap3A_562 = tpu.vector_load %arg12[%swap3A_561] {strides = array<i32>} : memref<16384xf32, #tpu.memory_space<vmem>>, vector<16xf32>,
      tpu.vector_store %arg12[%swap3A_561], %gather3A_558 {strides = array<i32>} : memref<16384xf32, #tpu.memory_space<vmem>>, vector<16xf32>,
      %get3A_563 = arith.constant 464 : index
      %get3A_564 = tpu.vector_load %arg8[%get3A_563] {strides = array<i32>} : memref<512xi32, #tpu.memory_space<vmem>>, vector<16xi32>,
      %gather3A_565 = tpu.vector_load_idx %arg11[%broadcast_in_dim3A, %get3A_564] : memref<32x1024xf32, #tpu.memory_space<vmem>>[vector<16xi32>, vector<16xi32>], vector<16xf32>,
      %add3A_566 = arith.constant 464 : i32
      %add3A_567 = arith.addi %mul3A_360, %add3A_566 : i32
      %swap3A_568 = arith.index_cast %add3A_567 : i32 to index
      %swap3A_569 = tpu.vector_load %arg12[%swap3A_568] {strides = array<i32>} : memref<16384xf32, #tpu.memory_space<vmem>>, vector<16xf32>,
      tpu.vector_store %arg12[%swap3A_568], %gather3A_565 {strides = array<i32>} : memref<16384xf32, #tpu.memory_space<vmem>>, vector<16xf32>,
      %get3A_570 = arith.constant 480 : index
      %get3A_571 = tpu.vector_load %arg8[%get3A_570] {strides = array<i32>} : memref<512xi32, #tpu.memory_space<vmem>>, vector<16xi32>,
      %gather3A_572 = tpu.vector_load_idx %arg11[%broadcast_in_dim3A, %get3A_571] : memref<32x1024xf32, #tpu.memory_space<vmem>>[vector<16xi32>, vector<16xi32>], vector<16xf32>,
      %add3A_573 = arith.constant 480 : i32
      %add3A_574 = arith.addi %mul3A_360, %add3A_573 : i32
      %swap3A_575 = arith.index_cast %add3A_574 : i32 to index
      %swap3A_576 = tpu.vector_load %arg12[%swap3A_575] {strides = array<i32>} : memref<16384xf32, #tpu.memory_space<vmem>>, vector<16xf32>,
      tpu.vector_store %arg12[%swap3A_575], %gather3A_572 {strides = array<i32>} : memref<16384xf32, #tpu.memory_space<vmem>>, vector<16xf32>,
      %get3A_577 = arith.constant 496 : index
      %get3A_578 = tpu.vector_load %arg8[%get3A_577] {strides = array<i32>} : memref<512xi32, #tpu.memory_space<vmem>>, vector<16xi32>,
      %gather3A_579 = tpu.vector_load_idx %arg11[%broadcast_in_dim3A, %get3A_578] : memref<32x1024xf32, #tpu.memory_space<vmem>>[vector<16xi32>, vector<16xi32>], vector<16xf32>,
      %add3A_580 = arith.constant 496 : i32
      %add3A_581 = arith.addi %mul3A_360, %add3A_580 : i32
      %swap3A_582 = arith.index_cast %add3A_581 : i32 to index
      %swap3A_583 = tpu.vector_load %arg12[%swap3A_582] {strides = array<i32>} : memref<16384xf32, #tpu.memory_space<vmem>>, vector<16xf32>,
      tpu.vector_store %arg12[%swap3A_582], %gather3A_579 {strides = array<i32>} : memref<16384xf32, #tpu.memory_space<vmem>>, vector<16xf32>,
    }
    %scan3A_315 = arith.constant 32 : i32
    %add3A_316 = arith.constant 32 : i32
    %add3A_317 = arith.addi %mul3A_2, %add3A_316 : i32
    %mul3A_318 = arith.constant 512 : i32
    %mul3A_319 = arith.muli %add3A_317, %mul3A_318 : i32
    "tpu.region"() ({
      %run_scoped3A = tpu.sem_alloc : memref<!tpu.dma_semaphore, #tpu.memory_space<semaphore_mem>>
      %dma_start3A_358 = arith.constant 0 : i32
      %dma_start3A_359 = tpu.memref_slice %arg12[%dma_start3A_358] : memref<16384xf32, #tpu.memory_space<vmem>> -> memref<16384xf32, #tpu.memory_space<vmem>>
      %dma_start3A_360 = tpu.memref_slice %arg5[%mul3A_319] : memref<2097152xf32, #tpu.memory_space<hbm>> -> memref<16384xf32, #tpu.memory_space<hbm>>
      %dma_start3A_361 = tpu.memref_slice %arg5[%mul3A_319] : memref<2097152xf32, #tpu.memory_space<hbm>> -> memref<16384xf32, #tpu.memory_space<hbm>>
      %dma_start3A_362 = arith.constant 0 : i32
      %dma_start3A_363 = tpu.memref_slice %arg12[%dma_start3A_362] : memref<16384xf32, #tpu.memory_space<vmem>> -> memref<16384xf32, #tpu.memory_space<vmem>>
      tpu.enqueue_dma source(%dma_start3A_363 : memref<16384xf32, #tpu.memory_space<vmem>>) target(%dma_start3A_361 : memref<16384xf32, #tpu.memory_space<hbm>>) target_semaphore(%run_scoped3A : memref<!tpu.dma_semaphore, #tpu.memory_space<semaphore_mem>>)
      %dma_wait3A_364 = arith.constant 0 : i32
      %dma_wait3A_365 = tpu.memref_slice %arg12[%dma_wait3A_364] : memref<16384xf32, #tpu.memory_space<vmem>> -> memref<16384xf32, #tpu.memory_space<vmem>>
      %dma_wait3A_366 = tpu.memref_slice %arg5[%mul3A_319] : memref<2097152xf32, #tpu.memory_space<hbm>> -> memref<16384xf32, #tpu.memory_space<hbm>>
      %dma_wait3A_367 = tpu.memref_slice %arg5[%mul3A_319] : memref<2097152xf32, #tpu.memory_space<hbm>> -> memref<16384xf32, #tpu.memory_space<hbm>>
      %dma_wait3A_368 = arith.constant 0 : i32
      %dma_wait3A_369 = tpu.memref_slice %arg12[%dma_wait3A_368] : memref<16384xf32, #tpu.memory_space<vmem>> -> memref<16384xf32, #tpu.memory_space<vmem>>
      tpu.wait_dma2 semaphore(%run_scoped3A : memref<!tpu.dma_semaphore, #tpu.memory_space<semaphore_mem>>) src(%dma_wait3A_369 : memref<16384xf32, #tpu.memory_space<vmem>>) dst(%dma_wait3A_367 : memref<16384xf32, #tpu.memory_space<hbm>>)
      tpu.yield
    }) : () -> ()
    %dma_start3A_320 = arith.constant 96 : i32
    %dma_start3A_321 = tpu.memref_slice %arg7[%dma_start3A_320] : memref<128xi32, #tpu.memory_space<vmem>> -> memref<32xi32, #tpu.memory_space<vmem>>
    %dma_start3A_322 = arith.constant 0 : i32
    %dma_start3A_323 = arith.constant 0 : i32
    %dma_start3A_324 = tpu.memref_slice %arg2[%dma_start3A_322, %dma_start3A_323] : memref<8192x1024xf32, #tpu.memory_space<hbm>> -> memref<8192x1024xf32, #tpu.memory_space<hbm>>
    tpu.enqueue_indirect_dma source(%dma_start3A_324 : memref<8192x1024xf32, #tpu.memory_space<hbm>>) target(%arg11 : memref<32x1024xf32, #tpu.memory_space<vmem>>) offsets(%dma_start3A_321 : memref<32xi32, #tpu.memory_space<vmem>>) semaphore(%arg14 : memref<!tpu.dma_semaphore, #tpu.memory_space<semaphore_mem>>)
    %dma_wait3A_325 = arith.constant 64 : i32
    %dma_wait3A_326 = tpu.memref_slice %arg7[%dma_wait3A_325] : memref<128xi32, #tpu.memory_space<vmem>> -> memref<32xi32, #tpu.memory_space<vmem>>
    %dma_wait3A_327 = arith.constant 0 : i32
    %dma_wait3A_328 = arith.constant 0 : i32
    %dma_wait3A_329 = tpu.memref_slice %arg2[%dma_wait3A_327, %dma_wait3A_328] : memref<8192x1024xf32, #tpu.memory_space<hbm>> -> memref<8192x1024xf32, #tpu.memory_space<hbm>>
    tpu.wait_indirect_dma semaphore(%arg14 : memref<!tpu.dma_semaphore, #tpu.memory_space<semaphore_mem>>) src(%dma_wait3A_329 : memref<8192x1024xf32, #tpu.memory_space<hbm>>) dst(%arg10 : memref<32x1024xf32, #tpu.memory_space<vmem>>)
    %scan3A_330 = arith.constant 0 : i32
    %scan3A_331 = arith.constant 0 : i32
    %scan3A_332 = arith.constant 32 : i32
    %scan3A_333 = arith.addi %scan3A_331, %scan3A_332 : i32
    %scan3A_334 = arith.constant 1 : i32
    scf.for %scan3A_358 = %scan3A_331 to %scan3A_333 step %scan3A_334  : i32 {
      %mul3A_359 = arith.constant 512 : i32
      %mul3A_360 = arith.muli %scan3A_358, %mul3A_359 : i32
      %broadcast_in_dim3A = vector.broadcast %scan3A_358 : i32 to vector<16xi32>
      %get3A_361 = arith.constant 0 : index
      %get3A_362 = tpu.vector_load %arg8[%get3A_361] {strides = array<i32>} : memref<512xi32, #tpu.memory_space<vmem>>, vector<16xi32>,
      %gather3A = tpu.vector_load_idx %arg10[%broadcast_in_dim3A, %get3A_362] : memref<32x1024xf32, #tpu.memory_space<vmem>>[vector<16xi32>, vector<16xi32>], vector<16xf32>,
      %add3A_363 = arith.constant 0 : i32
      %add3A_364 = arith.addi %mul3A_360, %add3A_363 : i32
      %swap3A_365 = arith.index_cast %add3A_364 : i32 to index
      %swap3A_366 = tpu.vector_load %arg12[%swap3A_365] {strides = array<i32>} : memref<16384xf32, #tpu.memory_space<vmem>>, vector<16xf32>,
      tpu.vector_store %arg12[%swap3A_365], %gather3A {strides = array<i32>} : memref<16384xf32, #tpu.memory_space<vmem>>, vector<16xf32>,
      %get3A_367 = arith.constant 16 : index
      %get3A_368 = tpu.vector_load %arg8[%get3A_367] {strides = array<i32>} : memref<512xi32, #tpu.memory_space<vmem>>, vector<16xi32>,
      %gather3A_369 = tpu.vector_load_idx %arg10[%broadcast_in_dim3A, %get3A_368] : memref<32x1024xf32, #tpu.memory_space<vmem>>[vector<16xi32>, vector<16xi32>], vector<16xf32>,
      %add3A_370 = arith.constant 16 : i32
      %add3A_371 = arith.addi %mul3A_360, %add3A_370 : i32
      %swap3A_372 = arith.index_cast %add3A_371 : i32 to index
      %swap3A_373 = tpu.vector_load %arg12[%swap3A_372] {strides = array<i32>} : memref<16384xf32, #tpu.memory_space<vmem>>, vector<16xf32>,
      tpu.vector_store %arg12[%swap3A_372], %gather3A_369 {strides = array<i32>} : memref<16384xf32, #tpu.memory_space<vmem>>, vector<16xf32>,
      %get3A_374 = arith.constant 32 : index
      %get3A_375 = tpu.vector_load %arg8[%get3A_374] {strides = array<i32>} : memref<512xi32, #tpu.memory_space<vmem>>, vector<16xi32>,
      %gather3A_376 = tpu.vector_load_idx %arg10[%broadcast_in_dim3A, %get3A_375] : memref<32x1024xf32, #tpu.memory_space<vmem>>[vector<16xi32>, vector<16xi32>], vector<16xf32>,
      %add3A_377 = arith.constant 32 : i32
      %add3A_378 = arith.addi %mul3A_360, %add3A_377 : i32
      %swap3A_379 = arith.index_cast %add3A_378 : i32 to index
      %swap3A_380 = tpu.vector_load %arg12[%swap3A_379] {strides = array<i32>} : memref<16384xf32, #tpu.memory_space<vmem>>, vector<16xf32>,
      tpu.vector_store %arg12[%swap3A_379], %gather3A_376 {strides = array<i32>} : memref<16384xf32, #tpu.memory_space<vmem>>, vector<16xf32>,
      %get3A_381 = arith.constant 48 : index
      %get3A_382 = tpu.vector_load %arg8[%get3A_381] {strides = array<i32>} : memref<512xi32, #tpu.memory_space<vmem>>, vector<16xi32>,
      %gather3A_383 = tpu.vector_load_idx %arg10[%broadcast_in_dim3A, %get3A_382] : memref<32x1024xf32, #tpu.memory_space<vmem>>[vector<16xi32>, vector<16xi32>], vector<16xf32>,
      %add3A_384 = arith.constant 48 : i32
      %add3A_385 = arith.addi %mul3A_360, %add3A_384 : i32
      %swap3A_386 = arith.index_cast %add3A_385 : i32 to index
      %swap3A_387 = tpu.vector_load %arg12[%swap3A_386] {strides = array<i32>} : memref<16384xf32, #tpu.memory_space<vmem>>, vector<16xf32>,
      tpu.vector_store %arg12[%swap3A_386], %gather3A_383 {strides = array<i32>} : memref<16384xf32, #tpu.memory_space<vmem>>, vector<16xf32>,
      %get3A_388 = arith.constant 64 : index
      %get3A_389 = tpu.vector_load %arg8[%get3A_388] {strides = array<i32>} : memref<512xi32, #tpu.memory_space<vmem>>, vector<16xi32>,
      %gather3A_390 = tpu.vector_load_idx %arg10[%broadcast_in_dim3A, %get3A_389] : memref<32x1024xf32, #tpu.memory_space<vmem>>[vector<16xi32>, vector<16xi32>], vector<16xf32>,
      %add3A_391 = arith.constant 64 : i32
      %add3A_392 = arith.addi %mul3A_360, %add3A_391 : i32
      %swap3A_393 = arith.index_cast %add3A_392 : i32 to index
      %swap3A_394 = tpu.vector_load %arg12[%swap3A_393] {strides = array<i32>} : memref<16384xf32, #tpu.memory_space<vmem>>, vector<16xf32>,
      tpu.vector_store %arg12[%swap3A_393], %gather3A_390 {strides = array<i32>} : memref<16384xf32, #tpu.memory_space<vmem>>, vector<16xf32>,
      %get3A_395 = arith.constant 80 : index
      %get3A_396 = tpu.vector_load %arg8[%get3A_395] {strides = array<i32>} : memref<512xi32, #tpu.memory_space<vmem>>, vector<16xi32>,
      %gather3A_397 = tpu.vector_load_idx %arg10[%broadcast_in_dim3A, %get3A_396] : memref<32x1024xf32, #tpu.memory_space<vmem>>[vector<16xi32>, vector<16xi32>], vector<16xf32>,
      %add3A_398 = arith.constant 80 : i32
      %add3A_399 = arith.addi %mul3A_360, %add3A_398 : i32
      %swap3A_400 = arith.index_cast %add3A_399 : i32 to index
      %swap3A_401 = tpu.vector_load %arg12[%swap3A_400] {strides = array<i32>} : memref<16384xf32, #tpu.memory_space<vmem>>, vector<16xf32>,
      tpu.vector_store %arg12[%swap3A_400], %gather3A_397 {strides = array<i32>} : memref<16384xf32, #tpu.memory_space<vmem>>, vector<16xf32>,
      %get3A_402 = arith.constant 96 : index
      %get3A_403 = tpu.vector_load %arg8[%get3A_402] {strides = array<i32>} : memref<512xi32, #tpu.memory_space<vmem>>, vector<16xi32>,
      %gather3A_404 = tpu.vector_load_idx %arg10[%broadcast_in_dim3A, %get3A_403] : memref<32x1024xf32, #tpu.memory_space<vmem>>[vector<16xi32>, vector<16xi32>], vector<16xf32>,
      %add3A_405 = arith.constant 96 : i32
      %add3A_406 = arith.addi %mul3A_360, %add3A_405 : i32
      %swap3A_407 = arith.index_cast %add3A_406 : i32 to index
      %swap3A_408 = tpu.vector_load %arg12[%swap3A_407] {strides = array<i32>} : memref<16384xf32, #tpu.memory_space<vmem>>, vector<16xf32>,
      tpu.vector_store %arg12[%swap3A_407], %gather3A_404 {strides = array<i32>} : memref<16384xf32, #tpu.memory_space<vmem>>, vector<16xf32>,
      %get3A_409 = arith.constant 112 : index
      %get3A_410 = tpu.vector_load %arg8[%get3A_409] {strides = array<i32>} : memref<512xi32, #tpu.memory_space<vmem>>, vector<16xi32>,
      %gather3A_411 = tpu.vector_load_idx %arg10[%broadcast_in_dim3A, %get3A_410] : memref<32x1024xf32, #tpu.memory_space<vmem>>[vector<16xi32>, vector<16xi32>], vector<16xf32>,
      %add3A_412 = arith.constant 112 : i32
      %add3A_413 = arith.addi %mul3A_360, %add3A_412 : i32
      %swap3A_414 = arith.index_cast %add3A_413 : i32 to index
      %swap3A_415 = tpu.vector_load %arg12[%swap3A_414] {strides = array<i32>} : memref<16384xf32, #tpu.memory_space<vmem>>, vector<16xf32>,
      tpu.vector_store %arg12[%swap3A_414], %gather3A_411 {strides = array<i32>} : memref<16384xf32, #tpu.memory_space<vmem>>, vector<16xf32>,
      %get3A_416 = arith.constant 128 : index
      %get3A_417 = tpu.vector_load %arg8[%get3A_416] {strides = array<i32>} : memref<512xi32, #tpu.memory_space<vmem>>, vector<16xi32>,
      %gather3A_418 = tpu.vector_load_idx %arg10[%broadcast_in_dim3A, %get3A_417] : memref<32x1024xf32, #tpu.memory_space<vmem>>[vector<16xi32>, vector<16xi32>], vector<16xf32>,
      %add3A_419 = arith.constant 128 : i32
      %add3A_420 = arith.addi %mul3A_360, %add3A_419 : i32
      %swap3A_421 = arith.index_cast %add3A_420 : i32 to index
      %swap3A_422 = tpu.vector_load %arg12[%swap3A_421] {strides = array<i32>} : memref<16384xf32, #tpu.memory_space<vmem>>, vector<16xf32>,
      tpu.vector_store %arg12[%swap3A_421], %gather3A_418 {strides = array<i32>} : memref<16384xf32, #tpu.memory_space<vmem>>, vector<16xf32>,
      %get3A_423 = arith.constant 144 : index
      %get3A_424 = tpu.vector_load %arg8[%get3A_423] {strides = array<i32>} : memref<512xi32, #tpu.memory_space<vmem>>, vector<16xi32>,
      %gather3A_425 = tpu.vector_load_idx %arg10[%broadcast_in_dim3A, %get3A_424] : memref<32x1024xf32, #tpu.memory_space<vmem>>[vector<16xi32>, vector<16xi32>], vector<16xf32>,
      %add3A_426 = arith.constant 144 : i32
      %add3A_427 = arith.addi %mul3A_360, %add3A_426 : i32
      %swap3A_428 = arith.index_cast %add3A_427 : i32 to index
      %swap3A_429 = tpu.vector_load %arg12[%swap3A_428] {strides = array<i32>} : memref<16384xf32, #tpu.memory_space<vmem>>, vector<16xf32>,
      tpu.vector_store %arg12[%swap3A_428], %gather3A_425 {strides = array<i32>} : memref<16384xf32, #tpu.memory_space<vmem>>, vector<16xf32>,
      %get3A_430 = arith.constant 160 : index
      %get3A_431 = tpu.vector_load %arg8[%get3A_430] {strides = array<i32>} : memref<512xi32, #tpu.memory_space<vmem>>, vector<16xi32>,
      %gather3A_432 = tpu.vector_load_idx %arg10[%broadcast_in_dim3A, %get3A_431] : memref<32x1024xf32, #tpu.memory_space<vmem>>[vector<16xi32>, vector<16xi32>], vector<16xf32>,
      %add3A_433 = arith.constant 160 : i32
      %add3A_434 = arith.addi %mul3A_360, %add3A_433 : i32
      %swap3A_435 = arith.index_cast %add3A_434 : i32 to index
      %swap3A_436 = tpu.vector_load %arg12[%swap3A_435] {strides = array<i32>} : memref<16384xf32, #tpu.memory_space<vmem>>, vector<16xf32>,
      tpu.vector_store %arg12[%swap3A_435], %gather3A_432 {strides = array<i32>} : memref<16384xf32, #tpu.memory_space<vmem>>, vector<16xf32>,
      %get3A_437 = arith.constant 176 : index
      %get3A_438 = tpu.vector_load %arg8[%get3A_437] {strides = array<i32>} : memref<512xi32, #tpu.memory_space<vmem>>, vector<16xi32>,
      %gather3A_439 = tpu.vector_load_idx %arg10[%broadcast_in_dim3A, %get3A_438] : memref<32x1024xf32, #tpu.memory_space<vmem>>[vector<16xi32>, vector<16xi32>], vector<16xf32>,
      %add3A_440 = arith.constant 176 : i32
      %add3A_441 = arith.addi %mul3A_360, %add3A_440 : i32
      %swap3A_442 = arith.index_cast %add3A_441 : i32 to index
      %swap3A_443 = tpu.vector_load %arg12[%swap3A_442] {strides = array<i32>} : memref<16384xf32, #tpu.memory_space<vmem>>, vector<16xf32>,
      tpu.vector_store %arg12[%swap3A_442], %gather3A_439 {strides = array<i32>} : memref<16384xf32, #tpu.memory_space<vmem>>, vector<16xf32>,
      %get3A_444 = arith.constant 192 : index
      %get3A_445 = tpu.vector_load %arg8[%get3A_444] {strides = array<i32>} : memref<512xi32, #tpu.memory_space<vmem>>, vector<16xi32>,
      %gather3A_446 = tpu.vector_load_idx %arg10[%broadcast_in_dim3A, %get3A_445] : memref<32x1024xf32, #tpu.memory_space<vmem>>[vector<16xi32>, vector<16xi32>], vector<16xf32>,
      %add3A_447 = arith.constant 192 : i32
      %add3A_448 = arith.addi %mul3A_360, %add3A_447 : i32
      %swap3A_449 = arith.index_cast %add3A_448 : i32 to index
      %swap3A_450 = tpu.vector_load %arg12[%swap3A_449] {strides = array<i32>} : memref<16384xf32, #tpu.memory_space<vmem>>, vector<16xf32>,
      tpu.vector_store %arg12[%swap3A_449], %gather3A_446 {strides = array<i32>} : memref<16384xf32, #tpu.memory_space<vmem>>, vector<16xf32>,
      %get3A_451 = arith.constant 208 : index
      %get3A_452 = tpu.vector_load %arg8[%get3A_451] {strides = array<i32>} : memref<512xi32, #tpu.memory_space<vmem>>, vector<16xi32>,
      %gather3A_453 = tpu.vector_load_idx %arg10[%broadcast_in_dim3A, %get3A_452] : memref<32x1024xf32, #tpu.memory_space<vmem>>[vector<16xi32>, vector<16xi32>], vector<16xf32>,
      %add3A_454 = arith.constant 208 : i32
      %add3A_455 = arith.addi %mul3A_360, %add3A_454 : i32
      %swap3A_456 = arith.index_cast %add3A_455 : i32 to index
      %swap3A_457 = tpu.vector_load %arg12[%swap3A_456] {strides = array<i32>} : memref<16384xf32, #tpu.memory_space<vmem>>, vector<16xf32>,
      tpu.vector_store %arg12[%swap3A_456], %gather3A_453 {strides = array<i32>} : memref<16384xf32, #tpu.memory_space<vmem>>, vector<16xf32>,
      %get3A_458 = arith.constant 224 : index
      %get3A_459 = tpu.vector_load %arg8[%get3A_458] {strides = array<i32>} : memref<512xi32, #tpu.memory_space<vmem>>, vector<16xi32>,
      %gather3A_460 = tpu.vector_load_idx %arg10[%broadcast_in_dim3A, %get3A_459] : memref<32x1024xf32, #tpu.memory_space<vmem>>[vector<16xi32>, vector<16xi32>], vector<16xf32>,
      %add3A_461 = arith.constant 224 : i32
      %add3A_462 = arith.addi %mul3A_360, %add3A_461 : i32
      %swap3A_463 = arith.index_cast %add3A_462 : i32 to index
      %swap3A_464 = tpu.vector_load %arg12[%swap3A_463] {strides = array<i32>} : memref<16384xf32, #tpu.memory_space<vmem>>, vector<16xf32>,
      tpu.vector_store %arg12[%swap3A_463], %gather3A_460 {strides = array<i32>} : memref<16384xf32, #tpu.memory_space<vmem>>, vector<16xf32>,
      %get3A_465 = arith.constant 240 : index
      %get3A_466 = tpu.vector_load %arg8[%get3A_465] {strides = array<i32>} : memref<512xi32, #tpu.memory_space<vmem>>, vector<16xi32>,
      %gather3A_467 = tpu.vector_load_idx %arg10[%broadcast_in_dim3A, %get3A_466] : memref<32x1024xf32, #tpu.memory_space<vmem>>[vector<16xi32>, vector<16xi32>], vector<16xf32>,
      %add3A_468 = arith.constant 240 : i32
      %add3A_469 = arith.addi %mul3A_360, %add3A_468 : i32
      %swap3A_470 = arith.index_cast %add3A_469 : i32 to index
      %swap3A_471 = tpu.vector_load %arg12[%swap3A_470] {strides = array<i32>} : memref<16384xf32, #tpu.memory_space<vmem>>, vector<16xf32>,
      tpu.vector_store %arg12[%swap3A_470], %gather3A_467 {strides = array<i32>} : memref<16384xf32, #tpu.memory_space<vmem>>, vector<16xf32>,
      %get3A_472 = arith.constant 256 : index
      %get3A_473 = tpu.vector_load %arg8[%get3A_472] {strides = array<i32>} : memref<512xi32, #tpu.memory_space<vmem>>, vector<16xi32>,
      %gather3A_474 = tpu.vector_load_idx %arg10[%broadcast_in_dim3A, %get3A_473] : memref<32x1024xf32, #tpu.memory_space<vmem>>[vector<16xi32>, vector<16xi32>], vector<16xf32>,
      %add3A_475 = arith.constant 256 : i32
      %add3A_476 = arith.addi %mul3A_360, %add3A_475 : i32
      %swap3A_477 = arith.index_cast %add3A_476 : i32 to index
      %swap3A_478 = tpu.vector_load %arg12[%swap3A_477] {strides = array<i32>} : memref<16384xf32, #tpu.memory_space<vmem>>, vector<16xf32>,
      tpu.vector_store %arg12[%swap3A_477], %gather3A_474 {strides = array<i32>} : memref<16384xf32, #tpu.memory_space<vmem>>, vector<16xf32>,
      %get3A_479 = arith.constant 272 : index
      %get3A_480 = tpu.vector_load %arg8[%get3A_479] {strides = array<i32>} : memref<512xi32, #tpu.memory_space<vmem>>, vector<16xi32>,
      %gather3A_481 = tpu.vector_load_idx %arg10[%broadcast_in_dim3A, %get3A_480] : memref<32x1024xf32, #tpu.memory_space<vmem>>[vector<16xi32>, vector<16xi32>], vector<16xf32>,
      %add3A_482 = arith.constant 272 : i32
      %add3A_483 = arith.addi %mul3A_360, %add3A_482 : i32
      %swap3A_484 = arith.index_cast %add3A_483 : i32 to index
      %swap3A_485 = tpu.vector_load %arg12[%swap3A_484] {strides = array<i32>} : memref<16384xf32, #tpu.memory_space<vmem>>, vector<16xf32>,
      tpu.vector_store %arg12[%swap3A_484], %gather3A_481 {strides = array<i32>} : memref<16384xf32, #tpu.memory_space<vmem>>, vector<16xf32>,
      %get3A_486 = arith.constant 288 : index
      %get3A_487 = tpu.vector_load %arg8[%get3A_486] {strides = array<i32>} : memref<512xi32, #tpu.memory_space<vmem>>, vector<16xi32>,
      %gather3A_488 = tpu.vector_load_idx %arg10[%broadcast_in_dim3A, %get3A_487] : memref<32x1024xf32, #tpu.memory_space<vmem>>[vector<16xi32>, vector<16xi32>], vector<16xf32>,
      %add3A_489 = arith.constant 288 : i32
      %add3A_490 = arith.addi %mul3A_360, %add3A_489 : i32
      %swap3A_491 = arith.index_cast %add3A_490 : i32 to index
      %swap3A_492 = tpu.vector_load %arg12[%swap3A_491] {strides = array<i32>} : memref<16384xf32, #tpu.memory_space<vmem>>, vector<16xf32>,
      tpu.vector_store %arg12[%swap3A_491], %gather3A_488 {strides = array<i32>} : memref<16384xf32, #tpu.memory_space<vmem>>, vector<16xf32>,
      %get3A_493 = arith.constant 304 : index
      %get3A_494 = tpu.vector_load %arg8[%get3A_493] {strides = array<i32>} : memref<512xi32, #tpu.memory_space<vmem>>, vector<16xi32>,
      %gather3A_495 = tpu.vector_load_idx %arg10[%broadcast_in_dim3A, %get3A_494] : memref<32x1024xf32, #tpu.memory_space<vmem>>[vector<16xi32>, vector<16xi32>], vector<16xf32>,
      %add3A_496 = arith.constant 304 : i32
      %add3A_497 = arith.addi %mul3A_360, %add3A_496 : i32
      %swap3A_498 = arith.index_cast %add3A_497 : i32 to index
      %swap3A_499 = tpu.vector_load %arg12[%swap3A_498] {strides = array<i32>} : memref<16384xf32, #tpu.memory_space<vmem>>, vector<16xf32>,
      tpu.vector_store %arg12[%swap3A_498], %gather3A_495 {strides = array<i32>} : memref<16384xf32, #tpu.memory_space<vmem>>, vector<16xf32>,
      %get3A_500 = arith.constant 320 : index
      %get3A_501 = tpu.vector_load %arg8[%get3A_500] {strides = array<i32>} : memref<512xi32, #tpu.memory_space<vmem>>, vector<16xi32>,
      %gather3A_502 = tpu.vector_load_idx %arg10[%broadcast_in_dim3A, %get3A_501] : memref<32x1024xf32, #tpu.memory_space<vmem>>[vector<16xi32>, vector<16xi32>], vector<16xf32>,
      %add3A_503 = arith.constant 320 : i32
      %add3A_504 = arith.addi %mul3A_360, %add3A_503 : i32
      %swap3A_505 = arith.index_cast %add3A_504 : i32 to index
      %swap3A_506 = tpu.vector_load %arg12[%swap3A_505] {strides = array<i32>} : memref<16384xf32, #tpu.memory_space<vmem>>, vector<16xf32>,
      tpu.vector_store %arg12[%swap3A_505], %gather3A_502 {strides = array<i32>} : memref<16384xf32, #tpu.memory_space<vmem>>, vector<16xf32>,
      %get3A_507 = arith.constant 336 : index
      %get3A_508 = tpu.vector_load %arg8[%get3A_507] {strides = array<i32>} : memref<512xi32, #tpu.memory_space<vmem>>, vector<16xi32>,
      %gather3A_509 = tpu.vector_load_idx %arg10[%broadcast_in_dim3A, %get3A_508] : memref<32x1024xf32, #tpu.memory_space<vmem>>[vector<16xi32>, vector<16xi32>], vector<16xf32>,
      %add3A_510 = arith.constant 336 : i32
      %add3A_511 = arith.addi %mul3A_360, %add3A_510 : i32
      %swap3A_512 = arith.index_cast %add3A_511 : i32 to index
      %swap3A_513 = tpu.vector_load %arg12[%swap3A_512] {strides = array<i32>} : memref<16384xf32, #tpu.memory_space<vmem>>, vector<16xf32>,
      tpu.vector_store %arg12[%swap3A_512], %gather3A_509 {strides = array<i32>} : memref<16384xf32, #tpu.memory_space<vmem>>, vector<16xf32>,
      %get3A_514 = arith.constant 352 : index
      %get3A_515 = tpu.vector_load %arg8[%get3A_514] {strides = array<i32>} : memref<512xi32, #tpu.memory_space<vmem>>, vector<16xi32>,
      %gather3A_516 = tpu.vector_load_idx %arg10[%broadcast_in_dim3A, %get3A_515] : memref<32x1024xf32, #tpu.memory_space<vmem>>[vector<16xi32>, vector<16xi32>], vector<16xf32>,
      %add3A_517 = arith.constant 352 : i32
      %add3A_518 = arith.addi %mul3A_360, %add3A_517 : i32
      %swap3A_519 = arith.index_cast %add3A_518 : i32 to index
      %swap3A_520 = tpu.vector_load %arg12[%swap3A_519] {strides = array<i32>} : memref<16384xf32, #tpu.memory_space<vmem>>, vector<16xf32>,
      tpu.vector_store %arg12[%swap3A_519], %gather3A_516 {strides = array<i32>} : memref<16384xf32, #tpu.memory_space<vmem>>, vector<16xf32>,
      %get3A_521 = arith.constant 368 : index
      %get3A_522 = tpu.vector_load %arg8[%get3A_521] {strides = array<i32>} : memref<512xi32, #tpu.memory_space<vmem>>, vector<16xi32>,
      %gather3A_523 = tpu.vector_load_idx %arg10[%broadcast_in_dim3A, %get3A_522] : memref<32x1024xf32, #tpu.memory_space<vmem>>[vector<16xi32>, vector<16xi32>], vector<16xf32>,
      %add3A_524 = arith.constant 368 : i32
      %add3A_525 = arith.addi %mul3A_360, %add3A_524 : i32
      %swap3A_526 = arith.index_cast %add3A_525 : i32 to index
      %swap3A_527 = tpu.vector_load %arg12[%swap3A_526] {strides = array<i32>} : memref<16384xf32, #tpu.memory_space<vmem>>, vector<16xf32>,
      tpu.vector_store %arg12[%swap3A_526], %gather3A_523 {strides = array<i32>} : memref<16384xf32, #tpu.memory_space<vmem>>, vector<16xf32>,
      %get3A_528 = arith.constant 384 : index
      %get3A_529 = tpu.vector_load %arg8[%get3A_528] {strides = array<i32>} : memref<512xi32, #tpu.memory_space<vmem>>, vector<16xi32>,
      %gather3A_530 = tpu.vector_load_idx %arg10[%broadcast_in_dim3A, %get3A_529] : memref<32x1024xf32, #tpu.memory_space<vmem>>[vector<16xi32>, vector<16xi32>], vector<16xf32>,
      %add3A_531 = arith.constant 384 : i32
      %add3A_532 = arith.addi %mul3A_360, %add3A_531 : i32
      %swap3A_533 = arith.index_cast %add3A_532 : i32 to index
      %swap3A_534 = tpu.vector_load %arg12[%swap3A_533] {strides = array<i32>} : memref<16384xf32, #tpu.memory_space<vmem>>, vector<16xf32>,
      tpu.vector_store %arg12[%swap3A_533], %gather3A_530 {strides = array<i32>} : memref<16384xf32, #tpu.memory_space<vmem>>, vector<16xf32>,
      %get3A_535 = arith.constant 400 : index
      %get3A_536 = tpu.vector_load %arg8[%get3A_535] {strides = array<i32>} : memref<512xi32, #tpu.memory_space<vmem>>, vector<16xi32>,
      %gather3A_537 = tpu.vector_load_idx %arg10[%broadcast_in_dim3A, %get3A_536] : memref<32x1024xf32, #tpu.memory_space<vmem>>[vector<16xi32>, vector<16xi32>], vector<16xf32>,
      %add3A_538 = arith.constant 400 : i32
      %add3A_539 = arith.addi %mul3A_360, %add3A_538 : i32
      %swap3A_540 = arith.index_cast %add3A_539 : i32 to index
      %swap3A_541 = tpu.vector_load %arg12[%swap3A_540] {strides = array<i32>} : memref<16384xf32, #tpu.memory_space<vmem>>, vector<16xf32>,
      tpu.vector_store %arg12[%swap3A_540], %gather3A_537 {strides = array<i32>} : memref<16384xf32, #tpu.memory_space<vmem>>, vector<16xf32>,
      %get3A_542 = arith.constant 416 : index
      %get3A_543 = tpu.vector_load %arg8[%get3A_542] {strides = array<i32>} : memref<512xi32, #tpu.memory_space<vmem>>, vector<16xi32>,
      %gather3A_544 = tpu.vector_load_idx %arg10[%broadcast_in_dim3A, %get3A_543] : memref<32x1024xf32, #tpu.memory_space<vmem>>[vector<16xi32>, vector<16xi32>], vector<16xf32>,
      %add3A_545 = arith.constant 416 : i32
      %add3A_546 = arith.addi %mul3A_360, %add3A_545 : i32
      %swap3A_547 = arith.index_cast %add3A_546 : i32 to index
      %swap3A_548 = tpu.vector_load %arg12[%swap3A_547] {strides = array<i32>} : memref<16384xf32, #tpu.memory_space<vmem>>, vector<16xf32>,
      tpu.vector_store %arg12[%swap3A_547], %gather3A_544 {strides = array<i32>} : memref<16384xf32, #tpu.memory_space<vmem>>, vector<16xf32>,
      %get3A_549 = arith.constant 432 : index
      %get3A_550 = tpu.vector_load %arg8[%get3A_549] {strides = array<i32>} : memref<512xi32, #tpu.memory_space<vmem>>, vector<16xi32>,
      %gather3A_551 = tpu.vector_load_idx %arg10[%broadcast_in_dim3A, %get3A_550] : memref<32x1024xf32, #tpu.memory_space<vmem>>[vector<16xi32>, vector<16xi32>], vector<16xf32>,
      %add3A_552 = arith.constant 432 : i32
      %add3A_553 = arith.addi %mul3A_360, %add3A_552 : i32
      %swap3A_554 = arith.index_cast %add3A_553 : i32 to index
      %swap3A_555 = tpu.vector_load %arg12[%swap3A_554] {strides = array<i32>} : memref<16384xf32, #tpu.memory_space<vmem>>, vector<16xf32>,
      tpu.vector_store %arg12[%swap3A_554], %gather3A_551 {strides = array<i32>} : memref<16384xf32, #tpu.memory_space<vmem>>, vector<16xf32>,
      %get3A_556 = arith.constant 448 : index
      %get3A_557 = tpu.vector_load %arg8[%get3A_556] {strides = array<i32>} : memref<512xi32, #tpu.memory_space<vmem>>, vector<16xi32>,
      %gather3A_558 = tpu.vector_load_idx %arg10[%broadcast_in_dim3A, %get3A_557] : memref<32x1024xf32, #tpu.memory_space<vmem>>[vector<16xi32>, vector<16xi32>], vector<16xf32>,
      %add3A_559 = arith.constant 448 : i32
      %add3A_560 = arith.addi %mul3A_360, %add3A_559 : i32
      %swap3A_561 = arith.index_cast %add3A_560 : i32 to index
      %swap3A_562 = tpu.vector_load %arg12[%swap3A_561] {strides = array<i32>} : memref<16384xf32, #tpu.memory_space<vmem>>, vector<16xf32>,
      tpu.vector_store %arg12[%swap3A_561], %gather3A_558 {strides = array<i32>} : memref<16384xf32, #tpu.memory_space<vmem>>, vector<16xf32>,
      %get3A_563 = arith.constant 464 : index
      %get3A_564 = tpu.vector_load %arg8[%get3A_563] {strides = array<i32>} : memref<512xi32, #tpu.memory_space<vmem>>, vector<16xi32>,
      %gather3A_565 = tpu.vector_load_idx %arg10[%broadcast_in_dim3A, %get3A_564] : memref<32x1024xf32, #tpu.memory_space<vmem>>[vector<16xi32>, vector<16xi32>], vector<16xf32>,
      %add3A_566 = arith.constant 464 : i32
      %add3A_567 = arith.addi %mul3A_360, %add3A_566 : i32
      %swap3A_568 = arith.index_cast %add3A_567 : i32 to index
      %swap3A_569 = tpu.vector_load %arg12[%swap3A_568] {strides = array<i32>} : memref<16384xf32, #tpu.memory_space<vmem>>, vector<16xf32>,
      tpu.vector_store %arg12[%swap3A_568], %gather3A_565 {strides = array<i32>} : memref<16384xf32, #tpu.memory_space<vmem>>, vector<16xf32>,
      %get3A_570 = arith.constant 480 : index
      %get3A_571 = tpu.vector_load %arg8[%get3A_570] {strides = array<i32>} : memref<512xi32, #tpu.memory_space<vmem>>, vector<16xi32>,
      %gather3A_572 = tpu.vector_load_idx %arg10[%broadcast_in_dim3A, %get3A_571] : memref<32x1024xf32, #tpu.memory_space<vmem>>[vector<16xi32>, vector<16xi32>], vector<16xf32>,
      %add3A_573 = arith.constant 480 : i32
      %add3A_574 = arith.addi %mul3A_360, %add3A_573 : i32
      %swap3A_575 = arith.index_cast %add3A_574 : i32 to index
      %swap3A_576 = tpu.vector_load %arg12[%swap3A_575] {strides = array<i32>} : memref<16384xf32, #tpu.memory_space<vmem>>, vector<16xf32>,
      tpu.vector_store %arg12[%swap3A_575], %gather3A_572 {strides = array<i32>} : memref<16384xf32, #tpu.memory_space<vmem>>, vector<16xf32>,
      %get3A_577 = arith.constant 496 : index
      %get3A_578 = tpu.vector_load %arg8[%get3A_577] {strides = array<i32>} : memref<512xi32, #tpu.memory_space<vmem>>, vector<16xi32>,
      %gather3A_579 = tpu.vector_load_idx %arg10[%broadcast_in_dim3A, %get3A_578] : memref<32x1024xf32, #tpu.memory_space<vmem>>[vector<16xi32>, vector<16xi32>], vector<16xf32>,
      %add3A_580 = arith.constant 496 : i32
      %add3A_581 = arith.addi %mul3A_360, %add3A_580 : i32
      %swap3A_582 = arith.index_cast %add3A_581 : i32 to index
      %swap3A_583 = tpu.vector_load %arg12[%swap3A_582] {strides = array<i32>} : memref<16384xf32, #tpu.memory_space<vmem>>, vector<16xf32>,
      tpu.vector_store %arg12[%swap3A_582], %gather3A_579 {strides = array<i32>} : memref<16384xf32, #tpu.memory_space<vmem>>, vector<16xf32>,
    }
    %scan3A_335 = arith.constant 32 : i32
    %add3A_336 = arith.constant 64 : i32
    %add3A_337 = arith.addi %mul3A_2, %add3A_336 : i32
    %mul3A_338 = arith.constant 512 : i32
    %mul3A_339 = arith.muli %add3A_337, %mul3A_338 : i32
    "tpu.region"() ({
      %run_scoped3A = tpu.sem_alloc : memref<!tpu.dma_semaphore, #tpu.memory_space<semaphore_mem>>
      %dma_start3A_358 = arith.constant 0 : i32
      %dma_start3A_359 = tpu.memref_slice %arg12[%dma_start3A_358] : memref<16384xf32, #tpu.memory_space<vmem>> -> memref<16384xf32, #tpu.memory_space<vmem>>
      %dma_start3A_360 = tpu.memref_slice %arg5[%mul3A_339] : memref<2097152xf32, #tpu.memory_space<hbm>> -> memref<16384xf32, #tpu.memory_space<hbm>>
      %dma_start3A_361 = tpu.memref_slice %arg5[%mul3A_339] : memref<2097152xf32, #tpu.memory_space<hbm>> -> memref<16384xf32, #tpu.memory_space<hbm>>
      %dma_start3A_362 = arith.constant 0 : i32
      %dma_start3A_363 = tpu.memref_slice %arg12[%dma_start3A_362] : memref<16384xf32, #tpu.memory_space<vmem>> -> memref<16384xf32, #tpu.memory_space<vmem>>
      tpu.enqueue_dma source(%dma_start3A_363 : memref<16384xf32, #tpu.memory_space<vmem>>) target(%dma_start3A_361 : memref<16384xf32, #tpu.memory_space<hbm>>) target_semaphore(%run_scoped3A : memref<!tpu.dma_semaphore, #tpu.memory_space<semaphore_mem>>)
      %dma_wait3A_364 = arith.constant 0 : i32
      %dma_wait3A_365 = tpu.memref_slice %arg12[%dma_wait3A_364] : memref<16384xf32, #tpu.memory_space<vmem>> -> memref<16384xf32, #tpu.memory_space<vmem>>
      %dma_wait3A_366 = tpu.memref_slice %arg5[%mul3A_339] : memref<2097152xf32, #tpu.memory_space<hbm>> -> memref<16384xf32, #tpu.memory_space<hbm>>
      %dma_wait3A_367 = tpu.memref_slice %arg5[%mul3A_339] : memref<2097152xf32, #tpu.memory_space<hbm>> -> memref<16384xf32, #tpu.memory_space<hbm>>
      %dma_wait3A_368 = arith.constant 0 : i32
      %dma_wait3A_369 = tpu.memref_slice %arg12[%dma_wait3A_368] : memref<16384xf32, #tpu.memory_space<vmem>> -> memref<16384xf32, #tpu.memory_space<vmem>>
      tpu.wait_dma2 semaphore(%run_scoped3A : memref<!tpu.dma_semaphore, #tpu.memory_space<semaphore_mem>>) src(%dma_wait3A_369 : memref<16384xf32, #tpu.memory_space<vmem>>) dst(%dma_wait3A_367 : memref<16384xf32, #tpu.memory_space<hbm>>)
      tpu.yield
    }) : () -> ()
    %dma_wait3A_340 = arith.constant 96 : i32
    %dma_wait3A_341 = tpu.memref_slice %arg7[%dma_wait3A_340] : memref<128xi32, #tpu.memory_space<vmem>> -> memref<32xi32, #tpu.memory_space<vmem>>
    %dma_wait3A_342 = arith.constant 0 : i32
    %dma_wait3A_343 = arith.constant 0 : i32
    %dma_wait3A_344 = tpu.memref_slice %arg2[%dma_wait3A_342, %dma_wait3A_343] : memref<8192x1024xf32, #tpu.memory_space<hbm>> -> memref<8192x1024xf32, #tpu.memory_space<hbm>>
    tpu.wait_indirect_dma semaphore(%arg14 : memref<!tpu.dma_semaphore, #tpu.memory_space<semaphore_mem>>) src(%dma_wait3A_344 : memref<8192x1024xf32, #tpu.memory_space<hbm>>) dst(%arg11 : memref<32x1024xf32, #tpu.memory_space<vmem>>)
    %scan3A_345 = arith.constant 0 : i32
    %scan3A_346 = arith.constant 0 : i32
    %scan3A_347 = arith.constant 32 : i32
    %scan3A_348 = arith.addi %scan3A_346, %scan3A_347 : i32
    %scan3A_349 = arith.constant 1 : i32
    scf.for %scan3A_358 = %scan3A_346 to %scan3A_348 step %scan3A_349  : i32 {
      %mul3A_359 = arith.constant 512 : i32
      %mul3A_360 = arith.muli %scan3A_358, %mul3A_359 : i32
      %broadcast_in_dim3A = vector.broadcast %scan3A_358 : i32 to vector<16xi32>
      %get3A_361 = arith.constant 0 : index
      %get3A_362 = tpu.vector_load %arg8[%get3A_361] {strides = array<i32>} : memref<512xi32, #tpu.memory_space<vmem>>, vector<16xi32>,
      %gather3A = tpu.vector_load_idx %arg11[%broadcast_in_dim3A, %get3A_362] : memref<32x1024xf32, #tpu.memory_space<vmem>>[vector<16xi32>, vector<16xi32>], vector<16xf32>,
      %add3A_363 = arith.constant 0 : i32
      %add3A_364 = arith.addi %mul3A_360, %add3A_363 : i32
      %swap3A_365 = arith.index_cast %add3A_364 : i32 to index
      %swap3A_366 = tpu.vector_load %arg12[%swap3A_365] {strides = array<i32>} : memref<16384xf32, #tpu.memory_space<vmem>>, vector<16xf32>,
      tpu.vector_store %arg12[%swap3A_365], %gather3A {strides = array<i32>} : memref<16384xf32, #tpu.memory_space<vmem>>, vector<16xf32>,
      %get3A_367 = arith.constant 16 : index
      %get3A_368 = tpu.vector_load %arg8[%get3A_367] {strides = array<i32>} : memref<512xi32, #tpu.memory_space<vmem>>, vector<16xi32>,
      %gather3A_369 = tpu.vector_load_idx %arg11[%broadcast_in_dim3A, %get3A_368] : memref<32x1024xf32, #tpu.memory_space<vmem>>[vector<16xi32>, vector<16xi32>], vector<16xf32>,
      %add3A_370 = arith.constant 16 : i32
      %add3A_371 = arith.addi %mul3A_360, %add3A_370 : i32
      %swap3A_372 = arith.index_cast %add3A_371 : i32 to index
      %swap3A_373 = tpu.vector_load %arg12[%swap3A_372] {strides = array<i32>} : memref<16384xf32, #tpu.memory_space<vmem>>, vector<16xf32>,
      tpu.vector_store %arg12[%swap3A_372], %gather3A_369 {strides = array<i32>} : memref<16384xf32, #tpu.memory_space<vmem>>, vector<16xf32>,
      %get3A_374 = arith.constant 32 : index
      %get3A_375 = tpu.vector_load %arg8[%get3A_374] {strides = array<i32>} : memref<512xi32, #tpu.memory_space<vmem>>, vector<16xi32>,
      %gather3A_376 = tpu.vector_load_idx %arg11[%broadcast_in_dim3A, %get3A_375] : memref<32x1024xf32, #tpu.memory_space<vmem>>[vector<16xi32>, vector<16xi32>], vector<16xf32>,
      %add3A_377 = arith.constant 32 : i32
      %add3A_378 = arith.addi %mul3A_360, %add3A_377 : i32
      %swap3A_379 = arith.index_cast %add3A_378 : i32 to index
      %swap3A_380 = tpu.vector_load %arg12[%swap3A_379] {strides = array<i32>} : memref<16384xf32, #tpu.memory_space<vmem>>, vector<16xf32>,
      tpu.vector_store %arg12[%swap3A_379], %gather3A_376 {strides = array<i32>} : memref<16384xf32, #tpu.memory_space<vmem>>, vector<16xf32>,
      %get3A_381 = arith.constant 48 : index
      %get3A_382 = tpu.vector_load %arg8[%get3A_381] {strides = array<i32>} : memref<512xi32, #tpu.memory_space<vmem>>, vector<16xi32>,
      %gather3A_383 = tpu.vector_load_idx %arg11[%broadcast_in_dim3A, %get3A_382] : memref<32x1024xf32, #tpu.memory_space<vmem>>[vector<16xi32>, vector<16xi32>], vector<16xf32>,
      %add3A_384 = arith.constant 48 : i32
      %add3A_385 = arith.addi %mul3A_360, %add3A_384 : i32
      %swap3A_386 = arith.index_cast %add3A_385 : i32 to index
      %swap3A_387 = tpu.vector_load %arg12[%swap3A_386] {strides = array<i32>} : memref<16384xf32, #tpu.memory_space<vmem>>, vector<16xf32>,
      tpu.vector_store %arg12[%swap3A_386], %gather3A_383 {strides = array<i32>} : memref<16384xf32, #tpu.memory_space<vmem>>, vector<16xf32>,
      %get3A_388 = arith.constant 64 : index
      %get3A_389 = tpu.vector_load %arg8[%get3A_388] {strides = array<i32>} : memref<512xi32, #tpu.memory_space<vmem>>, vector<16xi32>,
      %gather3A_390 = tpu.vector_load_idx %arg11[%broadcast_in_dim3A, %get3A_389] : memref<32x1024xf32, #tpu.memory_space<vmem>>[vector<16xi32>, vector<16xi32>], vector<16xf32>,
      %add3A_391 = arith.constant 64 : i32
      %add3A_392 = arith.addi %mul3A_360, %add3A_391 : i32
      %swap3A_393 = arith.index_cast %add3A_392 : i32 to index
      %swap3A_394 = tpu.vector_load %arg12[%swap3A_393] {strides = array<i32>} : memref<16384xf32, #tpu.memory_space<vmem>>, vector<16xf32>,
      tpu.vector_store %arg12[%swap3A_393], %gather3A_390 {strides = array<i32>} : memref<16384xf32, #tpu.memory_space<vmem>>, vector<16xf32>,
      %get3A_395 = arith.constant 80 : index
      %get3A_396 = tpu.vector_load %arg8[%get3A_395] {strides = array<i32>} : memref<512xi32, #tpu.memory_space<vmem>>, vector<16xi32>,
      %gather3A_397 = tpu.vector_load_idx %arg11[%broadcast_in_dim3A, %get3A_396] : memref<32x1024xf32, #tpu.memory_space<vmem>>[vector<16xi32>, vector<16xi32>], vector<16xf32>,
      %add3A_398 = arith.constant 80 : i32
      %add3A_399 = arith.addi %mul3A_360, %add3A_398 : i32
      %swap3A_400 = arith.index_cast %add3A_399 : i32 to index
      %swap3A_401 = tpu.vector_load %arg12[%swap3A_400] {strides = array<i32>} : memref<16384xf32, #tpu.memory_space<vmem>>, vector<16xf32>,
      tpu.vector_store %arg12[%swap3A_400], %gather3A_397 {strides = array<i32>} : memref<16384xf32, #tpu.memory_space<vmem>>, vector<16xf32>,
      %get3A_402 = arith.constant 96 : index
      %get3A_403 = tpu.vector_load %arg8[%get3A_402] {strides = array<i32>} : memref<512xi32, #tpu.memory_space<vmem>>, vector<16xi32>,
      %gather3A_404 = tpu.vector_load_idx %arg11[%broadcast_in_dim3A, %get3A_403] : memref<32x1024xf32, #tpu.memory_space<vmem>>[vector<16xi32>, vector<16xi32>], vector<16xf32>,
      %add3A_405 = arith.constant 96 : i32
      %add3A_406 = arith.addi %mul3A_360, %add3A_405 : i32
      %swap3A_407 = arith.index_cast %add3A_406 : i32 to index
      %swap3A_408 = tpu.vector_load %arg12[%swap3A_407] {strides = array<i32>} : memref<16384xf32, #tpu.memory_space<vmem>>, vector<16xf32>,
      tpu.vector_store %arg12[%swap3A_407], %gather3A_404 {strides = array<i32>} : memref<16384xf32, #tpu.memory_space<vmem>>, vector<16xf32>,
      %get3A_409 = arith.constant 112 : index
      %get3A_410 = tpu.vector_load %arg8[%get3A_409] {strides = array<i32>} : memref<512xi32, #tpu.memory_space<vmem>>, vector<16xi32>,
      %gather3A_411 = tpu.vector_load_idx %arg11[%broadcast_in_dim3A, %get3A_410] : memref<32x1024xf32, #tpu.memory_space<vmem>>[vector<16xi32>, vector<16xi32>], vector<16xf32>,
      %add3A_412 = arith.constant 112 : i32
      %add3A_413 = arith.addi %mul3A_360, %add3A_412 : i32
      %swap3A_414 = arith.index_cast %add3A_413 : i32 to index
      %swap3A_415 = tpu.vector_load %arg12[%swap3A_414] {strides = array<i32>} : memref<16384xf32, #tpu.memory_space<vmem>>, vector<16xf32>,
      tpu.vector_store %arg12[%swap3A_414], %gather3A_411 {strides = array<i32>} : memref<16384xf32, #tpu.memory_space<vmem>>, vector<16xf32>,
      %get3A_416 = arith.constant 128 : index
      %get3A_417 = tpu.vector_load %arg8[%get3A_416] {strides = array<i32>} : memref<512xi32, #tpu.memory_space<vmem>>, vector<16xi32>,
      %gather3A_418 = tpu.vector_load_idx %arg11[%broadcast_in_dim3A, %get3A_417] : memref<32x1024xf32, #tpu.memory_space<vmem>>[vector<16xi32>, vector<16xi32>], vector<16xf32>,
      %add3A_419 = arith.constant 128 : i32
      %add3A_420 = arith.addi %mul3A_360, %add3A_419 : i32
      %swap3A_421 = arith.index_cast %add3A_420 : i32 to index
      %swap3A_422 = tpu.vector_load %arg12[%swap3A_421] {strides = array<i32>} : memref<16384xf32, #tpu.memory_space<vmem>>, vector<16xf32>,
      tpu.vector_store %arg12[%swap3A_421], %gather3A_418 {strides = array<i32>} : memref<16384xf32, #tpu.memory_space<vmem>>, vector<16xf32>,
      %get3A_423 = arith.constant 144 : index
      %get3A_424 = tpu.vector_load %arg8[%get3A_423] {strides = array<i32>} : memref<512xi32, #tpu.memory_space<vmem>>, vector<16xi32>,
      %gather3A_425 = tpu.vector_load_idx %arg11[%broadcast_in_dim3A, %get3A_424] : memref<32x1024xf32, #tpu.memory_space<vmem>>[vector<16xi32>, vector<16xi32>], vector<16xf32>,
      %add3A_426 = arith.constant 144 : i32
      %add3A_427 = arith.addi %mul3A_360, %add3A_426 : i32
      %swap3A_428 = arith.index_cast %add3A_427 : i32 to index
      %swap3A_429 = tpu.vector_load %arg12[%swap3A_428] {strides = array<i32>} : memref<16384xf32, #tpu.memory_space<vmem>>, vector<16xf32>,
      tpu.vector_store %arg12[%swap3A_428], %gather3A_425 {strides = array<i32>} : memref<16384xf32, #tpu.memory_space<vmem>>, vector<16xf32>,
      %get3A_430 = arith.constant 160 : index
      %get3A_431 = tpu.vector_load %arg8[%get3A_430] {strides = array<i32>} : memref<512xi32, #tpu.memory_space<vmem>>, vector<16xi32>,
      %gather3A_432 = tpu.vector_load_idx %arg11[%broadcast_in_dim3A, %get3A_431] : memref<32x1024xf32, #tpu.memory_space<vmem>>[vector<16xi32>, vector<16xi32>], vector<16xf32>,
      %add3A_433 = arith.constant 160 : i32
      %add3A_434 = arith.addi %mul3A_360, %add3A_433 : i32
      %swap3A_435 = arith.index_cast %add3A_434 : i32 to index
      %swap3A_436 = tpu.vector_load %arg12[%swap3A_435] {strides = array<i32>} : memref<16384xf32, #tpu.memory_space<vmem>>, vector<16xf32>,
      tpu.vector_store %arg12[%swap3A_435], %gather3A_432 {strides = array<i32>} : memref<16384xf32, #tpu.memory_space<vmem>>, vector<16xf32>,
      %get3A_437 = arith.constant 176 : index
      %get3A_438 = tpu.vector_load %arg8[%get3A_437] {strides = array<i32>} : memref<512xi32, #tpu.memory_space<vmem>>, vector<16xi32>,
      %gather3A_439 = tpu.vector_load_idx %arg11[%broadcast_in_dim3A, %get3A_438] : memref<32x1024xf32, #tpu.memory_space<vmem>>[vector<16xi32>, vector<16xi32>], vector<16xf32>,
      %add3A_440 = arith.constant 176 : i32
      %add3A_441 = arith.addi %mul3A_360, %add3A_440 : i32
      %swap3A_442 = arith.index_cast %add3A_441 : i32 to index
      %swap3A_443 = tpu.vector_load %arg12[%swap3A_442] {strides = array<i32>} : memref<16384xf32, #tpu.memory_space<vmem>>, vector<16xf32>,
      tpu.vector_store %arg12[%swap3A_442], %gather3A_439 {strides = array<i32>} : memref<16384xf32, #tpu.memory_space<vmem>>, vector<16xf32>,
      %get3A_444 = arith.constant 192 : index
      %get3A_445 = tpu.vector_load %arg8[%get3A_444] {strides = array<i32>} : memref<512xi32, #tpu.memory_space<vmem>>, vector<16xi32>,
      %gather3A_446 = tpu.vector_load_idx %arg11[%broadcast_in_dim3A, %get3A_445] : memref<32x1024xf32, #tpu.memory_space<vmem>>[vector<16xi32>, vector<16xi32>], vector<16xf32>,
      %add3A_447 = arith.constant 192 : i32
      %add3A_448 = arith.addi %mul3A_360, %add3A_447 : i32
      %swap3A_449 = arith.index_cast %add3A_448 : i32 to index
      %swap3A_450 = tpu.vector_load %arg12[%swap3A_449] {strides = array<i32>} : memref<16384xf32, #tpu.memory_space<vmem>>, vector<16xf32>,
      tpu.vector_store %arg12[%swap3A_449], %gather3A_446 {strides = array<i32>} : memref<16384xf32, #tpu.memory_space<vmem>>, vector<16xf32>,
      %get3A_451 = arith.constant 208 : index
      %get3A_452 = tpu.vector_load %arg8[%get3A_451] {strides = array<i32>} : memref<512xi32, #tpu.memory_space<vmem>>, vector<16xi32>,
      %gather3A_453 = tpu.vector_load_idx %arg11[%broadcast_in_dim3A, %get3A_452] : memref<32x1024xf32, #tpu.memory_space<vmem>>[vector<16xi32>, vector<16xi32>], vector<16xf32>,
      %add3A_454 = arith.constant 208 : i32
      %add3A_455 = arith.addi %mul3A_360, %add3A_454 : i32
      %swap3A_456 = arith.index_cast %add3A_455 : i32 to index
      %swap3A_457 = tpu.vector_load %arg12[%swap3A_456] {strides = array<i32>} : memref<16384xf32, #tpu.memory_space<vmem>>, vector<16xf32>,
      tpu.vector_store %arg12[%swap3A_456], %gather3A_453 {strides = array<i32>} : memref<16384xf32, #tpu.memory_space<vmem>>, vector<16xf32>,
      %get3A_458 = arith.constant 224 : index
      %get3A_459 = tpu.vector_load %arg8[%get3A_458] {strides = array<i32>} : memref<512xi32, #tpu.memory_space<vmem>>, vector<16xi32>,
      %gather3A_460 = tpu.vector_load_idx %arg11[%broadcast_in_dim3A, %get3A_459] : memref<32x1024xf32, #tpu.memory_space<vmem>>[vector<16xi32>, vector<16xi32>], vector<16xf32>,
      %add3A_461 = arith.constant 224 : i32
      %add3A_462 = arith.addi %mul3A_360, %add3A_461 : i32
      %swap3A_463 = arith.index_cast %add3A_462 : i32 to index
      %swap3A_464 = tpu.vector_load %arg12[%swap3A_463] {strides = array<i32>} : memref<16384xf32, #tpu.memory_space<vmem>>, vector<16xf32>,
      tpu.vector_store %arg12[%swap3A_463], %gather3A_460 {strides = array<i32>} : memref<16384xf32, #tpu.memory_space<vmem>>, vector<16xf32>,
      %get3A_465 = arith.constant 240 : index
      %get3A_466 = tpu.vector_load %arg8[%get3A_465] {strides = array<i32>} : memref<512xi32, #tpu.memory_space<vmem>>, vector<16xi32>,
      %gather3A_467 = tpu.vector_load_idx %arg11[%broadcast_in_dim3A, %get3A_466] : memref<32x1024xf32, #tpu.memory_space<vmem>>[vector<16xi32>, vector<16xi32>], vector<16xf32>,
      %add3A_468 = arith.constant 240 : i32
      %add3A_469 = arith.addi %mul3A_360, %add3A_468 : i32
      %swap3A_470 = arith.index_cast %add3A_469 : i32 to index
      %swap3A_471 = tpu.vector_load %arg12[%swap3A_470] {strides = array<i32>} : memref<16384xf32, #tpu.memory_space<vmem>>, vector<16xf32>,
      tpu.vector_store %arg12[%swap3A_470], %gather3A_467 {strides = array<i32>} : memref<16384xf32, #tpu.memory_space<vmem>>, vector<16xf32>,
      %get3A_472 = arith.constant 256 : index
      %get3A_473 = tpu.vector_load %arg8[%get3A_472] {strides = array<i32>} : memref<512xi32, #tpu.memory_space<vmem>>, vector<16xi32>,
      %gather3A_474 = tpu.vector_load_idx %arg11[%broadcast_in_dim3A, %get3A_473] : memref<32x1024xf32, #tpu.memory_space<vmem>>[vector<16xi32>, vector<16xi32>], vector<16xf32>,
      %add3A_475 = arith.constant 256 : i32
      %add3A_476 = arith.addi %mul3A_360, %add3A_475 : i32
      %swap3A_477 = arith.index_cast %add3A_476 : i32 to index
      %swap3A_478 = tpu.vector_load %arg12[%swap3A_477] {strides = array<i32>} : memref<16384xf32, #tpu.memory_space<vmem>>, vector<16xf32>,
      tpu.vector_store %arg12[%swap3A_477], %gather3A_474 {strides = array<i32>} : memref<16384xf32, #tpu.memory_space<vmem>>, vector<16xf32>,
      %get3A_479 = arith.constant 272 : index
      %get3A_480 = tpu.vector_load %arg8[%get3A_479] {strides = array<i32>} : memref<512xi32, #tpu.memory_space<vmem>>, vector<16xi32>,
      %gather3A_481 = tpu.vector_load_idx %arg11[%broadcast_in_dim3A, %get3A_480] : memref<32x1024xf32, #tpu.memory_space<vmem>>[vector<16xi32>, vector<16xi32>], vector<16xf32>,
      %add3A_482 = arith.constant 272 : i32
      %add3A_483 = arith.addi %mul3A_360, %add3A_482 : i32
      %swap3A_484 = arith.index_cast %add3A_483 : i32 to index
      %swap3A_485 = tpu.vector_load %arg12[%swap3A_484] {strides = array<i32>} : memref<16384xf32, #tpu.memory_space<vmem>>, vector<16xf32>,
      tpu.vector_store %arg12[%swap3A_484], %gather3A_481 {strides = array<i32>} : memref<16384xf32, #tpu.memory_space<vmem>>, vector<16xf32>,
      %get3A_486 = arith.constant 288 : index
      %get3A_487 = tpu.vector_load %arg8[%get3A_486] {strides = array<i32>} : memref<512xi32, #tpu.memory_space<vmem>>, vector<16xi32>,
      %gather3A_488 = tpu.vector_load_idx %arg11[%broadcast_in_dim3A, %get3A_487] : memref<32x1024xf32, #tpu.memory_space<vmem>>[vector<16xi32>, vector<16xi32>], vector<16xf32>,
      %add3A_489 = arith.constant 288 : i32
      %add3A_490 = arith.addi %mul3A_360, %add3A_489 : i32
      %swap3A_491 = arith.index_cast %add3A_490 : i32 to index
      %swap3A_492 = tpu.vector_load %arg12[%swap3A_491] {strides = array<i32>} : memref<16384xf32, #tpu.memory_space<vmem>>, vector<16xf32>,
      tpu.vector_store %arg12[%swap3A_491], %gather3A_488 {strides = array<i32>} : memref<16384xf32, #tpu.memory_space<vmem>>, vector<16xf32>,
      %get3A_493 = arith.constant 304 : index
      %get3A_494 = tpu.vector_load %arg8[%get3A_493] {strides = array<i32>} : memref<512xi32, #tpu.memory_space<vmem>>, vector<16xi32>,
      %gather3A_495 = tpu.vector_load_idx %arg11[%broadcast_in_dim3A, %get3A_494] : memref<32x1024xf32, #tpu.memory_space<vmem>>[vector<16xi32>, vector<16xi32>], vector<16xf32>,
      %add3A_496 = arith.constant 304 : i32
      %add3A_497 = arith.addi %mul3A_360, %add3A_496 : i32
      %swap3A_498 = arith.index_cast %add3A_497 : i32 to index
      %swap3A_499 = tpu.vector_load %arg12[%swap3A_498] {strides = array<i32>} : memref<16384xf32, #tpu.memory_space<vmem>>, vector<16xf32>,
      tpu.vector_store %arg12[%swap3A_498], %gather3A_495 {strides = array<i32>} : memref<16384xf32, #tpu.memory_space<vmem>>, vector<16xf32>,
      %get3A_500 = arith.constant 320 : index
      %get3A_501 = tpu.vector_load %arg8[%get3A_500] {strides = array<i32>} : memref<512xi32, #tpu.memory_space<vmem>>, vector<16xi32>,
      %gather3A_502 = tpu.vector_load_idx %arg11[%broadcast_in_dim3A, %get3A_501] : memref<32x1024xf32, #tpu.memory_space<vmem>>[vector<16xi32>, vector<16xi32>], vector<16xf32>,
      %add3A_503 = arith.constant 320 : i32
      %add3A_504 = arith.addi %mul3A_360, %add3A_503 : i32
      %swap3A_505 = arith.index_cast %add3A_504 : i32 to index
      %swap3A_506 = tpu.vector_load %arg12[%swap3A_505] {strides = array<i32>} : memref<16384xf32, #tpu.memory_space<vmem>>, vector<16xf32>,
      tpu.vector_store %arg12[%swap3A_505], %gather3A_502 {strides = array<i32>} : memref<16384xf32, #tpu.memory_space<vmem>>, vector<16xf32>,
      %get3A_507 = arith.constant 336 : index
      %get3A_508 = tpu.vector_load %arg8[%get3A_507] {strides = array<i32>} : memref<512xi32, #tpu.memory_space<vmem>>, vector<16xi32>,
      %gather3A_509 = tpu.vector_load_idx %arg11[%broadcast_in_dim3A, %get3A_508] : memref<32x1024xf32, #tpu.memory_space<vmem>>[vector<16xi32>, vector<16xi32>], vector<16xf32>,
      %add3A_510 = arith.constant 336 : i32
      %add3A_511 = arith.addi %mul3A_360, %add3A_510 : i32
      %swap3A_512 = arith.index_cast %add3A_511 : i32 to index
      %swap3A_513 = tpu.vector_load %arg12[%swap3A_512] {strides = array<i32>} : memref<16384xf32, #tpu.memory_space<vmem>>, vector<16xf32>,
      tpu.vector_store %arg12[%swap3A_512], %gather3A_509 {strides = array<i32>} : memref<16384xf32, #tpu.memory_space<vmem>>, vector<16xf32>,
      %get3A_514 = arith.constant 352 : index
      %get3A_515 = tpu.vector_load %arg8[%get3A_514] {strides = array<i32>} : memref<512xi32, #tpu.memory_space<vmem>>, vector<16xi32>,
      %gather3A_516 = tpu.vector_load_idx %arg11[%broadcast_in_dim3A, %get3A_515] : memref<32x1024xf32, #tpu.memory_space<vmem>>[vector<16xi32>, vector<16xi32>], vector<16xf32>,
      %add3A_517 = arith.constant 352 : i32
      %add3A_518 = arith.addi %mul3A_360, %add3A_517 : i32
      %swap3A_519 = arith.index_cast %add3A_518 : i32 to index
      %swap3A_520 = tpu.vector_load %arg12[%swap3A_519] {strides = array<i32>} : memref<16384xf32, #tpu.memory_space<vmem>>, vector<16xf32>,
      tpu.vector_store %arg12[%swap3A_519], %gather3A_516 {strides = array<i32>} : memref<16384xf32, #tpu.memory_space<vmem>>, vector<16xf32>,
      %get3A_521 = arith.constant 368 : index
      %get3A_522 = tpu.vector_load %arg8[%get3A_521] {strides = array<i32>} : memref<512xi32, #tpu.memory_space<vmem>>, vector<16xi32>,
      %gather3A_523 = tpu.vector_load_idx %arg11[%broadcast_in_dim3A, %get3A_522] : memref<32x1024xf32, #tpu.memory_space<vmem>>[vector<16xi32>, vector<16xi32>], vector<16xf32>,
      %add3A_524 = arith.constant 368 : i32
      %add3A_525 = arith.addi %mul3A_360, %add3A_524 : i32
      %swap3A_526 = arith.index_cast %add3A_525 : i32 to index
      %swap3A_527 = tpu.vector_load %arg12[%swap3A_526] {strides = array<i32>} : memref<16384xf32, #tpu.memory_space<vmem>>, vector<16xf32>,
      tpu.vector_store %arg12[%swap3A_526], %gather3A_523 {strides = array<i32>} : memref<16384xf32, #tpu.memory_space<vmem>>, vector<16xf32>,
      %get3A_528 = arith.constant 384 : index
      %get3A_529 = tpu.vector_load %arg8[%get3A_528] {strides = array<i32>} : memref<512xi32, #tpu.memory_space<vmem>>, vector<16xi32>,
      %gather3A_530 = tpu.vector_load_idx %arg11[%broadcast_in_dim3A, %get3A_529] : memref<32x1024xf32, #tpu.memory_space<vmem>>[vector<16xi32>, vector<16xi32>], vector<16xf32>,
      %add3A_531 = arith.constant 384 : i32
      %add3A_532 = arith.addi %mul3A_360, %add3A_531 : i32
      %swap3A_533 = arith.index_cast %add3A_532 : i32 to index
      %swap3A_534 = tpu.vector_load %arg12[%swap3A_533] {strides = array<i32>} : memref<16384xf32, #tpu.memory_space<vmem>>, vector<16xf32>,
      tpu.vector_store %arg12[%swap3A_533], %gather3A_530 {strides = array<i32>} : memref<16384xf32, #tpu.memory_space<vmem>>, vector<16xf32>,
      %get3A_535 = arith.constant 400 : index
      %get3A_536 = tpu.vector_load %arg8[%get3A_535] {strides = array<i32>} : memref<512xi32, #tpu.memory_space<vmem>>, vector<16xi32>,
      %gather3A_537 = tpu.vector_load_idx %arg11[%broadcast_in_dim3A, %get3A_536] : memref<32x1024xf32, #tpu.memory_space<vmem>>[vector<16xi32>, vector<16xi32>], vector<16xf32>,
      %add3A_538 = arith.constant 400 : i32
      %add3A_539 = arith.addi %mul3A_360, %add3A_538 : i32
      %swap3A_540 = arith.index_cast %add3A_539 : i32 to index
      %swap3A_541 = tpu.vector_load %arg12[%swap3A_540] {strides = array<i32>} : memref<16384xf32, #tpu.memory_space<vmem>>, vector<16xf32>,
      tpu.vector_store %arg12[%swap3A_540], %gather3A_537 {strides = array<i32>} : memref<16384xf32, #tpu.memory_space<vmem>>, vector<16xf32>,
      %get3A_542 = arith.constant 416 : index
      %get3A_543 = tpu.vector_load %arg8[%get3A_542] {strides = array<i32>} : memref<512xi32, #tpu.memory_space<vmem>>, vector<16xi32>,
      %gather3A_544 = tpu.vector_load_idx %arg11[%broadcast_in_dim3A, %get3A_543] : memref<32x1024xf32, #tpu.memory_space<vmem>>[vector<16xi32>, vector<16xi32>], vector<16xf32>,
      %add3A_545 = arith.constant 416 : i32
      %add3A_546 = arith.addi %mul3A_360, %add3A_545 : i32
      %swap3A_547 = arith.index_cast %add3A_546 : i32 to index
      %swap3A_548 = tpu.vector_load %arg12[%swap3A_547] {strides = array<i32>} : memref<16384xf32, #tpu.memory_space<vmem>>, vector<16xf32>,
      tpu.vector_store %arg12[%swap3A_547], %gather3A_544 {strides = array<i32>} : memref<16384xf32, #tpu.memory_space<vmem>>, vector<16xf32>,
      %get3A_549 = arith.constant 432 : index
      %get3A_550 = tpu.vector_load %arg8[%get3A_549] {strides = array<i32>} : memref<512xi32, #tpu.memory_space<vmem>>, vector<16xi32>,
      %gather3A_551 = tpu.vector_load_idx %arg11[%broadcast_in_dim3A, %get3A_550] : memref<32x1024xf32, #tpu.memory_space<vmem>>[vector<16xi32>, vector<16xi32>], vector<16xf32>,
      %add3A_552 = arith.constant 432 : i32
      %add3A_553 = arith.addi %mul3A_360, %add3A_552 : i32
      %swap3A_554 = arith.index_cast %add3A_553 : i32 to index
      %swap3A_555 = tpu.vector_load %arg12[%swap3A_554] {strides = array<i32>} : memref<16384xf32, #tpu.memory_space<vmem>>, vector<16xf32>,
      tpu.vector_store %arg12[%swap3A_554], %gather3A_551 {strides = array<i32>} : memref<16384xf32, #tpu.memory_space<vmem>>, vector<16xf32>,
      %get3A_556 = arith.constant 448 : index
      %get3A_557 = tpu.vector_load %arg8[%get3A_556] {strides = array<i32>} : memref<512xi32, #tpu.memory_space<vmem>>, vector<16xi32>,
      %gather3A_558 = tpu.vector_load_idx %arg11[%broadcast_in_dim3A, %get3A_557] : memref<32x1024xf32, #tpu.memory_space<vmem>>[vector<16xi32>, vector<16xi32>], vector<16xf32>,
      %add3A_559 = arith.constant 448 : i32
      %add3A_560 = arith.addi %mul3A_360, %add3A_559 : i32
      %swap3A_561 = arith.index_cast %add3A_560 : i32 to index
      %swap3A_562 = tpu.vector_load %arg12[%swap3A_561] {strides = array<i32>} : memref<16384xf32, #tpu.memory_space<vmem>>, vector<16xf32>,
      tpu.vector_store %arg12[%swap3A_561], %gather3A_558 {strides = array<i32>} : memref<16384xf32, #tpu.memory_space<vmem>>, vector<16xf32>,
      %get3A_563 = arith.constant 464 : index
      %get3A_564 = tpu.vector_load %arg8[%get3A_563] {strides = array<i32>} : memref<512xi32, #tpu.memory_space<vmem>>, vector<16xi32>,
      %gather3A_565 = tpu.vector_load_idx %arg11[%broadcast_in_dim3A, %get3A_564] : memref<32x1024xf32, #tpu.memory_space<vmem>>[vector<16xi32>, vector<16xi32>], vector<16xf32>,
      %add3A_566 = arith.constant 464 : i32
      %add3A_567 = arith.addi %mul3A_360, %add3A_566 : i32
      %swap3A_568 = arith.index_cast %add3A_567 : i32 to index
      %swap3A_569 = tpu.vector_load %arg12[%swap3A_568] {strides = array<i32>} : memref<16384xf32, #tpu.memory_space<vmem>>, vector<16xf32>,
      tpu.vector_store %arg12[%swap3A_568], %gather3A_565 {strides = array<i32>} : memref<16384xf32, #tpu.memory_space<vmem>>, vector<16xf32>,
      %get3A_570 = arith.constant 480 : index
      %get3A_571 = tpu.vector_load %arg8[%get3A_570] {strides = array<i32>} : memref<512xi32, #tpu.memory_space<vmem>>, vector<16xi32>,
      %gather3A_572 = tpu.vector_load_idx %arg11[%broadcast_in_dim3A, %get3A_571] : memref<32x1024xf32, #tpu.memory_space<vmem>>[vector<16xi32>, vector<16xi32>], vector<16xf32>,
      %add3A_573 = arith.constant 480 : i32
      %add3A_574 = arith.addi %mul3A_360, %add3A_573 : i32
      %swap3A_575 = arith.index_cast %add3A_574 : i32 to index
      %swap3A_576 = tpu.vector_load %arg12[%swap3A_575] {strides = array<i32>} : memref<16384xf32, #tpu.memory_space<vmem>>, vector<16xf32>,
      tpu.vector_store %arg12[%swap3A_575], %gather3A_572 {strides = array<i32>} : memref<16384xf32, #tpu.memory_space<vmem>>, vector<16xf32>,
      %get3A_577 = arith.constant 496 : index
      %get3A_578 = tpu.vector_load %arg8[%get3A_577] {strides = array<i32>} : memref<512xi32, #tpu.memory_space<vmem>>, vector<16xi32>,
      %gather3A_579 = tpu.vector_load_idx %arg11[%broadcast_in_dim3A, %get3A_578] : memref<32x1024xf32, #tpu.memory_space<vmem>>[vector<16xi32>, vector<16xi32>], vector<16xf32>,
      %add3A_580 = arith.constant 496 : i32
      %add3A_581 = arith.addi %mul3A_360, %add3A_580 : i32
      %swap3A_582 = arith.index_cast %add3A_581 : i32 to index
      %swap3A_583 = tpu.vector_load %arg12[%swap3A_582] {strides = array<i32>} : memref<16384xf32, #tpu.memory_space<vmem>>, vector<16xf32>,
      tpu.vector_store %arg12[%swap3A_582], %gather3A_579 {strides = array<i32>} : memref<16384xf32, #tpu.memory_space<vmem>>, vector<16xf32>,
    }
    %scan3A_350 = arith.constant 32 : i32
    %add3A_351 = arith.constant 96 : i32
    %add3A_352 = arith.addi %mul3A_2, %add3A_351 : i32
    %mul3A_353 = arith.constant 512 : i32
    %mul3A_354 = arith.muli %add3A_352, %mul3A_353 : i32
    "tpu.region"() ({
      %run_scoped3A = tpu.sem_alloc : memref<!tpu.dma_semaphore, #tpu.memory_space<semaphore_mem>>
      %dma_start3A_358 = arith.constant 0 : i32
      %dma_start3A_359 = tpu.memref_slice %arg12[%dma_start3A_358] : memref<16384xf32, #tpu.memory_space<vmem>> -> memref<16384xf32, #tpu.memory_space<vmem>>
      %dma_start3A_360 = tpu.memref_slice %arg5[%mul3A_354] : memref<2097152xf32, #tpu.memory_space<hbm>> -> memref<16384xf32, #tpu.memory_space<hbm>>
      %dma_start3A_361 = tpu.memref_slice %arg5[%mul3A_354] : memref<2097152xf32, #tpu.memory_space<hbm>> -> memref<16384xf32, #tpu.memory_space<hbm>>
      %dma_start3A_362 = arith.constant 0 : i32
      %dma_start3A_363 = tpu.memref_slice %arg12[%dma_start3A_362] : memref<16384xf32, #tpu.memory_space<vmem>> -> memref<16384xf32, #tpu.memory_space<vmem>>
      tpu.enqueue_dma source(%dma_start3A_363 : memref<16384xf32, #tpu.memory_space<vmem>>) target(%dma_start3A_361 : memref<16384xf32, #tpu.memory_space<hbm>>) target_semaphore(%run_scoped3A : memref<!tpu.dma_semaphore, #tpu.memory_space<semaphore_mem>>)
      %dma_wait3A_364 = arith.constant 0 : i32
      %dma_wait3A_365 = tpu.memref_slice %arg12[%dma_wait3A_364] : memref<16384xf32, #tpu.memory_space<vmem>> -> memref<16384xf32, #tpu.memory_space<vmem>>
      %dma_wait3A_366 = tpu.memref_slice %arg5[%mul3A_354] : memref<2097152xf32, #tpu.memory_space<hbm>> -> memref<16384xf32, #tpu.memory_space<hbm>>
      %dma_wait3A_367 = tpu.memref_slice %arg5[%mul3A_354] : memref<2097152xf32, #tpu.memory_space<hbm>> -> memref<16384xf32, #tpu.memory_space<hbm>>
      %dma_wait3A_368 = arith.constant 0 : i32
      %dma_wait3A_369 = tpu.memref_slice %arg12[%dma_wait3A_368] : memref<16384xf32, #tpu.memory_space<vmem>> -> memref<16384xf32, #tpu.memory_space<vmem>>
      tpu.wait_dma2 semaphore(%run_scoped3A : memref<!tpu.dma_semaphore, #tpu.memory_space<semaphore_mem>>) src(%dma_wait3A_369 : memref<16384xf32, #tpu.memory_space<vmem>>) dst(%dma_wait3A_367 : memref<16384xf32, #tpu.memory_space<hbm>>)
      tpu.yield
    }) : () -> ()
    %dma_wait3A_355 = arith.constant 0 : i32
    %dma_wait3A_356 = arith.constant 0 : i32
    %dma_wait3A_357 = tpu.memref_slice %arg3[%dma_wait3A_355, %dma_wait3A_356] : memref<8192x256xf32, #tpu.memory_space<hbm>> -> memref<8192x256xf32, #tpu.memory_space<hbm>>
    tpu.wait_indirect_dma semaphore(%arg13 : memref<!tpu.dma_semaphore, #tpu.memory_space<semaphore_mem>>) src(%dma_wait3A_357 : memref<8192x256xf32, #tpu.memory_space<hbm>>) dst(%arg9 : memref<128x256xf32, #tpu.memory_space<vmem>>)
    "tpu.region"() ({
      %run_scoped3A = tpu.sem_alloc : memref<!tpu.dma_semaphore, #tpu.memory_space<semaphore_mem>>
      %dma_start3A_358 = arith.constant 0 : i32
      %dma_start3A_359 = tpu.memref_slice %arg6[%mul3A_2, %dma_start3A_358] : memref<4096x256xf32, #tpu.memory_space<hbm>> -> memref<128x256xf32, #tpu.memory_space<hbm>>
      %dma_start3A_360 = arith.constant 0 : i32
      %dma_start3A_361 = tpu.memref_slice %arg6[%mul3A_2, %dma_start3A_360] : memref<4096x256xf32, #tpu.memory_space<hbm>> -> memref<128x256xf32, #tpu.memory_space<hbm>>
      tpu.enqueue_dma source(%arg9 : memref<128x256xf32, #tpu.memory_space<vmem>>) target(%dma_start3A_361 : memref<128x256xf32, #tpu.memory_space<hbm>>) target_semaphore(%run_scoped3A : memref<!tpu.dma_semaphore, #tpu.memory_space<semaphore_mem>>)
      %dma_wait3A_362 = arith.constant 0 : i32
      %dma_wait3A_363 = tpu.memref_slice %arg6[%mul3A_2, %dma_wait3A_362] : memref<4096x256xf32, #tpu.memory_space<hbm>> -> memref<128x256xf32, #tpu.memory_space<hbm>>
      %dma_wait3A_364 = arith.constant 0 : i32
      %dma_wait3A_365 = tpu.memref_slice %arg6[%mul3A_2, %dma_wait3A_364] : memref<4096x256xf32, #tpu.memory_space<hbm>> -> memref<128x256xf32, #tpu.memory_space<hbm>>
      tpu.wait_dma2 semaphore(%run_scoped3A : memref<!tpu.dma_semaphore, #tpu.memory_space<semaphore_mem>>) src(%arg9 : memref<128x256xf32, #tpu.memory_space<vmem>>) dst(%dma_wait3A_365 : memref<128x256xf32, #tpu.memory_space<hbm>>)
      tpu.yield
    }) : () -> ()
    return
  }
}

module attributes {stable_mosaic.version = 14 : i64} {
  func.func @_tc_body(%arg0: i32, %arg1: memref<1x1024x1024xf32, #tpu.memory_space<vmem>>, %arg2: memref<1x1024x256xf32, #tpu.memory_space<vmem>>, %arg3: memref<1x256xf32, #tpu.memory_space<vmem>>, %arg4: memref<256x256xf32, #tpu.memory_space<vmem>>, %arg5: memref<1xf32, #tpu.memory_space<vmem>>, %arg6: memref<256xf32, #tpu.memory_space<vmem>>, %arg7: memref<1x1024x256xf32, #tpu.memory_space<vmem>>, %arg8: memref<1x1024x1xf32, #tpu.memory_space<vmem>>) attributes {dimension_semantics = [#tpu.dimension_semantics<arbitrary>], iteration_bounds = array<i64: 8>, scalar_prefetch = 0 : i64, scratch_operands = 0 : i64, tpu.core_type = #tpu.core_type<tc>, window_params = [{transform_indices = @transform_0, window_bounds = array<i64: 1, 1024, 1024>}, {transform_indices = @transform_1, window_bounds = array<i64: 1, 1024, 256>}, {pipeline_mode = #tpu.pipeline_mode<synchronous>, transform_indices = @transform_2, window_bounds = array<i64: 1, 256>}, {pipeline_mode = #tpu.pipeline_mode<synchronous>, transform_indices = @transform_3, window_bounds = array<i64: 256, 256>}, {pipeline_mode = #tpu.pipeline_mode<synchronous>, transform_indices = @transform_4, window_bounds = array<i64: 1>}, {pipeline_mode = #tpu.pipeline_mode<synchronous>, transform_indices = @transform_5, window_bounds = array<i64: 256>}, {transform_indices = @transform_6, window_bounds = array<i64: 1, 1024, 256>}, {transform_indices = @transform_7, window_bounds = array<i64: 1, 1024, 1>}]} {
    %get3A = arith.constant 0 : index
    %get3A_0 = arith.constant 0 : index
    %get3A_1 = arith.constant 0 : index
    %get3A_2 = vector.load %arg1[%get3A, %get3A_0, %get3A_1] : memref<1x1024x1024xf32, #tpu.memory_space<vmem>>, vector<1x1024x1024xf32>
    %get3A_3 = vector.shape_cast %get3A_2 : vector<1x1024x1024xf32> to vector<1024x1024xf32>
    %convert_element_type3A = arith.truncf %get3A_3 : vector<1024x1024xf32> to vector<1024x1024xbf16>
    %get3A_4 = arith.constant 0 : index
    %get3A_5 = arith.constant 0 : index
    %get3A_6 = arith.constant 0 : index
    %get3A_7 = vector.load %arg2[%get3A_4, %get3A_5, %get3A_6] : memref<1x1024x256xf32, #tpu.memory_space<vmem>>, vector<1x1024x256xf32>
    %get3A_8 = vector.shape_cast %get3A_7 : vector<1x1024x256xf32> to vector<1024x256xf32>
    %convert_element_type3A_9 = arith.truncf %get3A_8 : vector<1024x256xf32> to vector<1024x256xbf16>
    %dot_general3A = arith.constant dense<0.000000e+00> : vector<256x1024xf32>
    %dot_general3A_10 = tpu.matmul %convert_element_type3A_9, %convert_element_type3A, %dot_general3A {dimension_numbers = #tpu.dot_dimension_numbers<[0], [1], [1], [0], [0, 1, 1, 0], [], []>, transpose_lhs_hint = false} : vector<1024x256xbf16>, vector<1024x1024xbf16>, vector<256x1024xf32> -> vector<256x1024xf32>
    %transpose3A = tpu.transpose %dot_general3A_10, [1, 0] : vector<256x1024xf32> -> vector<1024x256xf32>
    %convert_element_type3A_11 = arith.truncf %transpose3A : vector<1024x256xf32> to vector<1024x256xbf16>
    %get3A_12 = arith.constant 0 : index
    %get3A_13 = arith.constant 0 : index
    %get3A_14 = vector.load %arg3[%get3A_12, %get3A_13] : memref<1x256xf32, #tpu.memory_space<vmem>>, vector<1x256xf32>
    %convert_element_type3A_15 = arith.truncf %get3A_14 : vector<1x256xf32> to vector<1x256xbf16>
    %transpose3A_16 = tpu.transpose %convert_element_type3A_15, [1, 0] : vector<1x256xbf16> -> vector<256x1xbf16>
    %dot_general3A_17 = arith.constant dense<0.000000e+00> : vector<1024x1xf32>
    %dot_general3A_18 = tpu.matmul %convert_element_type3A_11, %transpose3A_16, %dot_general3A_17 {dimension_numbers = #tpu.dot_dimension_numbers<[1], [0], [0], [1], [0, 0, 1, 1], [], []>, transpose_lhs_hint = false} : vector<1024x256xbf16>, vector<256x1xbf16>, vector<1024x1xf32> -> vector<1024x1xf32>
    %get3A_19 = arith.constant 0 : index
    %get3A_20 = vector.load %arg5[%get3A_19] : memref<1xf32, #tpu.memory_space<vmem>>, vector<1xf32>
    %broadcast_in_dim3A = vector.shape_cast %get3A_20 : vector<1xf32> to vector<1x1xf32>
    %add3A = vector.broadcast %broadcast_in_dim3A : vector<1x1xf32> to vector<1024x1xf32>
    %add3A_21 = arith.addf %dot_general3A_18, %add3A : vector<1024x1xf32>
    %swap3A = arith.constant 0 : index
    %swap3A_22 = arith.constant 0 : index
    %swap3A_23 = arith.constant 0 : index
    %swap3A_24 = vector.load %arg8[%swap3A, %swap3A_22, %swap3A_23] : memref<1x1024x1xf32, #tpu.memory_space<vmem>>, vector<1x1024x1xf32>
    %swap3A_25 = vector.shape_cast %swap3A_24 : vector<1x1024x1xf32> to vector<1024x1xf32>
    %swap3A_26 = vector.shape_cast %add3A_21 : vector<1024x1xf32> to vector<1x1024x1xf32>
    tpu.vector_store %arg8[%swap3A, %swap3A_22, %swap3A_23], %swap3A_26 {strides = array<i32>} : memref<1x1024x1xf32, #tpu.memory_space<vmem>>, vector<1x1024x1xf32>,
    %get3A_27 = arith.constant 0 : index
    %get3A_28 = arith.constant 0 : index
    %get3A_29 = vector.load %arg4[%get3A_27, %get3A_28] : memref<256x256xf32, #tpu.memory_space<vmem>>, vector<256x256xf32>
    %convert_element_type3A_30 = arith.truncf %get3A_29 : vector<256x256xf32> to vector<256x256xbf16>
    %transpose3A_31 = tpu.transpose %convert_element_type3A_30, [1, 0] : vector<256x256xbf16> -> vector<256x256xbf16>
    %dot_general3A_32 = arith.constant dense<0.000000e+00> : vector<1024x256xf32>
    %dot_general3A_33 = tpu.matmul %convert_element_type3A_11, %transpose3A_31, %dot_general3A_32 {dimension_numbers = #tpu.dot_dimension_numbers<[1], [0], [0], [1], [0, 0, 1, 1], [], []>, transpose_lhs_hint = false} : vector<1024x256xbf16>, vector<256x256xbf16>, vector<1024x256xf32> -> vector<1024x256xf32>
    %get3A_34 = arith.constant 0 : index
    %get3A_35 = vector.load %arg6[%get3A_34] : memref<256xf32, #tpu.memory_space<vmem>>, vector<256xf32>
    %broadcast_in_dim3A_36 = vector.shape_cast %get3A_35 : vector<256xf32> to vector<1x256xf32>
    %add3A_37 = vector.broadcast %broadcast_in_dim3A_36 : vector<1x256xf32> to vector<1024x256xf32>
    %add3A_38 = arith.addf %dot_general3A_33, %add3A_37 : vector<1024x256xf32>
    %ge3A = arith.constant 0.000000e+00 : f32
    %ge3A_39 = vector.broadcast %ge3A : f32 to vector<1024x256xf32>
    %ge3A_40 = arith.cmpf oge, %add3A_38, %ge3A_39 : vector<1024x256xf32>
    %mul3A = arith.constant 0.00999999977 : f32
    %mul3A_41 = vector.broadcast %mul3A : f32 to vector<1024x256xf32>
    %mul3A_42 = arith.mulf %mul3A_41, %add3A_38 : vector<1024x256xf32>
    %select_n3A = arith.select %ge3A_40, %add3A_38, %mul3A_42 : vector<1024x256xi1>, vector<1024x256xf32>
    %swap3A_43 = arith.constant 0 : index
    %swap3A_44 = arith.constant 0 : index
    %swap3A_45 = arith.constant 0 : index
    %swap3A_46 = vector.load %arg7[%swap3A_43, %swap3A_44, %swap3A_45] : memref<1x1024x256xf32, #tpu.memory_space<vmem>>, vector<1x1024x256xf32>
    %swap3A_47 = vector.shape_cast %swap3A_46 : vector<1x1024x256xf32> to vector<1024x256xf32>
    %swap3A_48 = vector.shape_cast %select_n3A : vector<1024x256xf32> to vector<1x1024x256xf32>
    tpu.vector_store %arg7[%swap3A_43, %swap3A_44, %swap3A_45], %swap3A_48 {strides = array<i32>} : memref<1x1024x256xf32, #tpu.memory_space<vmem>>, vector<1x1024x256xf32>,
    return
  }
  func.func @transform_0(%arg0: i32) -> (i32, i32, i32) {
    %c0_i32 = arith.constant 0 : i32
    %c0_i32_0 = arith.constant 0 : i32
    %c0_i32_1 = arith.constant 0 : i32
    return %arg0, %c0_i32, %c0_i32_0 : i32, i32, i32
  }
  func.func @transform_1(%arg0: i32) -> (i32, i32, i32) {
    %c0_i32 = arith.constant 0 : i32
    %c0_i32_0 = arith.constant 0 : i32
    %c0_i32_1 = arith.constant 0 : i32
    return %arg0, %c0_i32, %c0_i32_0 : i32, i32, i32
  }
  func.func @transform_2(%arg0: i32) -> (i32, i32) {
    %c0_i32 = arith.constant 0 : i32
    %c0_i32_0 = arith.constant 0 : i32
    %c0_i32_1 = arith.constant 0 : i32
    return %c0_i32, %c0_i32_0 : i32, i32
  }
  func.func @transform_3(%arg0: i32) -> (i32, i32) {
    %c0_i32 = arith.constant 0 : i32
    %c0_i32_0 = arith.constant 0 : i32
    %c0_i32_1 = arith.constant 0 : i32
    return %c0_i32, %c0_i32_0 : i32, i32
  }
  func.func @transform_4(%arg0: i32) -> i32 {
    %c0_i32 = arith.constant 0 : i32
    %c0_i32_0 = arith.constant 0 : i32
    return %c0_i32 : i32
  }
  func.func @transform_5(%arg0: i32) -> i32 {
    %c0_i32 = arith.constant 0 : i32
    %c0_i32_0 = arith.constant 0 : i32
    return %c0_i32 : i32
  }
  func.func @transform_6(%arg0: i32) -> (i32, i32, i32) {
    %c0_i32 = arith.constant 0 : i32
    %c0_i32_0 = arith.constant 0 : i32
    %c0_i32_1 = arith.constant 0 : i32
    return %arg0, %c0_i32, %c0_i32_0 : i32, i32, i32
  }
  func.func @transform_7(%arg0: i32) -> (i32, i32, i32) {
    %c0_i32 = arith.constant 0 : i32
    %c0_i32_0 = arith.constant 0 : i32
    %c0_i32_1 = arith.constant 0 : i32
    return %arg0, %c0_i32, %c0_i32_0 : i32, i32, i32
  }
}

module attributes {stable_mosaic.version = 14 : i64} {
  func.func @_rank_body(%arg0: i32, %arg1: memref<1x1024x1xf32, #tpu.memory_space<vmem>>, %arg2: memref<1x1x512xi32, #tpu.memory_space<vmem>>) attributes {dimension_semantics = [#tpu.dimension_semantics<arbitrary>], iteration_bounds = array<i64: 8>, scalar_prefetch = 0 : i64, scratch_operands = 0 : i64, tpu.core_type = #tpu.core_type<tc>, window_params = [{transform_indices = @transform_0, window_bounds = array<i64: 1, 1024, 1>}, {transform_indices = @transform_1, window_bounds = array<i64: 1, 1, 512>}]} {
    %get3A = arith.constant 0 : index
    %get3A_0 = arith.constant 0 : index
    %get3A_1 = arith.constant 0 : index
    %get3A_2 = vector.load %arg1[%get3A, %get3A_0, %get3A_1] : memref<1x1024x1xf32, #tpu.memory_space<vmem>>, vector<1x1024x1xf32>
    %get3A_3 = vector.shape_cast %get3A_2 : vector<1x1024x1xf32> to vector<1024x1xf32>
    %transpose3A = tpu.transpose %get3A_3, [1, 0] : vector<1024x1xf32> -> vector<1x1024xf32>
    %iota3A = tpu.iota {dimensions = array<i32: 0>} : vector<1024x1024xi32>
    %iota3A_4 = tpu.iota {dimensions = array<i32: 1>} : vector<1024x1024xi32>
    %gt3A = vector.broadcast %transpose3A : vector<1x1024xf32> to vector<1024x1024xf32>
    %gt3A_5 = vector.broadcast %get3A_3 : vector<1024x1xf32> to vector<1024x1024xf32>
    %gt3A_6 = arith.cmpf ogt, %gt3A, %gt3A_5 : vector<1024x1024xf32>
    %eq3A = vector.broadcast %transpose3A : vector<1x1024xf32> to vector<1024x1024xf32>
    %eq3A_7 = vector.broadcast %get3A_3 : vector<1024x1xf32> to vector<1024x1024xf32>
    %eq3A_8 = arith.cmpf oeq, %eq3A, %eq3A_7 : vector<1024x1024xf32>
    %lt3A = arith.cmpi slt, %iota3A_4, %iota3A : vector<1024x1024xi32>
    %and3A = arith.andi %eq3A_8, %lt3A : vector<1024x1024xi1>
    %or3A = arith.ori %gt3A_6, %and3A : vector<1024x1024xi1>
    %jit3A = arith.constant 1.000000e+00 : f32
    %jit3A_9 = arith.constant 0.000000e+00 : f32
    %broadcast_in_dim3A = vector.broadcast %jit3A : f32 to vector<1024x1024xf32>
    %broadcast_in_dim3A_10 = vector.broadcast %jit3A_9 : f32 to vector<1024x1024xf32>
    %select_n3A = arith.select %or3A, %broadcast_in_dim3A, %broadcast_in_dim3A_10 : vector<1024x1024xi1>, vector<1024x1024xf32>
    %reduce_sum3A = arith.constant dense<0.000000e+00> : vector<1024xf32>
    %reduce_sum3A_11 = vector.multi_reduction <add>, %select_n3A, %reduce_sum3A [1] : vector<1024x1024xf32> to vector<1024xf32>
    %broadcast_in_dim3A_12 = vector.shape_cast %reduce_sum3A_11 : vector<1024xf32> to vector<1024x1xf32>
    %iota3A_13 = tpu.iota {dimensions = array<i32: 1>} : vector<1024x512xi32>
    %convert_element_type3A = arith.sitofp %iota3A_13 : vector<1024x512xi32> to vector<1024x512xf32>
    %iota3A_14 = tpu.iota {dimensions = array<i32: 0>} : vector<1024x512xi32>
    %convert_element_type3A_15 = arith.sitofp %iota3A_14 : vector<1024x512xi32> to vector<1024x512xf32>
    %eq3A_16 = vector.broadcast %broadcast_in_dim3A_12 : vector<1024x1xf32> to vector<1024x512xf32>
    %eq3A_17 = arith.cmpf oeq, %eq3A_16, %convert_element_type3A : vector<1024x512xf32>
    %jit3A_18 = arith.constant 0.000000e+00 : f32
    %broadcast_in_dim3A_19 = vector.broadcast %jit3A_18 : f32 to vector<1024x512xf32>
    %select_n3A_20 = arith.select %eq3A_17, %convert_element_type3A_15, %broadcast_in_dim3A_19 : vector<1024x512xi1>, vector<1024x512xf32>
    %reduce_sum3A_21 = arith.constant dense<0.000000e+00> : vector<512xf32>
    %reduce_sum3A_22 = vector.multi_reduction <add>, %select_n3A_20, %reduce_sum3A_21 [0] : vector<1024x512xf32> to vector<512xf32>
    %broadcast_in_dim3A_23 = vector.shape_cast %reduce_sum3A_22 : vector<512xf32> to vector<1x512xf32>
    %convert_element_type3A_24 = arith.fptosi %broadcast_in_dim3A_23 : vector<1x512xf32> to vector<1x512xi32>
    %mul3A = arith.constant 1024 : i32
    %mul3A_25 = arith.muli %arg0, %mul3A : i32
    %add3A = vector.broadcast %mul3A_25 : i32 to vector<1x512xi32>
    %add3A_26 = arith.addi %convert_element_type3A_24, %add3A : vector<1x512xi32>
    %swap3A = arith.constant 0 : index
    %swap3A_27 = arith.constant 0 : index
    %swap3A_28 = arith.constant 0 : index
    %swap3A_29 = vector.load %arg2[%swap3A, %swap3A_27, %swap3A_28] : memref<1x1x512xi32, #tpu.memory_space<vmem>>, vector<1x1x512xi32>
    %swap3A_30 = vector.shape_cast %swap3A_29 : vector<1x1x512xi32> to vector<1x512xi32>
    %swap3A_31 = vector.shape_cast %add3A_26 : vector<1x512xi32> to vector<1x1x512xi32>
    tpu.vector_store %arg2[%swap3A, %swap3A_27, %swap3A_28], %swap3A_31 {strides = array<i32>} : memref<1x1x512xi32, #tpu.memory_space<vmem>>, vector<1x1x512xi32>,
    return
  }
  func.func @transform_0(%arg0: i32) -> (i32, i32, i32) {
    %c0_i32 = arith.constant 0 : i32
    %c0_i32_0 = arith.constant 0 : i32
    %c0_i32_1 = arith.constant 0 : i32
    return %arg0, %c0_i32, %c0_i32_0 : i32, i32, i32
  }
  func.func @transform_1(%arg0: i32) -> (i32, i32, i32) {
    %c0_i32 = arith.constant 0 : i32
    %c0_i32_0 = arith.constant 0 : i32
    %c0_i32_1 = arith.constant 0 : i32
    return %arg0, %c0_i32, %c0_i32_0 : i32, i32, i32
  }
}

</mosaic_0001>

<sc_bundles>
// kernel: kernel.5.cloned.1.call-start
scs
__scs_entry_jumppad:
0x0: {  	(pc) =	sbr.rel $0x88, $3  }
0x1: {  	(tag) =	ssettag $0x0;
	lr =	simm.s32 $0x1  }
0x2: {  	[smem:$0x3F9B] =	sst lr;
	_ =	strace $0xD0000000  }
0x3: {  	_ = 	snop  }
0x4: {  	_ = 	snop  }
0x5: {  	_ = 	snop  }
0x6: {  	_ = 	snop  }
0x7: {  	_ = 	snop  }
__scs_overlays_trampoline_lowered:
0x8: {  	[smem:$0x3FAA] =	sst s0  }
0x9: {  	[smem:$0x3FAB] =	sst s1  }
0xa: {  	[smem:$0x3FAC] =	sst s2  }
0xb: {  	[smem:$0x3FAD] =	sst s3  }
0xc: {  	[smem:$0x3FAE] =	sst s4  }
0xd: {  	[smem:$0x3FAF] =	sst s5  }
0xe: {  	[smem:$0x3FB0] =	sst s6  }
0xf: {  	[smem:$0x3FB1] =	sst s7  }
0x10: {  	[smem:$0x3FB2] =	sst s8  }
0x11: {  	[smem:$0x3FB3] =	sst s9;
	s0 =	simm.s32 @!p0 $0x0  }
0x12: {  	s1 =	sld [smem:$0x3F99];
	s0 =	simm.s32 @p0 $0x1  }
0x13: {  	[smem:$0x3FB4] =	sst s0;
	s0 =	simm.s32 @!p1 $0x0  }
0x14: {  	s2 =	sld [smem:$0x3F98];
	s0 =	simm.s32 @p1 $0x1  }
0x15: {  	[smem:$0x3FB5] =	sst s0;
	s0 =	simm.s32 @!p2 $0x0  }
0x16: {  	s3 =	sld [smem:$0x3FDB];
	s0 =	simm.s32 @p2 $0x1  }
0x17: {  	s4 =	simm.s32 $0x1BF5;
	[smem:$0x3FB7] =	sst s0  }
0x18: {  	s0 =	sld [smem:$0x3F9A];
	_ =	swait.ge [sflag:s4], $0x0  }
0x19: {  	s7 =	sld [smem:$0x3F9B]  }
0x1a: {  	s8 =	sadd.s32 $0xFFFFE003, lr  }
0x1b: {  	s9 =	sadd.s32 $0xFFFFFEF7, lr;
	s5 =	simm.s32 $0xFFFFFFFF;
	p2 =	slt.u32 s8, $0xFFFFF086  }
0x1c: {  	p1 =	slt.u32 s9, $0xF7A;
	s5 =	simm.s32 @!p2 $0x0  }
0x1d: {  	s5 =	simm.s32 @p1 $0x1;
	p0 =	seq.s32 s7, s2  }
0x1e: {  	s7 =	smul.u32 @!p0 $0xF7A, s2;
	p2 =	seq.s32 @!p0 s5, $0x0  }
0x1f: {  	s9 =	smul.u32 $0xF7A, s1;
	s8 =	simm.s32 @!p0 $0x1BF5;
	p2 =	por !p2, p0  }
0x20: {  	[sflag:s8] =	ssyncset.s32 @!p0 $0xFFFFF086;
	s6 =	sadd.s32 @!p0 s3, s7;
	s7 =	simm.s32 @!p0 $0x108  }
0x21: {  	s3 =	sadd.s32 s3, s9;
	s6 =	sadd.s32 @!p0 $0x88, s6;
	s7 =	simm.s32 @p2 $0x1082  }
0x22: {  	[simem:s7], [sflag:s8] =	dma.local @!p0 [hbm:s6], $0xF7A  }
0x23: {  	s9 =	sor.u32 $0xD0000000, s2;
	s6 =	simm.s32 $0x108;
	_ =	swait.ge @!p0 [sflag:s8], $0x0  }
0x24: {  	s3 =	sadd.s32 $0x88, s3;
	s6 =	simm.s32 @!p1 $0x1082;
	[sflag:s4] =	ssyncset.s32 $0xFFFFF086  }
0x25: {  	[simem:s6], [sflag:s4] =	dma.local [hbm:s3], $0xF7A  }
0x26: {  	[smem:$0x3F9B] =	sst s1;
	(tag) =	ssettag s2;
	_ =	strace s9  }
0x27: {  	s1 =	sld [smem:$0x3FAB]  }
0x28: {  	s2 =	sld [smem:$0x3FAC]  }
0x29: {  	s4 =	sld [smem:$0x3FAE]  }
0x2a: {  	p0 =	seq.s32 s5, $0x0;
	s5 =	sld [smem:$0x3FAF]  }
0x2b: {  	s6 =	sld [smem:$0x3FB0]  }
0x2c: {  	s7 =	sld [smem:$0x3FB1]  }
0x2d: {  	s3 =	simm.s32 $0x108;
	s8 =	sld [smem:$0x3FB2]  }
0x2e: {  	s3 =	simm.s32 @!p0 $0x1082;
	s9 =	sld [smem:$0x3FB3]  }
0x2f: {  	lr =	sadd.s32 s0, s3;
	s0 =	sld [smem:$0x3FAA]  }
0x30: {  	s3 =	sld [smem:$0x3FAD]  }
0x31: {  	[smem:$0x3FB6] =	sst s10  }
0x32: {  	s10 =	sld [smem:$0x3FB4];
	_ =	sdelay $0x3  }
0x33: {  	p0 =	seq.s32 s10, $0x1;
	s10 =	sld [smem:$0x3FB6];
	_ =	sdelay $0x3  }
0x34: {  	[smem:$0x3FB6] =	sst s10  }
0x35: {  	s10 =	sld [smem:$0x3FB5];
	_ =	sdelay $0x3  }
0x36: {  	p1 =	seq.s32 s10, $0x1;
	s10 =	sld [smem:$0x3FB6];
	_ =	sdelay $0x3  }
0x37: {  	[smem:$0x3FB6] =	sst s10  }
0x38: {  	s10 =	sld [smem:$0x3FB7]  }
0x39: {  	_ = 	snop;
	(pc) =	sbr.ind lr, $3  }
0x3a: {  	_ = 	snop  }
0x3b: {  	_ = 	snop  }
0x3c: {  	p2 =	seq.s32 s10, $0x1;
	s10 =	sld [smem:$0x3FB6]  }
0x3d: {  	_ =	shalt  }
0x3e: {  	_ =	shalt  }
0x3f: {  	_ =	shalt  }
0x40: {  	_ =	shalt  }
0x41: {  	_ =	shalt  }
0x42: {  	_ =	shalt  }
0x43: {  	_ =	shalt  }
0x44: {  	_ =	shalt  }
0x45: {  	_ =	shalt  }
0x46: {  	_ =	shalt  }
0x47: {  	_ =	shalt  }
0x48: {  	_ =	shalt  }
0x49: {  	_ =	shalt  }
0x4a: {  	_ =	shalt  }
0x4b: {  	_ =	shalt  }
0x4c: {  	_ =	shalt  }
0x4d: {  	_ =	shalt  }
0x4e: {  	_ =	shalt  }
0x4f: {  	_ =	shalt  }
0x50: {  	_ =	shalt  }
0x51: {  	_ =	shalt  }
0x52: {  	_ =	shalt  }
0x53: {  	_ =	shalt  }
0x54: {  	_ =	shalt  }
0x55: {  	_ =	shalt  }
0x56: {  	_ =	shalt  }
0x57: {  	_ =	shalt  }
0x58: {  	_ =	shalt  }
0x59: {  	_ =	shalt  }
0x5a: {  	_ =	shalt  }
0x5b: {  	_ =	shalt  }
0x5c: {  	_ =	shalt  }
0x5d: {  	_ =	shalt  }
0x5e: {  	_ =	shalt  }
0x5f: {  	_ =	shalt  }
0x60: {  	_ =	shalt  }
0x61: {  	_ =	shalt  }
0x62: {  	_ =	shalt  }
0x63: {  	_ =	shalt  }
0x64: {  	_ =	shalt  }
0x65: {  	_ =	shalt  }
0x66: {  	_ =	shalt  }
0x67: {  	_ =	shalt  }
0x68: {  	_ =	shalt  }
0x69: {  	_ =	shalt  }
0x6a: {  	_ =	shalt  }
0x6b: {  	_ =	shalt  }
0x6c: {  	_ =	shalt  }
0x6d: {  	_ =	shalt  }
0x6e: {  	_ =	shalt  }
0x6f: {  	_ =	shalt  }
0x70: {  	_ =	shalt  }
0x71: {  	_ =	shalt  }
0x72: {  	_ =	shalt  }
0x73: {  	_ =	shalt  }
0x74: {  	_ =	shalt  }
0x75: {  	_ =	shalt  }
0x76: {  	_ =	shalt  }
0x77: {  	_ =	shalt  }
0x78: {  	_ =	shalt  }
0x79: {  	_ =	shalt  }
0x7a: {  	_ =	shalt  }
0x7b: {  	_ =	shalt  }
0x7c: {  	_ =	shalt  }
0x7d: {  	_ =	shalt  }
0x7e: {  	_ =	shalt  }
0x7f: {  	_ =	shalt  }
0x80: {  	_ =	shalt  }
0x81: {  	_ =	shalt  }
0x82: {  	_ =	shalt  }
0x83: {  	_ =	shalt  }
0x84: {  	_ =	shalt  }
0x85: {  	_ =	shalt  }
0x86: {  	_ =	shalt  }
0x87: {  	_ =	shalt  }
.Lfunc_end0:
.L_simem_size_0:
called_computation_lowered:
.L_overlay_start_0:
0x88: {  	s2 =	sld [smem:$0x3FD9]  }
0x89: {  	s3 =	sld [smem:$0x3FFE];
	_ =	sdelay $0x1  }
0x8a: {  	s1 =	srdreg.scid  }
0x8b: {  	s0 =	sand.u32 $0x1, s1  }
0x8c: {  	s14 =	sshll.u32 s0, $0xA;
	s2 =	sadd.s32 s3, s2  }
0x8d: {  	s2 =	sadd.s32 s2, s14  }
0x8e: {  	[smem:$0x3FC2] =	sst s2  }
0x8f: {  	_ = 	snop  }
0x90: {  	s2 =	sld [smem:$0x3FD0];
	_ =	sdelay $0x2  }
0x91: {  	s4 =	simm.s32 $0xA;
	s5 =	simm.s32 $0x10;
	s15 =	sld [smem:$0x3FC9]  }
0x92: {  	[smem:s5], [sflag:s4] =	dma.local [hbm:s2], $0x1  }
0x93: {  	_ =	swait.eq [sflag:s4], $0x1  }
0x94: {  	[sflag:s4] =	ssyncset.done $0x0  }
0x95: {  	s16 =	sld [smem:$0x10];
	[sflag:s4] =	ssyncadd.s32 $0xFFFFFFFF  }
0x96: {  	s17 =	sld [smem:$0x11];
	(tm) =	ssettm $0x1  }
0x97: {  	s18 =	sld [smem:$0x3FFB];
	_ =	sdelay $0x3  }
0x98: {  	_ =	strace s18  }
0x99: {  	s5 =	sld [smem:$0x3FFC];
	_ =	sdelay $0x3  }
0x9a: {  	_ =	strace s5  }
0x9b: {  	s5 =	sld [smem:$0x3FFD];
	_ =	sdelay $0x3  }
0x9c: {  	_ =	strace s5  }
0x9d: {  	_ =	strace $0x8FFFFFFF  }
0x9e: {  	s19 =	sld [smem:$0x3FDB];
	_ =	sdelay $0x1  }
0x9f: {  	s6 =	simm.s32 $_scs_section_size  }
0xa0: {  	s7 =	simm.s32 $_size__tile_overlayer_lowered;
	s8 =	simm.s32 $_tile_overlayer_lowered  }
0xa1: {  	s22 =	simm.s32 $0x1BFF;
	s21 =	sshll.u32 s8, $0x1;
	s5 =	sadd.s32 s6, s19  }
0xa2: {  	s9 =	simm.s32 $0x0;
	s20 =	sshll.u32 s7, $0x1;
	s7 =	sadd.s32 s21, s5  }
0xa3: {  	[timem:s9], [sflag:s22] =	dma.local [hbm:s7], s20  }
0xa4: {  	_ =	swait.ge [sflag:s22], s20  }
0xa5: {  	s6 =	ssub.s32 $0x0, s20;
	[sflag:s22] =	ssyncset.done $0x0  }
0xa6: {  	[sflag:s22] =	ssyncadd.s32 s6;
	_ =	sdelay $0x1  }
0xa7: {  	s23 =	simm.s32 $0x1B8B  }
0xa8: {  	_ =	swait.ge [sflag:s23], $0x1  }
0xa9: {  	[sflag:s23] =	ssyncset.done $0x0  }
0xaa: {  	s25 =	simm.s32 $0x1B8E;
	s24 =	sld [smem:$0x3FFE];
	[sflag:s23] =	ssyncadd.s32 $0xFFFFFFFF  }
0xab: {  	s26 =	simm.s32 $execute0_lowered;
	[smem:$0x3FD2] =	sst s25  }
0xac: {  	s7 =	sshll.u32 s26, $0x1;
	_ =	strace $0x80000046;
	[dreg:$0x1] =	wrdreg $0xFFFFFFFF  }
0xad: {  	s28 =	simm.s32 $_size_execute0_lowered;
	s5 =	sadd.s32 s5, s7;
	[dreg:$0x0] =	wrdreg $0x0  }
0xae: {  	s7 =	sshll.u32 s28, $0x1;
	[dreg:$0x2] =	wrdreg s5  }
0xaf: {  	[dreg:$0x3] =	wrdreg s7  }
0xb0: {  	[dreg:$0x4] =	wrdreg $0xC0  }
0xb1: {  	_ =	task [dreg:s9], $0x5FFFF  }
0xb2: {  	[dreg:$0x1] =	wrdreg $0xFFFFFFFF  }
0xb3: {  	[dreg:$0x0] =	wrdreg $0x60  }
0xb4: {  	[dreg:$0x2] =	wrdreg s15  }
0xb5: {  	[dreg:$0x3] =	wrdreg s16  }
0xb6: {  	[dreg:$0x4] =	wrdreg s24  }
0xb7: {  	[dreg:$0x5] =	wrdreg s17  }
0xb8: {  	[dreg:$0x6] =	wrdreg $0x9  }
0xb9: {  	_ =	task.clear_ibuf [dreg:s9], $0x7FFFF;
	_ =	strace $0x90000046  }
0xba: {  	s29 =	simm.s32 $0x9;
	_ =	strace $0x80000048  }
0xbb: {  	_ =	swait.ge [sflag:s29], $0x1  }
0xbc: {  	[sflag:s29] =	ssyncadd.s32 $0xFFFFFFFF  }
0xbd: {  	_ =	strace $0x90000048  }
0xbe: {  	_ =	sfence  }
0xbf: {  	s30 =	sld [smem:$0x0];
	_ =	sdelay $0x2  }
0xc0: {  	s31 =	sshll.u32 s1, $0xD;
	s1 =	sshrl.u32 s1, $0x2  }
0xc1: {  	s3 =	sand.u32 $0x4000, s31;
	s1 =	sadd.s32 s1, s30  }
0xc2: {  	s0 =	sor.u32 s3, s0;
	s1 =	sshll.u32 s1, $0x11  }
0xc3: {  	s0 =	sor.u32 s1, s0  }
0xc4: {  	s0 =	sadd.s32 $0x8F2B, s0  }
0xc5: {  	[sflag:s0] =	ssyncadd.remote.s32 $0x1  }
0xc6: {  	_ =	sfence.sel $0xFFFF  }
0xc7: {  	[dreg:$0x0] =	wrdreg $0xFFFFFFFF;
	(pc) =	sbr.abs _section_cstart, $3  }
0xc8: {  	[dreg:$0x1] =	wrdreg $0xFFFFFFFF  }
0xc9: {  	_ =	task.clear_ibuf [dreg:s9], $0x2FFFF;
	_ =	strace $0x9FFFFFFF  }
0xca: {  	(tm) =	ssettm $0x7FFFFFFF  }
0xcb: {  	_ =	shalt  }
tec
execute0_lowered:
.L_overlay_start_1:
0x0: {  	(tag) =	ssettag $0x1  }
0x1: {  	s1 =	rddreg [dreg:$0x0]  }
0x2: {  	s2 =	rddreg [dreg:$0x1]  }
0x3: {  	s0 =	rddreg [dreg:$0x2]  }
0x4: {  	s3 =	rddreg [dreg:$0x3];
	s5 =	srdreg.scid  }
0x5: {  	s9 =	stileid.u32;
	s4 =	simm.s32 $0x0;
	s16 =	simm.s32 $0x3  }
0x6: {  	s18 =	simm.s32 $0x280;
	s11 =	simm.s32 $0x12280;
	s12 =	simm.s32 $0x13280  }
0x7: {  	s13 =	simm.s32 $0x14A80;
	s14 =	simm.s32 $0x15A80;
	s15 =	simm.s32 $0x16A80  }
0x8: {  	s28 =	simm.s32 $0x17A80;
	s29 =	simm.s32 $0x2;
	s30 =	simm.s32 $0x18280  }
0x9: {  	s31 =	simm.s32 $0x1;
	s5 =	sand.u32 $0x1, s5;
	s6 =	sshll.u32 s9, $0x1  }
0xa: {  	[smem:$0x7FF] =	sst s4;
	s8 =	sadd.s32 $0xC00, s0;
	s9 =	sshrl.u32 s9, $0x1  }
0xb: {  	s6 =	sor.u32 s5, s6;
	_ =	strace $0x80000047;
	s5 =	ssub.s32 $0x2, s5  }
0xc: {  	s21 =	sshll.u32 s9, $0x6;
	s17 =	sshll.u32 s9, $0xA;
	s9 =	sadd.s32 $0x300, s1  }
0xd: {  	s7 =	sshll.u32 s6, $0xD;
	s19 =	sshrl.u32 s5, $0x1;
	s10 =	sshll.u32 s6, $0x4  }
0xe: {  	s6 =	sshll.u32 s6, $0xC;
	s0 =	sadd.s32 s7, s0;
	s5 =	ssub.s32 s5, s19  }
0xf: {  	s20 =	sadd.s32 s8, s10;
	s7 =	sadd.s32 s8, s21;
	s8 =	sadd.s32 $0x200, s1  }
0x10: {  	s25 =	sadd.s32 s3, s6;
	s19 =	simm.s32 $0x8280;
	[dreg:$0x5] =	wrdreg s20  }
0x11: {  	s6 =	simm.s32 $0x10A80;
	s10 =	simm.s32 $0x11280;
	[dreg:$0x6] =	wrdreg s7  }
0x12: {  	s21 =	simm.s32 $0x12A80;
	s22 =	sadd.s32 $0xE00, s0;
	[dreg:$0xb] =	wrdreg s25  }
0x13: {  	s7 =	sadd.s32 $0x100, s1;
	s23 =	sadd.s32 $0x1600, s0;
	[dreg:$0x7] =	wrdreg s22  }
0x14: {  	s24 =	sadd.s32 $0x1E00, s0;
	s0 =	sadd.s32 $0x2600, s0;
	[dreg:$0x8] =	wrdreg s23  }
0x15: {  	s26 =	smax.u32 s5, $0x1;
	s5 =	simm.s32 $0x10280;
	[dreg:$0x9] =	wrdreg s24  }
0x16: {  	v3 =	vlaneseq.u32;
	s20 =	simm.s32 $0x11A80;
	s25 =	simm.s32 $0x16280;
	[dreg:$0xa] =	wrdreg s0  }
0x17: {  	vm0 =	vmmov $0xffff;
	v1 =	vand.u32 $0x7, v3;
	v2 =	vshrl.u32 v3, $0x3;
	[dreg:$0xc] =	wrdreg s26;
	s22 =	simm.s32 $0x13A80;
	s23 =	simm.s32 $0x14280  }
0x18: {  	v3 =	vor.u32 $0x8, v3;
	v2 =	vmul.u32 $0x8, v2;
	v0 =	vmov s17;
	s24 =	simm.s32 $0x15280;
	s26 =	simm.s32 $0x17280;
	s0 =	simm.s32 $0x0  }
.LBB2_1:
0x19: {  	s3 =	rddreg [dreg:$0x5]  }
0x1a: {  	[tilespmem:s4], [sflag:$0x3] =	stream.linear.gather [hbm4b:s3+s4], $0x80, $0x38;
	[tilespmem:$0x1C280] =	vst v63  }
0x1b: {  	_ =	swait.ge [sflag:s16], $0x80  }
0x1c: {  	[sflag:s16] =	ssyncset.done $0x0  }
0x1d: {  	s17 =	simm.s32 $0x80;
	s3 =	rddreg [dreg:$0x6];
	[sflag:s16] =	ssyncadd.s32 $0xFFFFFF80  }
0x1e: {  	[tilespmem:s17], [sflag:$0x3] =	stream.linear.gather [hbm4b:s3+s4], $0x200, $0x38;
	[tilespmem:$0x1C280] =	vst v63  }
0x1f: {  	_ =	swait.ge [sflag:s16], $0x200  }
0x20: {  	[sflag:s16] =	ssyncset.done $0x0  }
0x21: {  	[sflag:s16] =	ssyncadd.s32 $0xFFFFFE00  }
0x22: {  	v4 =	vld [tilespmem:$0x0];
	_ =	sdelay $0x4  }
0x23: {  	v5 =	vshll.u32 v4, $0x1  }
0x24: {  	v4 =	vand.u32 $0x7, v4;
	v5 =	vand.u32 $0xFFFFFFF0, v5  }
0x25: {  	v4 =	vor.u32 v4, v5  }
0x26: {  	v5 =	vperm.xlane v4, v1;
	_ =	sdelay $0x1  }
0x27: {  	v4 =	vperm.xlane v4, v3;
	v5 =	vadd.s32 v2, v5;
	_ =	sdelay $0x1  }
0x28: {  	v4 =	vadd.s32 v2, v4;
	_ =	sdelay $0x2  }
0x29: {  	[tilespmem:s18], [sflag:$0x1] =	stream.indirect_vreg.gather [hbm4b:s2+s4], $0x80, v5, vm0, $0xb8;
	[tilespmem:$0x1C280] =	vst v63  }
0x2a: {  	s17 =	simm.s32 $0xA80  }
0x2b: {  	[tilespmem:s17], [sflag:$0x1] =	stream.indirect_vreg.gather [hbm4b:s2+s4], $0x80, v4, vm0, $0xb8;
	[tilespmem:$0x1C280] =	vst v63  }
0x2c: {  	v4 =	vld [tilespmem:$0x10];
	_ =	sdelay $0x4  }
0x2d: {  	v5 =	vshll.u32 v4, $0x1  }
0x2e: {  	v4 =	vand.u32 $0x7, v4;
	v5 =	vand.u32 $0xFFFFFFF0, v5  }
0x2f: {  	v4 =	vor.u32 v4, v5  }
0x30: {  	v5 =	vperm.xlane v4, v1;
	_ =	sdelay $0x1  }
0x31: {  	v4 =	vperm.xlane v4, v3;
	v5 =	vadd.s32 v2, v5;
	_ =	sdelay $0x1  }
0x32: {  	v4 =	vadd.s32 v2, v4;
	_ =	sdelay $0x1  }
0x33: {  	s18 =	simm.s32 $0x1280  }
0x34: {  	[tilespmem:s18], [sflag:$0x1] =	stream.indirect_vreg.gather [hbm4b:s2+s4], $0x80, v5, vm0, $0xb8;
	[tilespmem:$0x1C280] =	vst v63  }
0x35: {  	s17 =	simm.s32 $0x1A80  }
0x36: {  	[tilespmem:s17], [sflag:$0x1] =	stream.indirect_vreg.gather [hbm4b:s2+s4], $0x80, v4, vm0, $0xb8;
	[tilespmem:$0x1C280] =	vst v63  }
0x37: {  	v4 =	vld [tilespmem:$0x20];
	_ =	sdelay $0x4  }
0x38: {  	v5 =	vshll.u32 v4, $0x1  }
0x39: {  	v4 =	vand.u32 $0x7, v4;
	v5 =	vand.u32 $0xFFFFFFF0, v5  }
0x3a: {  	v4 =	vor.u32 v4, v5  }
0x3b: {  	v5 =	vperm.xlane v4, v1;
	_ =	sdelay $0x1  }
0x3c: {  	v4 =	vperm.xlane v4, v3;
	v5 =	vadd.s32 v2, v5;
	_ =	sdelay $0x1  }
0x3d: {  	v4 =	vadd.s32 v2, v4;
	_ =	sdelay $0x1  }
0x3e: {  	s18 =	simm.s32 $0x2280  }
0x3f: {  	[tilespmem:s18], [sflag:$0x1] =	stream.indirect_vreg.gather [hbm4b:s2+s4], $0x80, v5, vm0, $0xb8;
	[tilespmem:$0x1C280] =	vst v63  }
0x40: {  	s17 =	simm.s32 $0x2A80  }
0x41: {  	[tilespmem:s17], [sflag:$0x1] =	stream.indirect_vreg.gather [hbm4b:s2+s4], $0x80, v4, vm0, $0xb8;
	[tilespmem:$0x1C280] =	vst v63  }
0x42: {  	v4 =	vld [tilespmem:$0x30];
	_ =	sdelay $0x4  }
0x43: {  	v5 =	vshll.u32 v4, $0x1  }
0x44: {  	v4 =	vand.u32 $0x7, v4;
	v5 =	vand.u32 $0xFFFFFFF0, v5  }
0x45: {  	v4 =	vor.u32 v4, v5  }
0x46: {  	v5 =	vperm.xlane v4, v1;
	_ =	sdelay $0x1  }
0x47: {  	v4 =	vperm.xlane v4, v3;
	v5 =	vadd.s32 v2, v5;
	_ =	sdelay $0x1  }
0x48: {  	v4 =	vadd.s32 v2, v4;
	_ =	sdelay $0x1  }
0x49: {  	s18 =	simm.s32 $0x3280  }
0x4a: {  	[tilespmem:s18], [sflag:$0x1] =	stream.indirect_vreg.gather [hbm4b:s2+s4], $0x80, v5, vm0, $0xb8;
	[tilespmem:$0x1C280] =	vst v63  }
0x4b: {  	s17 =	simm.s32 $0x3A80  }
0x4c: {  	[tilespmem:s17], [sflag:$0x1] =	stream.indirect_vreg.gather [hbm4b:s2+s4], $0x80, v4, vm0, $0xb8;
	[tilespmem:$0x1C280] =	vst v63  }
0x4d: {  	v4 =	vld [tilespmem:$0x40];
	_ =	sdelay $0x4  }
0x4e: {  	v5 =	vshll.u32 v4, $0x1  }
0x4f: {  	v4 =	vand.u32 $0x7, v4;
	v5 =	vand.u32 $0xFFFFFFF0, v5  }
0x50: {  	v4 =	vor.u32 v4, v5  }
0x51: {  	v5 =	vperm.xlane v4, v1;
	_ =	sdelay $0x1  }
0x52: {  	v4 =	vperm.xlane v4, v3;
	v5 =	vadd.s32 v2, v5;
	_ =	sdelay $0x1  }
0x53: {  	v4 =	vadd.s32 v2, v4;
	_ =	sdelay $0x1  }
0x54: {  	s18 =	simm.s32 $0x4280  }
0x55: {  	[tilespmem:s18], [sflag:$0x1] =	stream.indirect_vreg.gather [hbm4b:s2+s4], $0x80, v5, vm0, $0xb8;
	[tilespmem:$0x1C280] =	vst v63  }
0x56: {  	s17 =	simm.s32 $0x4A80  }
0x57: {  	[tilespmem:s17], [sflag:$0x1] =	stream.indirect_vreg.gather [hbm4b:s2+s4], $0x80, v4, vm0, $0xb8;
	[tilespmem:$0x1C280] =	vst v63  }
0x58: {  	v4 =	vld [tilespmem:$0x50];
	_ =	sdelay $0x4  }
0x59: {  	v5 =	vshll.u32 v4, $0x1  }
0x5a: {  	v4 =	vand.u32 $0x7, v4;
	v5 =	vand.u32 $0xFFFFFFF0, v5  }
0x5b: {  	v4 =	vor.u32 v4, v5  }
0x5c: {  	v5 =	vperm.xlane v4, v1;
	_ =	sdelay $0x1  }
0x5d: {  	v4 =	vperm.xlane v4, v3;
	v5 =	vadd.s32 v2, v5;
	_ =	sdelay $0x1  }
0x5e: {  	v4 =	vadd.s32 v2, v4;
	_ =	sdelay $0x1  }
0x5f: {  	s18 =	simm.s32 $0x5280  }
0x60: {  	[tilespmem:s18], [sflag:$0x1] =	stream.indirect_vreg.gather [hbm4b:s2+s4], $0x80, v5, vm0, $0xb8;
	[tilespmem:$0x1C280] =	vst v63  }
0x61: {  	s17 =	simm.s32 $0x5A80  }
0x62: {  	[tilespmem:s17], [sflag:$0x1] =	stream.indirect_vreg.gather [hbm4b:s2+s4], $0x80, v4, vm0, $0xb8;
	[tilespmem:$0x1C280] =	vst v63  }
0x63: {  	v4 =	vld [tilespmem:$0x60];
	_ =	sdelay $0x4  }
0x64: {  	v5 =	vshll.u32 v4, $0x1  }
0x65: {  	v4 =	vand.u32 $0x7, v4;
	v5 =	vand.u32 $0xFFFFFFF0, v5  }
0x66: {  	v4 =	vor.u32 v4, v5  }
0x67: {  	v5 =	vperm.xlane v4, v1;
	_ =	sdelay $0x1  }
0x68: {  	v4 =	vperm.xlane v4, v3;
	v5 =	vadd.s32 v2, v5;
	_ =	sdelay $0x1  }
0x69: {  	v4 =	vadd.s32 v2, v4;
	_ =	sdelay $0x1  }
0x6a: {  	s18 =	simm.s32 $0x6280  }
0x6b: {  	[tilespmem:s18], [sflag:$0x1] =	stream.indirect_vreg.gather [hbm4b:s2+s4], $0x80, v5, vm0, $0xb8;
	[tilespmem:$0x1C280] =	vst v63  }
0x6c: {  	s17 =	simm.s32 $0x6A80  }
0x6d: {  	[tilespmem:s17], [sflag:$0x1] =	stream.indirect_vreg.gather [hbm4b:s2+s4], $0x80, v4, vm0, $0xb8;
	[tilespmem:$0x1C280] =	vst v63  }
0x6e: {  	v4 =	vld [tilespmem:$0x70];
	_ =	sdelay $0x4  }
0x6f: {  	v5 =	vshll.u32 v4, $0x1  }
0x70: {  	v4 =	vand.u32 $0x7, v4;
	v5 =	vand.u32 $0xFFFFFFF0, v5  }
0x71: {  	v4 =	vor.u32 v4, v5  }
0x72: {  	v5 =	vperm.xlane v4, v1;
	_ =	sdelay $0x1  }
0x73: {  	v4 =	vperm.xlane v4, v3;
	v5 =	vadd.s32 v2, v5;
	_ =	sdelay $0x1  }
0x74: {  	v4 =	vadd.s32 v2, v4;
	_ =	sdelay $0x1  }
0x75: {  	s18 =	simm.s32 $0x7280  }
0x76: {  	[tilespmem:s18], [sflag:$0x1] =	stream.indirect_vreg.gather [hbm4b:s2+s4], $0x80, v5, vm0, $0xb8;
	[tilespmem:$0x1C280] =	vst v63  }
0x77: {  	s17 =	simm.s32 $0x7A80  }
0x78: {  	[tilespmem:s17], [sflag:$0x1] =	stream.indirect_vreg.gather [hbm4b:s2+s4], $0x80, v4, vm0, $0xb8;
	[tilespmem:$0x1C280] =	vst v63  }
0x79: {  	v4 =	vld [tilespmem:$0x80]  }
0x7a: {  	v5 =	vld [tilespmem:$0x90]  }
0x7b: {  	v6 =	vld [tilespmem:$0xA0]  }
0x7c: {  	v7 =	vld [tilespmem:$0xB0]  }
0x7d: {  	v8 =	vld [tilespmem:$0xC0]  }
0x7e: {  	v9 =	vld [tilespmem:$0xD0]  }
0x7f: {  	v10 =	vld [tilespmem:$0xE0];
	v4 =	vsub.s32 v4, v0  }
0x80: {  	v42 =	vld [tilespmem:$0x100];
	[tilespmem:$0x80] =	vst v4;
	v4 =	vsub.s32 v5, v0  }
0x81: {  	v5 =	vld [tilespmem:$0xF0];
	[tilespmem:$0x90] =	vst v4;
	v4 =	vsub.s32 v6, v0  }
0x82: {  	v43 =	vld [tilespmem:$0x110];
	[tilespmem:$0xA0] =	vst v4;
	v4 =	vsub.s32 v7, v0  }
0x83: {  	v44 =	vld [tilespmem:$0x120];
	[tilespmem:$0xB0] =	vst v4;
	v4 =	vsub.s32 v8, v0  }
0x84: {  	v45 =	vld [tilespmem:$0x130];
	[tilespmem:$0xC0] =	vst v4;
	v4 =	vsub.s32 v9, v0  }
0x85: {  	v46 =	vld [tilespmem:$0x140];
	[tilespmem:$0xD0] =	vst v4;
	v4 =	vsub.s32 v10, v0  }
0x86: {  	v47 =	vld [tilespmem:$0x160];
	[tilespmem:$0xE0] =	vst v4;
	v4 =	vsub.s32 v5, v0  }
0x87: {  	v5 =	vld [tilespmem:$0x150];
	[tilespmem:$0xF0] =	vst v4;
	v4 =	vsub.s32 v42, v0  }
0x88: {  	v48 =	vld [tilespmem:$0x170];
	[tilespmem:$0x100] =	vst v4;
	v4 =	vsub.s32 v43, v0  }
0x89: {  	v49 =	vld [tilespmem:$0x180];
	[tilespmem:$0x110] =	vst v4;
	v4 =	vsub.s32 v44, v0  }
0x8a: {  	v50 =	vld [tilespmem:$0x190];
	[tilespmem:$0x120] =	vst v4;
	v4 =	vsub.s32 v45, v0  }
0x8b: {  	v51 =	vld [tilespmem:$0x1A0];
	[tilespmem:$0x130] =	vst v4;
	v4 =	vsub.s32 v46, v0  }
0x8c: {  	v52 =	vld [tilespmem:$0x1C0];
	[tilespmem:$0x140] =	vst v4;
	v4 =	vsub.s32 v5, v0  }
0x8d: {  	v5 =	vld [tilespmem:$0x1B0];
	[tilespmem:$0x150] =	vst v4;
	v4 =	vsub.s32 v47, v0  }
0x8e: {  	v53 =	vld [tilespmem:$0x1D0];
	[tilespmem:$0x160] =	vst v4;
	v4 =	vsub.s32 v48, v0  }
0x8f: {  	v54 =	vld [tilespmem:$0x1E0];
	[tilespmem:$0x170] =	vst v4;
	v4 =	vsub.s32 v49, v0  }
0x90: {  	v55 =	vld [tilespmem:$0x1F0];
	[tilespmem:$0x180] =	vst v4;
	v4 =	vsub.s32 v50, v0  }
0x91: {  	v56 =	vld [tilespmem:$0x0];
	[tilespmem:$0x190] =	vst v4;
	v4 =	vsub.s32 v51, v0  }
0x92: {  	[tilespmem:$0x1A0] =	vst v4;
	v4 =	vsub.s32 v5, v0;
	v5 =	vld [tilespmem:$0x200]  }
0x93: {  	v57 =	vld [tilespmem:$0x210];
	[tilespmem:$0x1B0] =	vst v4;
	v4 =	vsub.s32 v52, v0  }
0x94: {  	v58 =	vld [tilespmem:$0x220];
	[tilespmem:$0x1C0] =	vst v4;
	v4 =	vsub.s32 v53, v0  }
0x95: {  	v59 =	vld [tilespmem:$0x230];
	[tilespmem:$0x1D0] =	vst v4;
	v4 =	vsub.s32 v54, v0  }
0x96: {  	v60 =	vld [tilespmem:$0x240];
	v11 =	vshll.u32 v56, $0x3;
	[tilespmem:$0x1E0] =	vst v4;
	v4 =	vsub.s32 v55, v0  }
0x97: {  	v11 =	vand.u32 $0xFFFFFFC0, v11;
	v10 =	vand.u32 $0x7, v56;
	[tilespmem:$0x1F0] =	vst v4;
	v4 =	vsub.s32 v5, v0;
	v5 =	vld [tilespmem:$0x250]  }
0x98: {  	v61 =	vld [tilespmem:$0x260];
	v10 =	vor.u32 v10, v11;
	[tilespmem:$0x200] =	vst v4;
	v4 =	vsub.s32 v57, v0  }
0x99: {  	v62 =	vld [tilespmem:$0x270];
	v11 =	vperm.xlane v10, v1;
	[tilespmem:$0x210] =	vst v4;
	v4 =	vsub.s32 v58, v0  }
0x9a: {  	[tilespmem:$0x220] =	vst v4;
	v4 =	vsub.s32 v59, v0  }
0x9b: {  	v63 =	vadd.s32 v2, v11;
	[tilespmem:$0x230] =	vst v4;
	v4 =	vsub.s32 v60, v0  }
0x9c: {  	[tilespmem:$0x240] =	vst v4;
	v4 =	vsub.s32 v5, v0  }
0x9d: {  	[tilespmem:$0x250] =	vst v4;
	v4 =	vsub.s32 v61, v0  }
0x9e: {  	[tilespmem:$0x260] =	vst v4;
	v4 =	vsub.s32 v62, v0  }
0x9f: {  	[tilespmem:$0x270] =	vst v4  }
0xa0: {  	[tilespmem:s19], [sflag:$0x2] =	stream.indirect_vreg.gather [hbm4b:s1+s4], $0x80, v63, vm0, $0xb8;
	[tilespmem:$0x1C280] =	vst v63  }
0xa1: {  	s18 =	simm.s32 $0x8A80;
	v4 =	vperm.xlane v10, v3  }
0xa2: {  	[tilespmem:s18], [sflag:$0x2] =	stream.indirect_vreg.gather [hbm4b:s7+s4], $0x80, v63, vm0, $0xb8;
	[tilespmem:$0x1C280] =	vst v63  }
0xa3: {  	s17 =	simm.s32 $0x9280;
	v4 =	vadd.s32 v2, v4  }
0xa4: {  	[tilespmem:s17], [sflag:$0x2] =	stream.indirect_vreg.gather [hbm4b:s8+s4], $0x80, v63, vm0, $0xb8;
	[tilespmem:$0x1C280] =	vst v63  }
0xa5: {  	s18 =	simm.s32 $0x9A80  }
0xa6: {  	[tilespmem:s18], [sflag:$0x2] =	stream.indirect_vreg.gather [hbm4b:s9+s4], $0x80, v63, vm0, $0xb8;
	[tilespmem:$0x1C280] =	vst v63  }
0xa7: {  	s17 =	simm.s32 $0xA280  }
0xa8: {  	[tilespmem:s17], [sflag:$0x2] =	stream.indirect_vreg.gather [hbm4b:s1+s4], $0x80, v4, vm0, $0xb8;
	[tilespmem:$0x1C280] =	vst v63  }
0xa9: {  	s18 =	simm.s32 $0xAA80  }
0xaa: {  	[tilespmem:s18], [sflag:$0x2] =	stream.indirect_vreg.gather [hbm4b:s7+s4], $0x80, v4, vm0, $0xb8;
	[tilespmem:$0x1C280] =	vst v63  }
0xab: {  	s17 =	simm.s32 $0xB280  }
0xac: {  	[tilespmem:s17], [sflag:$0x2] =	stream.indirect_vreg.gather [hbm4b:s8+s4], $0x80, v4, vm0, $0xb8;
	[tilespmem:$0x1C280] =	vst v63  }
0xad: {  	s18 =	simm.s32 $0xBA80  }
0xae: {  	[tilespmem:s18], [sflag:$0x2] =	stream.indirect_vreg.gather [hbm4b:s9+s4], $0x80, v4, vm0, $0xb8;
	[tilespmem:$0x1C280] =	vst v63  }
0xaf: {  	v4 =	vld [tilespmem:$0x10];
	_ =	sdelay $0x4  }
0xb0: {  	v5 =	vshll.u32 v4, $0x3  }
0xb1: {  	v4 =	vand.u32 $0x7, v4;
	v5 =	vand.u32 $0xFFFFFFC0, v5  }
0xb2: {  	v4 =	vor.u32 v4, v5  }
0xb3: {  	v5 =	vperm.xlane v4, v1;
	_ =	sdelay $0x1  }
0xb4: {  	v5 =	vadd.s32 v2, v5;
	_ =	sdelay $0x3  }
0xb5: {  	s17 =	simm.s32 $0xC280  }
0xb6: {  	[tilespmem:s17], [sflag:$0x2] =	stream.indirect_vreg.gather [hbm4b:s1+s4], $0x80, v5, vm0, $0xb8;
	[tilespmem:$0x1C280] =	vst v63  }
0xb7: {  	s18 =	simm.s32 $0xCA80;
	v4 =	vperm.xlane v4, v3  }
0xb8: {  	[tilespmem:s18], [sflag:$0x2] =	stream.indirect_vreg.gather [hbm4b:s7+s4], $0x80, v5, vm0, $0xb8;
	[tilespmem:$0x1C280] =	vst v63  }
0xb9: {  	v4 =	vadd.s32 v2, v4;
	s17 =	simm.s32 $0xD280  }
0xba: {  	[tilespmem:s17], [sflag:$0x2] =	stream.indirect_vreg.gather [hbm4b:s8+s4], $0x80, v5, vm0, $0xb8;
	[tilespmem:$0x1C280] =	vst v63  }
0xbb: {  	s18 =	simm.s32 $0xDA80  }
0xbc: {  	[tilespmem:s18], [sflag:$0x2] =	stream.indirect_vreg.gather [hbm4b:s9+s4], $0x80, v5, vm0, $0xb8;
	[tilespmem:$0x1C280] =	vst v63  }
0xbd: {  	s17 =	simm.s32 $0xE280  }
0xbe: {  	[tilespmem:s17], [sflag:$0x2] =	stream.indirect_vreg.gather [hbm4b:s1+s4], $0x80, v4, vm0, $0xb8;
	[tilespmem:$0x1C280] =	vst v63  }
0xbf: {  	s18 =	simm.s32 $0xEA80  }
0xc0: {  	[tilespmem:s18], [sflag:$0x2] =	stream.indirect_vreg.gather [hbm4b:s7+s4], $0x80, v4, vm0, $0xb8;
	[tilespmem:$0x1C280] =	vst v63  }
0xc1: {  	s17 =	simm.s32 $0xF280  }
0xc2: {  	[tilespmem:s17], [sflag:$0x2] =	stream.indirect_vreg.gather [hbm4b:s8+s4], $0x80, v4, vm0, $0xb8;
	[tilespmem:$0x1C280] =	vst v63  }
0xc3: {  	s18 =	simm.s32 $0xFA80  }
0xc4: {  	[tilespmem:s18], [sflag:$0x2] =	stream.indirect_vreg.gather [hbm4b:s9+s4], $0x80, v4, vm0, $0xb8;
	[tilespmem:$0x1C280] =	vst v63  }
0xc5: {  	v4 =	vld [tilespmem:$0x20];
	_ =	sdelay $0x4  }
0xc6: {  	v5 =	vshll.u32 v4, $0x3  }
0xc7: {  	v4 =	vand.u32 $0x7, v4;
	v5 =	vand.u32 $0xFFFFFFC0, v5  }
0xc8: {  	v4 =	vor.u32 v4, v5  }
0xc9: {  	v5 =	vperm.xlane v4, v1;
	_ =	sdelay $0x1  }
0xca: {  	v5 =	vadd.s32 v2, v5;
	_ =	sdelay $0x4  }
0xcb: {  	[tilespmem:s5], [sflag:$0x2] =	stream.indirect_vreg.gather [hbm4b:s1+s4], $0x80, v5, vm0, $0xb8;
	[tilespmem:$0x1C280] =	vst v63  }
0xcc: {  	v4 =	vperm.xlane v4, v3  }
0xcd: {  	[tilespmem:s6], [sflag:$0x2] =	stream.indirect_vreg.gather [hbm4b:s7+s4], $0x80, v5, vm0, $0xb8;
	[tilespmem:$0x1C280] =	vst v63  }
0xce: {  	v4 =	vadd.s32 v2, v4  }
0xcf: {  	[tilespmem:s10], [sflag:$0x2] =	stream.indirect_vreg.gather [hbm4b:s8+s4], $0x80, v5, vm0, $0xb8;
	[tilespmem:$0x1C280] =	vst v63  }
0xd0: {  	_ = 	snop  }
0xd1: {  	[tilespmem:s20], [sflag:$0x2] =	stream.indirect_vreg.gather [hbm4b:s9+s4], $0x80, v5, vm0, $0xb8;
	[tilespmem:$0x1C280] =	vst v63  }
0xd2: {  	_ = 	snop  }
0xd3: {  	[tilespmem:s11], [sflag:$0x2] =	stream.indirect_vreg.gather [hbm4b:s1+s4], $0x80, v4, vm0, $0xb8;
	[tilespmem:$0x1C280] =	vst v63  }
0xd4: {  	_ = 	snop  }
0xd5: {  	[tilespmem:s21], [sflag:$0x2] =	stream.indirect_vreg.gather [hbm4b:s7+s4], $0x80, v4, vm0, $0xb8;
	[tilespmem:$0x1C280] =	vst v63  }
0xd6: {  	_ = 	snop  }
0xd7: {  	[tilespmem:s12], [sflag:$0x2] =	stream.indirect_vreg.gather [hbm4b:s8+s4], $0x80, v4, vm0, $0xb8;
	[tilespmem:$0x1C280] =	vst v63  }
0xd8: {  	_ = 	snop  }
0xd9: {  	[tilespmem:s22], [sflag:$0x2] =	stream.indirect_vreg.gather [hbm4b:s9+s4], $0x80, v4, vm0, $0xb8;
	[tilespmem:$0x1C280] =	vst v63  }
0xda: {  	v4 =	vld [tilespmem:$0x30];
	_ =	sdelay $0x4  }
0xdb: {  	v5 =	vshll.u32 v4, $0x3  }
0xdc: {  	v4 =	vand.u32 $0x7, v4;
	v5 =	vand.u32 $0xFFFFFFC0, v5  }
0xdd: {  	v4 =	vor.u32 v4, v5  }
0xde: {  	v5 =	vperm.xlane v4, v1;
	_ =	sdelay $0x1  }
0xdf: {  	v5 =	vadd.s32 v2, v5;
	_ =	sdelay $0x4  }
0xe0: {  	[tilespmem:s23], [sflag:$0x2] =	stream.indirect_vreg.gather [hbm4b:s1+s4], $0x80, v5, vm0, $0xb8;
	[tilespmem:$0x1C280] =	vst v63  }
0xe1: {  	v4 =	vperm.xlane v4, v3  }
0xe2: {  	[tilespmem:s13], [sflag:$0x2] =	stream.indirect_vreg.gather [hbm4b:s7+s4], $0x80, v5, vm0, $0xb8;
	[tilespmem:$0x1C280] =	vst v63  }
0xe3: {  	v4 =	vadd.s32 v2, v4  }
0xe4: {  	[tilespmem:s24], [sflag:$0x2] =	stream.indirect_vreg.gather [hbm4b:s8+s4], $0x80, v5, vm0, $0xb8;
	[tilespmem:$0x1C280] =	vst v63  }
0xe5: {  	_ = 	snop  }
0xe6: {  	[tilespmem:s14], [sflag:$0x2] =	stream.indirect_vreg.gather [hbm4b:s9+s4], $0x80, v5, vm0, $0xb8;
	[tilespmem:$0x1C280] =	vst v63  }
0xe7: {  	_ = 	snop  }
0xe8: {  	[tilespmem:s25], [sflag:$0x2] =	stream.indirect_vreg.gather [hbm4b:s1+s4], $0x80, v4, vm0, $0xb8;
	[tilespmem:$0x1C280] =	vst v63  }
0xe9: {  	_ = 	snop  }
0xea: {  	[tilespmem:s15], [sflag:$0x2] =	stream.indirect_vreg.gather [hbm4b:s7+s4], $0x80, v4, vm0, $0xb8;
	[tilespmem:$0x1C280] =	vst v63  }
0xeb: {  	_ = 	snop  }
0xec: {  	[tilespmem:s26], [sflag:$0x2] =	stream.indirect_vreg.gather [hbm4b:s8+s4], $0x80, v4, vm0, $0xb8;
	[tilespmem:$0x1C280] =	vst v63  }
0xed: {  	_ = 	snop  }
0xee: {  	[tilespmem:s28], [sflag:$0x2] =	stream.indirect_vreg.gather [hbm4b:s9+s4], $0x80, v4, vm0, $0xb8;
	[tilespmem:$0x1C280] =	vst v63  }
0xef: {  	_ =	swait.ge [sflag:s29], $0x8000  }
0xf0: {  	[sflag:s29] =	ssyncset.done $0x0  }
0xf1: {  	s3 =	simm.s32 $0x18380;
	s17 =	simm.s32 $0x0;
	[sflag:s29] =	ssyncadd.s32 $0xFFFF8000  }
.LBB2_2:
0xf2: {  	v5 =	vld [tilespmem:$0x80];
	_ =	sdelay $0x3  }
0xf3: {  	v6 =	vmov s17  }
0xf4: {  	v4 =	vshll.u32 v6, $0xA;
	v7 =	vshll.u32 v5, $0x3  }
0xf5: {  	v4 =	vand.u32 $0x6000, v4;
	v7 =	vand.u32 $0xFFFFFC00, v7  }
0xf6: {  	v8 =	vand.u32 $0x7F, v5;
	v5 =	vshll.u32 v6, $0x7;
	v7 =	vadd.s32 v4, v7  }
0xf7: {  	v5 =	vand.u32 $0x380, v5;
	v32 =	vor.u32 v8, v7  }
0xf8: {  	v6 =	vor.u32 v5, v32;
	_ =	sdelay $0x4  }
0xf9: {  	v6 =	vld.idx.msk [tilespmem:v6+s19+$0x0], $0xffff;
	_ =	sdelay $0x4  }
0xfa: {  	[tilespmem:s3+$0xFFFFFF00] =	vst v6  }
0xfb: {  	v6 =	vld [tilespmem:$0x90];
	_ =	sdelay $0x4  }
0xfc: {  	v33 =	vshll.u32 v6, $0x3  }
0xfd: {  	v7 =	vand.u32 $0xFFFFFC00, v33  }
0xfe: {  	v6 =	vand.u32 $0x7F, v6;
	v7 =	vadd.s32 v4, v7  }
0xff: {  	v6 =	vor.u32 v6, v7  }
0x100: {  	v6 =	vor.u32 v5, v6;
	_ =	sdelay $0x4  }
0x101: {  	v6 =	vld.idx.msk [tilespmem:v6+s19+$0x0], $0xffff;
	_ =	sdelay $0x4  }
0x102: {  	[tilespmem:s3+$0xFFFFFF10] =	vst v6  }
0x103: {  	v6 =	vld [tilespmem:$0xA0];
	_ =	sdelay $0x4  }
0x104: {  	v34 =	vshll.u32 v6, $0x3  }
0x105: {  	v7 =	vand.u32 $0xFFFFFC00, v34  }
0x106: {  	v6 =	vand.u32 $0x7F, v6;
	v7 =	vadd.s32 v4, v7  }
0x107: {  	v6 =	vor.u32 v6, v7  }
0x108: {  	v6 =	vor.u32 v5, v6;
	_ =	sdelay $0x4  }
0x109: {  	v6 =	vld.idx.msk [tilespmem:v6+s19+$0x0], $0xffff;
	_ =	sdelay $0x4  }
0x10a: {  	[tilespmem:s3+$0xFFFFFF20] =	vst v6  }
0x10b: {  	v6 =	vld [tilespmem:$0xB0];
	_ =	sdelay $0x4  }
0x10c: {  	v35 =	vshll.u32 v6, $0x3  }
0x10d: {  	v7 =	vand.u32 $0xFFFFFC00, v35  }
0x10e: {  	v6 =	vand.u32 $0x7F, v6;
	v7 =	vadd.s32 v4, v7  }
0x10f: {  	v6 =	vor.u32 v6, v7  }
0x110: {  	v6 =	vor.u32 v5, v6;
	_ =	sdelay $0x4  }
0x111: {  	v6 =	vld.idx.msk [tilespmem:v6+s19+$0x0], $0xffff;
	_ =	sdelay $0x4  }
0x112: {  	[tilespmem:s3+$0xFFFFFF30] =	vst v6  }
0x113: {  	v6 =	vld [tilespmem:$0xC0];
	_ =	sdelay $0x4  }
0x114: {  	v36 =	vshll.u32 v6, $0x3  }
0x115: {  	v7 =	vand.u32 $0xFFFFFC00, v36  }
0x116: {  	v6 =	vand.u32 $0x7F, v6;
	v7 =	vadd.s32 v4, v7  }
0x117: {  	v6 =	vor.u32 v6, v7  }
0x118: {  	v6 =	vor.u32 v5, v6;
	_ =	sdelay $0x4  }
0x119: {  	v6 =	vld.idx.msk [tilespmem:v6+s19+$0x0], $0xffff;
	_ =	sdelay $0x4  }
0x11a: {  	[tilespmem:s3+$0xFFFFFF40] =	vst v6  }
0x11b: {  	v6 =	vld [tilespmem:$0xD0];
	_ =	sdelay $0x4  }
0x11c: {  	v37 =	vshll.u32 v6, $0x3  }
0x11d: {  	v7 =	vand.u32 $0xFFFFFC00, v37  }
0x11e: {  	v6 =	vand.u32 $0x7F, v6;
	v7 =	vadd.s32 v4, v7  }
0x11f: {  	v6 =	vor.u32 v6, v7  }
0x120: {  	v6 =	vor.u32 v5, v6;
	_ =	sdelay $0x4  }
0x121: {  	v6 =	vld.idx.msk [tilespmem:v6+s19+$0x0], $0xffff;
	_ =	sdelay $0x4  }
0x122: {  	[tilespmem:s3+$0xFFFFFF50] =	vst v6  }
0x123: {  	v6 =	vld [tilespmem:$0xE0];
	_ =	sdelay $0x4  }
0x124: {  	v38 =	vshll.u32 v6, $0x3  }
0x125: {  	v7 =	vand.u32 $0xFFFFFC00, v38  }
0x126: {  	v6 =	vand.u32 $0x7F, v6;
	v7 =	vadd.s32 v4, v7  }
0x127: {  	v6 =	vor.u32 v6, v7  }
0x128: {  	v6 =	vor.u32 v5, v6;
	_ =	sdelay $0x4  }
0x129: {  	v6 =	vld.idx.msk [tilespmem:v6+s19+$0x0], $0xffff;
	_ =	sdelay $0x4  }
0x12a: {  	[tilespmem:s3+$0xFFFFFF60] =	vst v6  }
0x12b: {  	v6 =	vld [tilespmem:$0xF0];
	_ =	sdelay $0x4  }
0x12c: {  	v39 =	vshll.u32 v6, $0x3  }
0x12d: {  	v7 =	vand.u32 $0xFFFFFC00, v39  }
0x12e: {  	v6 =	vand.u32 $0x7F, v6;
	v7 =	vadd.s32 v4, v7  }
0x12f: {  	v6 =	vor.u32 v6, v7  }
0x130: {  	v6 =	vor.u32 v5, v6;
	_ =	sdelay $0x4  }
0x131: {  	v6 =	vld.idx.msk [tilespmem:v6+s19+$0x0], $0xffff;
	_ =	sdelay $0x4  }
0x132: {  	[tilespmem:s3+$0xFFFFFF70] =	vst v6  }
0x133: {  	v6 =	vld [tilespmem:$0x100];
	_ =	sdelay $0x4  }
0x134: {  	v40 =	vshll.u32 v6, $0x3  }
0x135: {  	v7 =	vand.u32 $0xFFFFFC00, v40  }
0x136: {  	v6 =	vand.u32 $0x7F, v6;
	v7 =	vadd.s32 v4, v7  }
0x137: {  	v6 =	vor.u32 v6, v7  }
0x138: {  	v6 =	vor.u32 v5, v6;
	_ =	sdelay $0x4  }
0x139: {  	v6 =	vld.idx.msk [tilespmem:v6+s19+$0x0], $0xffff;
	_ =	sdelay $0x4  }
0x13a: {  	[tilespmem:s3+$0xFFFFFF80] =	vst v6  }
0x13b: {  	v6 =	vld [tilespmem:$0x110];
	_ =	sdelay $0x4  }
0x13c: {  	v41 =	vshll.u32 v6, $0x3  }
0x13d: {  	v7 =	vand.u32 $0xFFFFFC00, v41  }
0x13e: {  	v6 =	vand.u32 $0x7F, v6;
	v7 =	vadd.s32 v4, v7  }
0x13f: {  	v6 =	vor.u32 v6, v7  }
0x140: {  	v6 =	vor.u32 v5, v6;
	_ =	sdelay $0x4  }
0x141: {  	v6 =	vld.idx.msk [tilespmem:v6+s19+$0x0], $0xffff;
	_ =	sdelay $0x4  }
0x142: {  	[tilespmem:s3+$0xFFFFFF90] =	vst v6  }
0x143: {  	v6 =	vld [tilespmem:$0x120];
	_ =	sdelay $0x4  }
0x144: {  	v42 =	vshll.u32 v6, $0x3  }
0x145: {  	v7 =	vand.u32 $0xFFFFFC00, v42  }
0x146: {  	v6 =	vand.u32 $0x7F, v6;
	v7 =	vadd.s32 v4, v7  }
0x147: {  	v6 =	vor.u32 v6, v7  }
0x148: {  	v6 =	vor.u32 v5, v6;
	_ =	sdelay $0x4  }
0x149: {  	v6 =	vld.idx.msk [tilespmem:v6+s19+$0x0], $0xffff;
	_ =	sdelay $0x4  }
0x14a: {  	[tilespmem:s3+$0xFFFFFFA0] =	vst v6  }
0x14b: {  	v6 =	vld [tilespmem:$0x130];
	_ =	sdelay $0x4  }
0x14c: {  	v43 =	vshll.u32 v6, $0x3  }
0x14d: {  	v7 =	vand.u32 $0xFFFFFC00, v43  }
0x14e: {  	v6 =	vand.u32 $0x7F, v6;
	v7 =	vadd.s32 v4, v7  }
0x14f: {  	v6 =	vor.u32 v6, v7  }
0x150: {  	v6 =	vor.u32 v5, v6;
	_ =	sdelay $0x4  }
0x151: {  	v6 =	vld.idx.msk [tilespmem:v6+s19+$0x0], $0xffff;
	_ =	sdelay $0x4  }
0x152: {  	[tilespmem:s3+$0xFFFFFFB0] =	vst v6  }
0x153: {  	v6 =	vld [tilespmem:$0x140];
	_ =	sdelay $0x4  }
0x154: {  	v44 =	vshll.u32 v6, $0x3  }
0x155: {  	v7 =	vand.u32 $0xFFFFFC00, v44  }
0x156: {  	v6 =	vand.u32 $0x7F, v6;
	v7 =	vadd.s32 v4, v7  }
0x157: {  	v6 =	vor.u32 v6, v7  }
0x158: {  	v6 =	vor.u32 v5, v6;
	_ =	sdelay $0x4  }
0x159: {  	v6 =	vld.idx.msk [tilespmem:v6+s19+$0x0], $0xffff;
	_ =	sdelay $0x4  }
0x15a: {  	[tilespmem:s3+$0xFFFFFFC0] =	vst v6  }
0x15b: {  	v6 =	vld [tilespmem:$0x150];
	_ =	sdelay $0x4  }
0x15c: {  	v45 =	vshll.u32 v6, $0x3  }
0x15d: {  	v7 =	vand.u32 $0xFFFFFC00, v45  }
0x15e: {  	v6 =	vand.u32 $0x7F, v6;
	v7 =	vadd.s32 v4, v7  }
0x15f: {  	v6 =	vor.u32 v6, v7  }
0x160: {  	v6 =	vor.u32 v5, v6;
	_ =	sdelay $0x4  }
0x161: {  	v6 =	vld.idx.msk [tilespmem:v6+s19+$0x0], $0xffff;
	_ =	sdelay $0x4  }
0x162: {  	[tilespmem:s3+$0xFFFFFFD0] =	vst v6  }
0x163: {  	v6 =	vld [tilespmem:$0x160];
	_ =	sdelay $0x4  }
0x164: {  	v46 =	vshll.u32 v6, $0x3  }
0x165: {  	v7 =	vand.u32 $0xFFFFFC00, v46  }
0x166: {  	v6 =	vand.u32 $0x7F, v6;
	v7 =	vadd.s32 v4, v7  }
0x167: {  	v6 =	vor.u32 v6, v7  }
0x168: {  	v6 =	vor.u32 v5, v6;
	_ =	sdelay $0x4  }
0x169: {  	v6 =	vld.idx.msk [tilespmem:v6+s19+$0x0], $0xffff;
	_ =	sdelay $0x4  }
0x16a: {  	[tilespmem:s3+$0xFFFFFFE0] =	vst v6  }
0x16b: {  	v6 =	vld [tilespmem:$0x170];
	_ =	sdelay $0x4  }
0x16c: {  	v47 =	vshll.u32 v6, $0x3  }
0x16d: {  	v7 =	vand.u32 $0xFFFFFC00, v47  }
0x16e: {  	v6 =	vand.u32 $0x7F, v6;
	v7 =	vadd.s32 v4, v7  }
0x16f: {  	v6 =	vor.u32 v6, v7  }
0x170: {  	v6 =	vor.u32 v5, v6;
	_ =	sdelay $0x4  }
0x171: {  	v6 =	vld.idx.msk [tilespmem:v6+s19+$0x0], $0xffff;
	_ =	sdelay $0x4  }
0x172: {  	[tilespmem:s3+$0xFFFFFFF0] =	vst v6  }
0x173: {  	v6 =	vld [tilespmem:$0x180];
	_ =	sdelay $0x4  }
0x174: {  	v48 =	vshll.u32 v6, $0x3  }
0x175: {  	v7 =	vand.u32 $0xFFFFFC00, v48  }
0x176: {  	v6 =	vand.u32 $0x7F, v6;
	v7 =	vadd.s32 v4, v7  }
0x177: {  	v6 =	vor.u32 v6, v7  }
0x178: {  	v6 =	vor.u32 v5, v6;
	_ =	sdelay $0x4  }
0x179: {  	v6 =	vld.idx.msk [tilespmem:v6+s19+$0x0], $0xffff;
	_ =	sdelay $0x4  }
0x17a: {  	[tilespmem:s3+$0x0] =	vst v6  }
0x17b: {  	v6 =	vld [tilespmem:$0x190];
	_ =	sdelay $0x4  }
0x17c: {  	v49 =	vshll.u32 v6, $0x3  }
0x17d: {  	v7 =	vand.u32 $0xFFFFFC00, v49  }
0x17e: {  	v6 =	vand.u32 $0x7F, v6;
	v7 =	vadd.s32 v4, v7  }
0x17f: {  	v6 =	vor.u32 v6, v7  }
0x180: {  	v6 =	vor.u32 v5, v6;
	_ =	sdelay $0x4  }
0x181: {  	v6 =	vld.idx.msk [tilespmem:v6+s19+$0x0], $0xffff;
	_ =	sdelay $0x4  }
0x182: {  	[tilespmem:s3+$0x10] =	vst v6  }
0x183: {  	v6 =	vld [tilespmem:$0x1A0];
	_ =	sdelay $0x4  }
0x184: {  	v50 =	vshll.u32 v6, $0x3  }
0x185: {  	v7 =	vand.u32 $0xFFFFFC00, v50  }
0x186: {  	v6 =	vand.u32 $0x7F, v6;
	v7 =	vadd.s32 v4, v7  }
0x187: {  	v6 =	vor.u32 v6, v7  }
0x188: {  	v6 =	vor.u32 v5, v6;
	_ =	sdelay $0x4  }
0x189: {  	v6 =	vld.idx.msk [tilespmem:v6+s19+$0x0], $0xffff;
	_ =	sdelay $0x4  }
0x18a: {  	[tilespmem:s3+$0x20] =	vst v6  }
0x18b: {  	v6 =	vld [tilespmem:$0x1B0];
	_ =	sdelay $0x4  }
0x18c: {  	v51 =	vshll.u32 v6, $0x3  }
0x18d: {  	v7 =	vand.u32 $0xFFFFFC00, v51  }
0x18e: {  	v6 =	vand.u32 $0x7F, v6;
	v7 =	vadd.s32 v4, v7  }
0x18f: {  	v6 =	vor.u32 v6, v7  }
0x190: {  	v6 =	vor.u32 v5, v6;
	_ =	sdelay $0x4  }
0x191: {  	v6 =	vld.idx.msk [tilespmem:v6+s19+$0x0], $0xffff;
	_ =	sdelay $0x4  }
0x192: {  	[tilespmem:s3+$0x30] =	vst v6  }
0x193: {  	v6 =	vld [tilespmem:$0x1C0];
	_ =	sdelay $0x4  }
0x194: {  	v52 =	vshll.u32 v6, $0x3  }
0x195: {  	v7 =	vand.u32 $0xFFFFFC00, v52  }
0x196: {  	v6 =	vand.u32 $0x7F, v6;
	v7 =	vadd.s32 v4, v7  }
0x197: {  	v6 =	vor.u32 v6, v7  }
0x198: {  	v6 =	vor.u32 v5, v6;
	_ =	sdelay $0x4  }
0x199: {  	v6 =	vld.idx.msk [tilespmem:v6+s19+$0x0], $0xffff;
	_ =	sdelay $0x4  }
0x19a: {  	[tilespmem:s3+$0x40] =	vst v6  }
0x19b: {  	v6 =	vld [tilespmem:$0x1D0];
	_ =	sdelay $0x4  }
0x19c: {  	v53 =	vshll.u32 v6, $0x3  }
0x19d: {  	v7 =	vand.u32 $0xFFFFFC00, v53  }
0x19e: {  	v6 =	vand.u32 $0x7F, v6;
	v7 =	vadd.s32 v4, v7  }
0x19f: {  	v6 =	vor.u32 v6, v7  }
0x1a0: {  	v6 =	vor.u32 v5, v6;
	_ =	sdelay $0x4  }
0x1a1: {  	v6 =	vld.idx.msk [tilespmem:v6+s19+$0x0], $0xffff;
	_ =	sdelay $0x4  }
0x1a2: {  	[tilespmem:s3+$0x50] =	vst v6  }
0x1a3: {  	v6 =	vld [tilespmem:$0x1E0];
	_ =	sdelay $0x4  }
0x1a4: {  	v54 =	vshll.u32 v6, $0x3  }
0x1a5: {  	v7 =	vand.u32 $0xFFFFFC00, v54  }
0x1a6: {  	v6 =	vand.u32 $0x7F, v6;
	v7 =	vadd.s32 v4, v7  }
0x1a7: {  	v6 =	vor.u32 v6, v7  }
0x1a8: {  	v6 =	vor.u32 v5, v6;
	_ =	sdelay $0x4  }
0x1a9: {  	v6 =	vld.idx.msk [tilespmem:v6+s19+$0x0], $0xffff;
	_ =	sdelay $0x4  }
0x1aa: {  	[tilespmem:s3+$0x60] =	vst v6  }
0x1ab: {  	v6 =	vld [tilespmem:$0x1F0];
	_ =	sdelay $0x4  }
0x1ac: {  	v55 =	vshll.u32 v6, $0x3  }
0x1ad: {  	v7 =	vand.u32 $0xFFFFFC00, v55  }
0x1ae: {  	v6 =	vand.u32 $0x7F, v6;
	v7 =	vadd.s32 v4, v7  }
0x1af: {  	v6 =	vor.u32 v6, v7  }
0x1b0: {  	v6 =	vor.u32 v5, v6;
	_ =	sdelay $0x4  }
0x1b1: {  	v6 =	vld.idx.msk [tilespmem:v6+s19+$0x0], $0xffff;
	_ =	sdelay $0x4  }
0x1b2: {  	[tilespmem:s3+$0x70] =	vst v6  }
0x1b3: {  	v6 =	vld [tilespmem:$0x200];
	_ =	sdelay $0x4  }
0x1b4: {  	v56 =	vshll.u32 v6, $0x3  }
0x1b5: {  	v7 =	vand.u32 $0xFFFFFC00, v56  }
0x1b6: {  	v6 =	vand.u32 $0x7F, v6;
	v7 =	vadd.s32 v4, v7  }
0x1b7: {  	v6 =	vor.u32 v6, v7  }
0x1b8: {  	v6 =	vor.u32 v5, v6;
	_ =	sdelay $0x4  }
0x1b9: {  	v6 =	vld.idx.msk [tilespmem:v6+s19+$0x0], $0xffff;
	_ =	sdelay $0x4  }
0x1ba: {  	[tilespmem:s3+$0x80] =	vst v6  }
0x1bb: {  	v6 =	vld [tilespmem:$0x210];
	_ =	sdelay $0x4  }
0x1bc: {  	v57 =	vshll.u32 v6, $0x3  }
0x1bd: {  	v7 =	vand.u32 $0xFFFFFC00, v57  }
0x1be: {  	v6 =	vand.u32 $0x7F, v6;
	v7 =	vadd.s32 v4, v7  }
0x1bf: {  	v6 =	vor.u32 v6, v7  }
0x1c0: {  	v6 =	vor.u32 v5, v6;
	_ =	sdelay $0x4  }
0x1c1: {  	v6 =	vld.idx.msk [tilespmem:v6+s19+$0x0], $0xffff;
	_ =	sdelay $0x4  }
0x1c2: {  	[tilespmem:s3+$0x90] =	vst v6  }
0x1c3: {  	v6 =	vld [tilespmem:$0x220];
	_ =	sdelay $0x4  }
0x1c4: {  	v58 =	vshll.u32 v6, $0x3  }
0x1c5: {  	v7 =	vand.u32 $0xFFFFFC00, v58  }
0x1c6: {  	v6 =	vand.u32 $0x7F, v6;
	v7 =	vadd.s32 v4, v7  }
0x1c7: {  	v6 =	vor.u32 v6, v7  }
0x1c8: {  	v6 =	vor.u32 v5, v6;
	_ =	sdelay $0x4  }
0x1c9: {  	v6 =	vld.idx.msk [tilespmem:v6+s19+$0x0], $0xffff;
	_ =	sdelay $0x4  }
0x1ca: {  	[tilespmem:s3+$0xA0] =	vst v6  }
0x1cb: {  	v6 =	vld [tilespmem:$0x230];
	_ =	sdelay $0x4  }
0x1cc: {  	v59 =	vshll.u32 v6, $0x3  }
0x1cd: {  	v7 =	vand.u32 $0xFFFFFC00, v59  }
0x1ce: {  	v6 =	vand.u32 $0x7F, v6;
	v7 =	vadd.s32 v4, v7  }
0x1cf: {  	v6 =	vor.u32 v6, v7  }
0x1d0: {  	v6 =	vor.u32 v5, v6;
	_ =	sdelay $0x4  }
0x1d1: {  	v6 =	vld.idx.msk [tilespmem:v6+s19+$0x0], $0xffff;
	_ =	sdelay $0x4  }
0x1d2: {  	[tilespmem:s3+$0xB0] =	vst v6  }
0x1d3: {  	v6 =	vld [tilespmem:$0x240];
	_ =	sdelay $0x4  }
0x1d4: {  	v60 =	vshll.u32 v6, $0x3  }
0x1d5: {  	v7 =	vand.u32 $0xFFFFFC00, v60  }
0x1d6: {  	v6 =	vand.u32 $0x7F, v6;
	v7 =	vadd.s32 v4, v7  }
0x1d7: {  	v6 =	vor.u32 v6, v7  }
0x1d8: {  	v6 =	vor.u32 v5, v6;
	_ =	sdelay $0x4  }
0x1d9: {  	v6 =	vld.idx.msk [tilespmem:v6+s19+$0x0], $0xffff;
	_ =	sdelay $0x4  }
0x1da: {  	[tilespmem:s3+$0xC0] =	vst v6  }
0x1db: {  	v6 =	vld [tilespmem:$0x250];
	_ =	sdelay $0x4  }
0x1dc: {  	v61 =	vshll.u32 v6, $0x3  }
0x1dd: {  	v7 =	vand.u32 $0xFFFFFC00, v61  }
0x1de: {  	v6 =	vand.u32 $0x7F, v6;
	v7 =	vadd.s32 v4, v7  }
0x1df: {  	v6 =	vor.u32 v6, v7  }
0x1e0: {  	v6 =	vor.u32 v5, v6;
	_ =	sdelay $0x4  }
0x1e1: {  	v6 =	vld.idx.msk [tilespmem:v6+s19+$0x0], $0xffff;
	_ =	sdelay $0x4  }
0x1e2: {  	[tilespmem:s3+$0xD0] =	vst v6  }
0x1e3: {  	v6 =	vld [tilespmem:$0x260];
	_ =	sdelay $0x4  }
0x1e4: {  	v62 =	vshll.u32 v6, $0x3  }
0x1e5: {  	v7 =	vand.u32 $0xFFFFFC00, v62  }
0x1e6: {  	v6 =	vand.u32 $0x7F, v6;
	v7 =	vadd.s32 v4, v7  }
0x1e7: {  	v6 =	vor.u32 v6, v7  }
0x1e8: {  	v6 =	vor.u32 v5, v6;
	_ =	sdelay $0x4  }
0x1e9: {  	v6 =	vld.idx.msk [tilespmem:v6+s19+$0x0], $0xffff;
	_ =	sdelay $0x4  }
0x1ea: {  	[tilespmem:s3+$0xE0] =	vst v6  }
0x1eb: {  	v6 =	vld [tilespmem:$0x270];
	_ =	sdelay $0x4  }
0x1ec: {  	v63 =	vshll.u32 v6, $0x3  }
0x1ed: {  	v7 =	vand.u32 $0xFFFFFC00, v63  }
0x1ee: {  	v6 =	vand.u32 $0x7F, v6;
	v4 =	vadd.s32 v4, v7  }
0x1ef: {  	v4 =	vor.u32 v6, v4  }
0x1f0: {  	v4 =	vor.u32 v5, v4;
	_ =	sdelay $0x4  }
0x1f1: {  	p0 =	sne.s32 s17, $0x1F;
	v4 =	vld.idx.msk [tilespmem:v4+s19+$0x0], $0xffff  }
.Ltmp0:
0x1f2: {  	_ = 	snop;
	(pc) =	sbr.rel @p0 .LBB2_2-.Ltmp0, $2  }
0x1f3: {  	_ =	sdelay $0x2  }
0x1f4: {  	s17 =	sadd.s32 $0x1, s17;
	[tilespmem:s3+$0xF0] =	vst v4;
	s3 =	sadd.s32 $0x200, s3  }
0x1f5: {  	s3 =	simm.s32 $0x0;
	s17 =	rddreg [dreg:$0x7]  }
0x1f6: {  	[hbm4b:s17+s3] =	stream.linear.scatter [tilespmem:s30], [sflag:$0x3], $0x4000, $0x38;
	[tilespmem:$0x1C280] =	vst v63  }
0x1f7: {  	_ =	swait.ge [sflag:s16], $0x4000  }
0x1f8: {  	[sflag:s16] =	ssyncset.done $0x0  }
0x1f9: {  	[sflag:s16] =	ssyncadd.s32 $0xFFFFC000  }
0x1fa: {  	v4 =	vld [tilespmem:$0x40];
	_ =	sdelay $0x4  }
0x1fb: {  	v5 =	vshll.u32 v4, $0x3  }
0x1fc: {  	v4 =	vand.u32 $0x7, v4;
	v5 =	vand.u32 $0xFFFFFFC0, v5  }
0x1fd: {  	v4 =	vor.u32 v4, v5  }
0x1fe: {  	v5 =	vperm.xlane v4, v1;
	_ =	sdelay $0x1  }
0x1ff: {  	v5 =	vadd.s32 v2, v5;
	_ =	sdelay $0x4  }
0x200: {  	[tilespmem:s19], [sflag:$0x2] =	stream.indirect_vreg.gather [hbm4b:s1+s3], $0x80, v5, vm0, $0xb8;
	[tilespmem:$0x1C280] =	vst v63  }
0x201: {  	s18 =	simm.s32 $0x8A80;
	v4 =	vperm.xlane v4, v3  }
0x202: {  	[tilespmem:s18], [sflag:$0x2] =	stream.indirect_vreg.gather [hbm4b:s7+s3], $0x80, v5, vm0, $0xb8;
	[tilespmem:$0x1C280] =	vst v63  }
0x203: {  	v4 =	vadd.s32 v2, v4;
	s18 =	simm.s32 $0x9280  }
0x204: {  	[tilespmem:s18], [sflag:$0x2] =	stream.indirect_vreg.gather [hbm4b:s8+s3], $0x80, v5, vm0, $0xb8;
	[tilespmem:$0x1C280] =	vst v63  }
0x205: {  	s18 =	simm.s32 $0x9A80  }
0x206: {  	[tilespmem:s18], [sflag:$0x2] =	stream.indirect_vreg.gather [hbm4b:s9+s3], $0x80, v5, vm0, $0xb8;
	[tilespmem:$0x1C280] =	vst v63  }
0x207: {  	s18 =	simm.s32 $0xA280  }
0x208: {  	[tilespmem:s18], [sflag:$0x2] =	stream.indirect_vreg.gather [hbm4b:s1+s3], $0x80, v4, vm0, $0xb8;
	[tilespmem:$0x1C280] =	vst v63  }
0x209: {  	s18 =	simm.s32 $0xAA80  }
0x20a: {  	[tilespmem:s18], [sflag:$0x2] =	stream.indirect_vreg.gather [hbm4b:s7+s3], $0x80, v4, vm0, $0xb8;
	[tilespmem:$0x1C280] =	vst v63  }
0x20b: {  	s18 =	simm.s32 $0xB280  }
0x20c: {  	[tilespmem:s18], [sflag:$0x2] =	stream.indirect_vreg.gather [hbm4b:s8+s3], $0x80, v4, vm0, $0xb8;
	[tilespmem:$0x1C280] =	vst v63  }
0x20d: {  	s18 =	simm.s32 $0xBA80  }
0x20e: {  	[tilespmem:s18], [sflag:$0x2] =	stream.indirect_vreg.gather [hbm4b:s9+s3], $0x80, v4, vm0, $0xb8;
	[tilespmem:$0x1C280] =	vst v63  }
0x20f: {  	v4 =	vld [tilespmem:$0x50];
	_ =	sdelay $0x4  }
0x210: {  	v5 =	vshll.u32 v4, $0x3  }
0x211: {  	v4 =	vand.u32 $0x7, v4;
	v5 =	vand.u32 $0xFFFFFFC0, v5  }
0x212: {  	v4 =	vor.u32 v4, v5  }
0x213: {  	v5 =	vperm.xlane v4, v1;
	_ =	sdelay $0x1  }
0x214: {  	v5 =	vadd.s32 v2, v5;
	_ =	sdelay $0x3  }
0x215: {  	s18 =	simm.s32 $0xC280  }
0x216: {  	[tilespmem:s18], [sflag:$0x2] =	stream.indirect_vreg.gather [hbm4b:s1+s3], $0x80, v5, vm0, $0xb8;
	[tilespmem:$0x1C280] =	vst v63  }
0x217: {  	v4 =	vperm.xlane v4, v3;
	s18 =	simm.s32 $0xCA80  }
0x218: {  	[tilespmem:s18], [sflag:$0x2] =	stream.indirect_vreg.gather [hbm4b:s7+s3], $0x80, v5, vm0, $0xb8;
	[tilespmem:$0x1C280] =	vst v63  }
0x219: {  	v4 =	vadd.s32 v2, v4;
	s18 =	simm.s32 $0xD280  }
0x21a: {  	[tilespmem:s18], [sflag:$0x2] =	stream.indirect_vreg.gather [hbm4b:s8+s3], $0x80, v5, vm0, $0xb8;
	[tilespmem:$0x1C280] =	vst v63  }
0x21b: {  	s18 =	simm.s32 $0xDA80  }
0x21c: {  	[tilespmem:s18], [sflag:$0x2] =	stream.indirect_vreg.gather [hbm4b:s9+s3], $0x80, v5, vm0, $0xb8;
	[tilespmem:$0x1C280] =	vst v63  }
0x21d: {  	s18 =	simm.s32 $0xE280  }
0x21e: {  	[tilespmem:s18], [sflag:$0x2] =	stream.indirect_vreg.gather [hbm4b:s1+s3], $0x80, v4, vm0, $0xb8;
	[tilespmem:$0x1C280] =	vst v63  }
0x21f: {  	s18 =	simm.s32 $0xEA80  }
0x220: {  	[tilespmem:s18], [sflag:$0x2] =	stream.indirect_vreg.gather [hbm4b:s7+s3], $0x80, v4, vm0, $0xb8;
	[tilespmem:$0x1C280] =	vst v63  }
0x221: {  	s18 =	simm.s32 $0xF280  }
0x222: {  	[tilespmem:s18], [sflag:$0x2] =	stream.indirect_vreg.gather [hbm4b:s8+s3], $0x80, v4, vm0, $0xb8;
	[tilespmem:$0x1C280] =	vst v63  }
0x223: {  	s18 =	simm.s32 $0xFA80  }
0x224: {  	[tilespmem:s18], [sflag:$0x2] =	stream.indirect_vreg.gather [hbm4b:s9+s3], $0x80, v4, vm0, $0xb8;
	[tilespmem:$0x1C280] =	vst v63  }
0x225: {  	_ =	swait.ge [sflag:s29], $0x8000  }
0x226: {  	[sflag:s29] =	ssyncset.done $0x0  }
0x227: {  	s17 =	simm.s32 $0x18380;
	[sflag:s29] =	ssyncadd.s32 $0xFFFF8000  }
.LBB2_4:
0x228: {  	v5 =	vld [tilespmem:$0x80];
	_ =	sdelay $0x3  }
0x229: {  	v6 =	vmov s3  }
0x22a: {  	v4 =	vshll.u32 v6, $0xA;
	v7 =	vshll.u32 v5, $0x3  }
0x22b: {  	v4 =	vand.u32 $0x6000, v4;
	v7 =	vand.u32 $0xFFFFFC00, v7  }
0x22c: {  	v8 =	vand.u32 $0x7F, v5;
	v5 =	vshll.u32 v6, $0x7;
	v7 =	vadd.s32 v4, v7  }
0x22d: {  	v5 =	vand.u32 $0x380, v5;
	v32 =	vor.u32 v8, v7  }
0x22e: {  	v6 =	vor.u32 v5, v32;
	_ =	sdelay $0x4  }
0x22f: {  	v6 =	vld.idx.msk [tilespmem:v6+s5+$0x0], $0xffff;
	_ =	sdelay $0x4  }
0x230: {  	[tilespmem:s17+$0xFFFFFF00] =	vst v6  }
0x231: {  	v6 =	vld [tilespmem:$0x90];
	_ =	sdelay $0x4  }
0x232: {  	v33 =	vshll.u32 v6, $0x3  }
0x233: {  	v7 =	vand.u32 $0xFFFFFC00, v33  }
0x234: {  	v6 =	vand.u32 $0x7F, v6;
	v7 =	vadd.s32 v4, v7  }
0x235: {  	v6 =	vor.u32 v6, v7  }
0x236: {  	v6 =	vor.u32 v5, v6;
	_ =	sdelay $0x4  }
0x237: {  	v6 =	vld.idx.msk [tilespmem:v6+s5+$0x0], $0xffff;
	_ =	sdelay $0x4  }
0x238: {  	[tilespmem:s17+$0xFFFFFF10] =	vst v6  }
0x239: {  	v6 =	vld [tilespmem:$0xA0];
	_ =	sdelay $0x4  }
0x23a: {  	v34 =	vshll.u32 v6, $0x3  }
0x23b: {  	v7 =	vand.u32 $0xFFFFFC00, v34  }
0x23c: {  	v6 =	vand.u32 $0x7F, v6;
	v7 =	vadd.s32 v4, v7  }
0x23d: {  	v6 =	vor.u32 v6, v7  }
0x23e: {  	v6 =	vor.u32 v5, v6;
	_ =	sdelay $0x4  }
0x23f: {  	v6 =	vld.idx.msk [tilespmem:v6+s5+$0x0], $0xffff;
	_ =	sdelay $0x4  }
0x240: {  	[tilespmem:s17+$0xFFFFFF20] =	vst v6  }
0x241: {  	v6 =	vld [tilespmem:$0xB0];
	_ =	sdelay $0x4  }
0x242: {  	v35 =	vshll.u32 v6, $0x3  }
0x243: {  	v7 =	vand.u32 $0xFFFFFC00, v35  }
0x244: {  	v6 =	vand.u32 $0x7F, v6;
	v7 =	vadd.s32 v4, v7  }
0x245: {  	v6 =	vor.u32 v6, v7  }
0x246: {  	v6 =	vor.u32 v5, v6;
	_ =	sdelay $0x4  }
0x247: {  	v6 =	vld.idx.msk [tilespmem:v6+s5+$0x0], $0xffff;
	_ =	sdelay $0x4  }
0x248: {  	[tilespmem:s17+$0xFFFFFF30] =	vst v6  }
0x249: {  	v6 =	vld [tilespmem:$0xC0];
	_ =	sdelay $0x4  }
0x24a: {  	v36 =	vshll.u32 v6, $0x3  }
0x24b: {  	v7 =	vand.u32 $0xFFFFFC00, v36  }
0x24c: {  	v6 =	vand.u32 $0x7F, v6;
	v7 =	vadd.s32 v4, v7  }
0x24d: {  	v6 =	vor.u32 v6, v7  }
0x24e: {  	v6 =	vor.u32 v5, v6;
	_ =	sdelay $0x4  }
0x24f: {  	v6 =	vld.idx.msk [tilespmem:v6+s5+$0x0], $0xffff;
	_ =	sdelay $0x4  }
0x250: {  	[tilespmem:s17+$0xFFFFFF40] =	vst v6  }
0x251: {  	v6 =	vld [tilespmem:$0xD0];
	_ =	sdelay $0x4  }
0x252: {  	v37 =	vshll.u32 v6, $0x3  }
0x253: {  	v7 =	vand.u32 $0xFFFFFC00, v37  }
0x254: {  	v6 =	vand.u32 $0x7F, v6;
	v7 =	vadd.s32 v4, v7  }
0x255: {  	v6 =	vor.u32 v6, v7  }
0x256: {  	v6 =	vor.u32 v5, v6;
	_ =	sdelay $0x4  }
0x257: {  	v6 =	vld.idx.msk [tilespmem:v6+s5+$0x0], $0xffff;
	_ =	sdelay $0x4  }
0x258: {  	[tilespmem:s17+$0xFFFFFF50] =	vst v6  }
0x259: {  	v6 =	vld [tilespmem:$0xE0];
	_ =	sdelay $0x4  }
0x25a: {  	v38 =	vshll.u32 v6, $0x3  }
0x25b: {  	v7 =	vand.u32 $0xFFFFFC00, v38  }
0x25c: {  	v6 =	vand.u32 $0x7F, v6;
	v7 =	vadd.s32 v4, v7  }
0x25d: {  	v6 =	vor.u32 v6, v7  }
0x25e: {  	v6 =	vor.u32 v5, v6;
	_ =	sdelay $0x4  }
0x25f: {  	v6 =	vld.idx.msk [tilespmem:v6+s5+$0x0], $0xffff;
	_ =	sdelay $0x4  }
0x260: {  	[tilespmem:s17+$0xFFFFFF60] =	vst v6  }
0x261: {  	v6 =	vld [tilespmem:$0xF0];
	_ =	sdelay $0x4  }
0x262: {  	v39 =	vshll.u32 v6, $0x3  }
0x263: {  	v7 =	vand.u32 $0xFFFFFC00, v39  }
0x264: {  	v6 =	vand.u32 $0x7F, v6;
	v7 =	vadd.s32 v4, v7  }
0x265: {  	v6 =	vor.u32 v6, v7  }
0x266: {  	v6 =	vor.u32 v5, v6;
	_ =	sdelay $0x4  }
0x267: {  	v6 =	vld.idx.msk [tilespmem:v6+s5+$0x0], $0xffff;
	_ =	sdelay $0x4  }
0x268: {  	[tilespmem:s17+$0xFFFFFF70] =	vst v6  }
0x269: {  	v6 =	vld [tilespmem:$0x100];
	_ =	sdelay $0x4  }
0x26a: {  	v40 =	vshll.u32 v6, $0x3  }
0x26b: {  	v7 =	vand.u32 $0xFFFFFC00, v40  }
0x26c: {  	v6 =	vand.u32 $0x7F, v6;
	v7 =	vadd.s32 v4, v7  }
0x26d: {  	v6 =	vor.u32 v6, v7  }
0x26e: {  	v6 =	vor.u32 v5, v6;
	_ =	sdelay $0x4  }
0x26f: {  	v6 =	vld.idx.msk [tilespmem:v6+s5+$0x0], $0xffff;
	_ =	sdelay $0x4  }
0x270: {  	[tilespmem:s17+$0xFFFFFF80] =	vst v6  }
0x271: {  	v6 =	vld [tilespmem:$0x110];
	_ =	sdelay $0x4  }
0x272: {  	v41 =	vshll.u32 v6, $0x3  }
0x273: {  	v7 =	vand.u32 $0xFFFFFC00, v41  }
0x274: {  	v6 =	vand.u32 $0x7F, v6;
	v7 =	vadd.s32 v4, v7  }
0x275: {  	v6 =	vor.u32 v6, v7  }
0x276: {  	v6 =	vor.u32 v5, v6;
	_ =	sdelay $0x4  }
0x277: {  	v6 =	vld.idx.msk [tilespmem:v6+s5+$0x0], $0xffff;
	_ =	sdelay $0x4  }
0x278: {  	[tilespmem:s17+$0xFFFFFF90] =	vst v6  }
0x279: {  	v6 =	vld [tilespmem:$0x120];
	_ =	sdelay $0x4  }
0x27a: {  	v42 =	vshll.u32 v6, $0x3  }
0x27b: {  	v7 =	vand.u32 $0xFFFFFC00, v42  }
0x27c: {  	v6 =	vand.u32 $0x7F, v6;
	v7 =	vadd.s32 v4, v7  }
0x27d: {  	v6 =	vor.u32 v6, v7  }
0x27e: {  	v6 =	vor.u32 v5, v6;
	_ =	sdelay $0x4  }
0x27f: {  	v6 =	vld.idx.msk [tilespmem:v6+s5+$0x0], $0xffff;
	_ =	sdelay $0x4  }
0x280: {  	[tilespmem:s17+$0xFFFFFFA0] =	vst v6  }
0x281: {  	v6 =	vld [tilespmem:$0x130];
	_ =	sdelay $0x4  }
0x282: {  	v43 =	vshll.u32 v6, $0x3  }
0x283: {  	v7 =	vand.u32 $0xFFFFFC00, v43  }
0x284: {  	v6 =	vand.u32 $0x7F, v6;
	v7 =	vadd.s32 v4, v7  }
0x285: {  	v6 =	vor.u32 v6, v7  }
0x286: {  	v6 =	vor.u32 v5, v6;
	_ =	sdelay $0x4  }
0x287: {  	v6 =	vld.idx.msk [tilespmem:v6+s5+$0x0], $0xffff;
	_ =	sdelay $0x4  }
0x288: {  	[tilespmem:s17+$0xFFFFFFB0] =	vst v6  }
0x289: {  	v6 =	vld [tilespmem:$0x140];
	_ =	sdelay $0x4  }
0x28a: {  	v44 =	vshll.u32 v6, $0x3  }
0x28b: {  	v7 =	vand.u32 $0xFFFFFC00, v44  }
0x28c: {  	v6 =	vand.u32 $0x7F, v6;
	v7 =	vadd.s32 v4, v7  }
0x28d: {  	v6 =	vor.u32 v6, v7  }
0x28e: {  	v6 =	vor.u32 v5, v6;
	_ =	sdelay $0x4  }
0x28f: {  	v6 =	vld.idx.msk [tilespmem:v6+s5+$0x0], $0xffff;
	_ =	sdelay $0x4  }
0x290: {  	[tilespmem:s17+$0xFFFFFFC0] =	vst v6  }
0x291: {  	v6 =	vld [tilespmem:$0x150];
	_ =	sdelay $0x4  }
0x292: {  	v45 =	vshll.u32 v6, $0x3  }
0x293: {  	v7 =	vand.u32 $0xFFFFFC00, v45  }
0x294: {  	v6 =	vand.u32 $0x7F, v6;
	v7 =	vadd.s32 v4, v7  }
0x295: {  	v6 =	vor.u32 v6, v7  }
0x296: {  	v6 =	vor.u32 v5, v6;
	_ =	sdelay $0x4  }
0x297: {  	v6 =	vld.idx.msk [tilespmem:v6+s5+$0x0], $0xffff;
	_ =	sdelay $0x4  }
0x298: {  	[tilespmem:s17+$0xFFFFFFD0] =	vst v6  }
0x299: {  	v6 =	vld [tilespmem:$0x160];
	_ =	sdelay $0x4  }
0x29a: {  	v46 =	vshll.u32 v6, $0x3  }
0x29b: {  	v7 =	vand.u32 $0xFFFFFC00, v46  }
0x29c: {  	v6 =	vand.u32 $0x7F, v6;
	v7 =	vadd.s32 v4, v7  }
0x29d: {  	v6 =	vor.u32 v6, v7  }
0x29e: {  	v6 =	vor.u32 v5, v6;
	_ =	sdelay $0x4  }
0x29f: {  	v6 =	vld.idx.msk [tilespmem:v6+s5+$0x0], $0xffff;
	_ =	sdelay $0x4  }
0x2a0: {  	[tilespmem:s17+$0xFFFFFFE0] =	vst v6  }
0x2a1: {  	v6 =	vld [tilespmem:$0x170];
	_ =	sdelay $0x4  }
0x2a2: {  	v47 =	vshll.u32 v6, $0x3  }
0x2a3: {  	v7 =	vand.u32 $0xFFFFFC00, v47  }
0x2a4: {  	v6 =	vand.u32 $0x7F, v6;
	v7 =	vadd.s32 v4, v7  }
0x2a5: {  	v6 =	vor.u32 v6, v7  }
0x2a6: {  	v6 =	vor.u32 v5, v6;
	_ =	sdelay $0x4  }
0x2a7: {  	v6 =	vld.idx.msk [tilespmem:v6+s5+$0x0], $0xffff;
	_ =	sdelay $0x4  }
0x2a8: {  	[tilespmem:s17+$0xFFFFFFF0] =	vst v6  }
0x2a9: {  	v6 =	vld [tilespmem:$0x180];
	_ =	sdelay $0x4  }
0x2aa: {  	v48 =	vshll.u32 v6, $0x3  }
0x2ab: {  	v7 =	vand.u32 $0xFFFFFC00, v48  }
0x2ac: {  	v6 =	vand.u32 $0x7F, v6;
	v7 =	vadd.s32 v4, v7  }
0x2ad: {  	v6 =	vor.u32 v6, v7  }
0x2ae: {  	v6 =	vor.u32 v5, v6;
	_ =	sdelay $0x4  }
0x2af: {  	v6 =	vld.idx.msk [tilespmem:v6+s5+$0x0], $0xffff;
	_ =	sdelay $0x4  }
0x2b0: {  	[tilespmem:s17+$0x0] =	vst v6  }
0x2b1: {  	v6 =	vld [tilespmem:$0x190];
	_ =	sdelay $0x4  }
0x2b2: {  	v49 =	vshll.u32 v6, $0x3  }
0x2b3: {  	v7 =	vand.u32 $0xFFFFFC00, v49  }
0x2b4: {  	v6 =	vand.u32 $0x7F, v6;
	v7 =	vadd.s32 v4, v7  }
0x2b5: {  	v6 =	vor.u32 v6, v7  }
0x2b6: {  	v6 =	vor.u32 v5, v6;
	_ =	sdelay $0x4  }
0x2b7: {  	v6 =	vld.idx.msk [tilespmem:v6+s5+$0x0], $0xffff;
	_ =	sdelay $0x4  }
0x2b8: {  	[tilespmem:s17+$0x10] =	vst v6  }
0x2b9: {  	v6 =	vld [tilespmem:$0x1A0];
	_ =	sdelay $0x4  }
0x2ba: {  	v50 =	vshll.u32 v6, $0x3  }
0x2bb: {  	v7 =	vand.u32 $0xFFFFFC00, v50  }
0x2bc: {  	v6 =	vand.u32 $0x7F, v6;
	v7 =	vadd.s32 v4, v7  }
0x2bd: {  	v6 =	vor.u32 v6, v7  }
0x2be: {  	v6 =	vor.u32 v5, v6;
	_ =	sdelay $0x4  }
0x2bf: {  	v6 =	vld.idx.msk [tilespmem:v6+s5+$0x0], $0xffff;
	_ =	sdelay $0x4  }
0x2c0: {  	[tilespmem:s17+$0x20] =	vst v6  }
0x2c1: {  	v6 =	vld [tilespmem:$0x1B0];
	_ =	sdelay $0x4  }
0x2c2: {  	v51 =	vshll.u32 v6, $0x3  }
0x2c3: {  	v7 =	vand.u32 $0xFFFFFC00, v51  }
0x2c4: {  	v6 =	vand.u32 $0x7F, v6;
	v7 =	vadd.s32 v4, v7  }
0x2c5: {  	v6 =	vor.u32 v6, v7  }
0x2c6: {  	v6 =	vor.u32 v5, v6;
	_ =	sdelay $0x4  }
0x2c7: {  	v6 =	vld.idx.msk [tilespmem:v6+s5+$0x0], $0xffff;
	_ =	sdelay $0x4  }
0x2c8: {  	[tilespmem:s17+$0x30] =	vst v6  }
0x2c9: {  	v6 =	vld [tilespmem:$0x1C0];
	_ =	sdelay $0x4  }
0x2ca: {  	v52 =	vshll.u32 v6, $0x3  }
0x2cb: {  	v7 =	vand.u32 $0xFFFFFC00, v52  }
0x2cc: {  	v6 =	vand.u32 $0x7F, v6;
	v7 =	vadd.s32 v4, v7  }
0x2cd: {  	v6 =	vor.u32 v6, v7  }
0x2ce: {  	v6 =	vor.u32 v5, v6;
	_ =	sdelay $0x4  }
0x2cf: {  	v6 =	vld.idx.msk [tilespmem:v6+s5+$0x0], $0xffff;
	_ =	sdelay $0x4  }
0x2d0: {  	[tilespmem:s17+$0x40] =	vst v6  }
0x2d1: {  	v6 =	vld [tilespmem:$0x1D0];
	_ =	sdelay $0x4  }
0x2d2: {  	v53 =	vshll.u32 v6, $0x3  }
0x2d3: {  	v7 =	vand.u32 $0xFFFFFC00, v53  }
0x2d4: {  	v6 =	vand.u32 $0x7F, v6;
	v7 =	vadd.s32 v4, v7  }
0x2d5: {  	v6 =	vor.u32 v6, v7  }
0x2d6: {  	v6 =	vor.u32 v5, v6;
	_ =	sdelay $0x4  }
0x2d7: {  	v6 =	vld.idx.msk [tilespmem:v6+s5+$0x0], $0xffff;
	_ =	sdelay $0x4  }
0x2d8: {  	[tilespmem:s17+$0x50] =	vst v6  }
0x2d9: {  	v6 =	vld [tilespmem:$0x1E0];
	_ =	sdelay $0x4  }
0x2da: {  	v54 =	vshll.u32 v6, $0x3  }
0x2db: {  	v7 =	vand.u32 $0xFFFFFC00, v54  }
0x2dc: {  	v6 =	vand.u32 $0x7F, v6;
	v7 =	vadd.s32 v4, v7  }
0x2dd: {  	v6 =	vor.u32 v6, v7  }
0x2de: {  	v6 =	vor.u32 v5, v6;
	_ =	sdelay $0x4  }
0x2df: {  	v6 =	vld.idx.msk [tilespmem:v6+s5+$0x0], $0xffff;
	_ =	sdelay $0x4  }
0x2e0: {  	[tilespmem:s17+$0x60] =	vst v6  }
0x2e1: {  	v6 =	vld [tilespmem:$0x1F0];
	_ =	sdelay $0x4  }
0x2e2: {  	v55 =	vshll.u32 v6, $0x3  }
0x2e3: {  	v7 =	vand.u32 $0xFFFFFC00, v55  }
0x2e4: {  	v6 =	vand.u32 $0x7F, v6;
	v7 =	vadd.s32 v4, v7  }
0x2e5: {  	v6 =	vor.u32 v6, v7  }
0x2e6: {  	v6 =	vor.u32 v5, v6;
	_ =	sdelay $0x4  }
0x2e7: {  	v6 =	vld.idx.msk [tilespmem:v6+s5+$0x0], $0xffff;
	_ =	sdelay $0x4  }
0x2e8: {  	[tilespmem:s17+$0x70] =	vst v6  }
0x2e9: {  	v6 =	vld [tilespmem:$0x200];
	_ =	sdelay $0x4  }
0x2ea: {  	v56 =	vshll.u32 v6, $0x3  }
0x2eb: {  	v7 =	vand.u32 $0xFFFFFC00, v56  }
0x2ec: {  	v6 =	vand.u32 $0x7F, v6;
	v7 =	vadd.s32 v4, v7  }
0x2ed: {  	v6 =	vor.u32 v6, v7  }
0x2ee: {  	v6 =	vor.u32 v5, v6;
	_ =	sdelay $0x4  }
0x2ef: {  	v6 =	vld.idx.msk [tilespmem:v6+s5+$0x0], $0xffff;
	_ =	sdelay $0x4  }
0x2f0: {  	[tilespmem:s17+$0x80] =	vst v6  }
0x2f1: {  	v6 =	vld [tilespmem:$0x210];
	_ =	sdelay $0x4  }
0x2f2: {  	v57 =	vshll.u32 v6, $0x3  }
0x2f3: {  	v7 =	vand.u32 $0xFFFFFC00, v57  }
0x2f4: {  	v6 =	vand.u32 $0x7F, v6;
	v7 =	vadd.s32 v4, v7  }
0x2f5: {  	v6 =	vor.u32 v6, v7  }
0x2f6: {  	v6 =	vor.u32 v5, v6;
	_ =	sdelay $0x4  }
0x2f7: {  	v6 =	vld.idx.msk [tilespmem:v6+s5+$0x0], $0xffff;
	_ =	sdelay $0x4  }
0x2f8: {  	[tilespmem:s17+$0x90] =	vst v6  }
0x2f9: {  	v6 =	vld [tilespmem:$0x220];
	_ =	sdelay $0x4  }
0x2fa: {  	v58 =	vshll.u32 v6, $0x3  }
0x2fb: {  	v7 =	vand.u32 $0xFFFFFC00, v58  }
0x2fc: {  	v6 =	vand.u32 $0x7F, v6;
	v7 =	vadd.s32 v4, v7  }
0x2fd: {  	v6 =	vor.u32 v6, v7  }
0x2fe: {  	v6 =	vor.u32 v5, v6;
	_ =	sdelay $0x4  }
0x2ff: {  	v6 =	vld.idx.msk [tilespmem:v6+s5+$0x0], $0xffff;
	_ =	sdelay $0x4  }
0x300: {  	[tilespmem:s17+$0xA0] =	vst v6  }
0x301: {  	v6 =	vld [tilespmem:$0x230];
	_ =	sdelay $0x4  }
0x302: {  	v59 =	vshll.u32 v6, $0x3  }
0x303: {  	v7 =	vand.u32 $0xFFFFFC00, v59  }
0x304: {  	v6 =	vand.u32 $0x7F, v6;
	v7 =	vadd.s32 v4, v7  }
0x305: {  	v6 =	vor.u32 v6, v7  }
0x306: {  	v6 =	vor.u32 v5, v6;
	_ =	sdelay $0x4  }
0x307: {  	v6 =	vld.idx.msk [tilespmem:v6+s5+$0x0], $0xffff;
	_ =	sdelay $0x4  }
0x308: {  	[tilespmem:s17+$0xB0] =	vst v6  }
0x309: {  	v6 =	vld [tilespmem:$0x240];
	_ =	sdelay $0x4  }
0x30a: {  	v60 =	vshll.u32 v6, $0x3  }
0x30b: {  	v7 =	vand.u32 $0xFFFFFC00, v60  }
0x30c: {  	v6 =	vand.u32 $0x7F, v6;
	v7 =	vadd.s32 v4, v7  }
0x30d: {  	v6 =	vor.u32 v6, v7  }
0x30e: {  	v6 =	vor.u32 v5, v6;
	_ =	sdelay $0x4  }
0x30f: {  	v6 =	vld.idx.msk [tilespmem:v6+s5+$0x0], $0xffff;
	_ =	sdelay $0x4  }
0x310: {  	[tilespmem:s17+$0xC0] =	vst v6  }
0x311: {  	v6 =	vld [tilespmem:$0x250];
	_ =	sdelay $0x4  }
0x312: {  	v61 =	vshll.u32 v6, $0x3  }
0x313: {  	v7 =	vand.u32 $0xFFFFFC00, v61  }
0x314: {  	v6 =	vand.u32 $0x7F, v6;
	v7 =	vadd.s32 v4, v7  }
0x315: {  	v6 =	vor.u32 v6, v7  }
0x316: {  	v6 =	vor.u32 v5, v6;
	_ =	sdelay $0x4  }
0x317: {  	v6 =	vld.idx.msk [tilespmem:v6+s5+$0x0], $0xffff;
	_ =	sdelay $0x4  }
0x318: {  	[tilespmem:s17+$0xD0] =	vst v6  }
0x319: {  	v6 =	vld [tilespmem:$0x260];
	_ =	sdelay $0x4  }
0x31a: {  	v62 =	vshll.u32 v6, $0x3  }
0x31b: {  	v7 =	vand.u32 $0xFFFFFC00, v62  }
0x31c: {  	v6 =	vand.u32 $0x7F, v6;
	v7 =	vadd.s32 v4, v7  }
0x31d: {  	v6 =	vor.u32 v6, v7  }
0x31e: {  	v6 =	vor.u32 v5, v6;
	_ =	sdelay $0x4  }
0x31f: {  	v6 =	vld.idx.msk [tilespmem:v6+s5+$0x0], $0xffff;
	_ =	sdelay $0x4  }
0x320: {  	[tilespmem:s17+$0xE0] =	vst v6  }
0x321: {  	v6 =	vld [tilespmem:$0x270];
	_ =	sdelay $0x4  }
0x322: {  	v63 =	vshll.u32 v6, $0x3  }
0x323: {  	v7 =	vand.u32 $0xFFFFFC00, v63  }
0x324: {  	v6 =	vand.u32 $0x7F, v6;
	v4 =	vadd.s32 v4, v7  }
0x325: {  	v4 =	vor.u32 v6, v4  }
0x326: {  	v4 =	vor.u32 v5, v4;
	_ =	sdelay $0x4  }
0x327: {  	p0 =	sne.s32 s3, $0x1F;
	v4 =	vld.idx.msk [tilespmem:v4+s5+$0x0], $0xffff  }
.Ltmp1:
0x328: {  	_ = 	snop;
	(pc) =	sbr.rel @p0 .LBB2_4-.Ltmp1, $2  }
0x329: {  	_ =	sdelay $0x2  }
0x32a: {  	s3 =	sadd.s32 $0x1, s3;
	[tilespmem:s17+$0xF0] =	vst v4;
	s17 =	sadd.s32 $0x200, s17  }
0x32b: {  	s3 =	simm.s32 $0x0;
	s17 =	rddreg [dreg:$0x8]  }
0x32c: {  	[hbm4b:s17+s3] =	stream.linear.scatter [tilespmem:s30], [sflag:$0x3], $0x4000, $0x38;
	[tilespmem:$0x1C280] =	vst v63  }
0x32d: {  	_ =	swait.ge [sflag:s16], $0x4000  }
0x32e: {  	[sflag:s16] =	ssyncset.done $0x0  }
0x32f: {  	[sflag:s16] =	ssyncadd.s32 $0xFFFFC000  }
0x330: {  	v4 =	vld [tilespmem:$0x60];
	_ =	sdelay $0x4  }
0x331: {  	v5 =	vshll.u32 v4, $0x3  }
0x332: {  	v4 =	vand.u32 $0x7, v4;
	v5 =	vand.u32 $0xFFFFFFC0, v5  }
0x333: {  	v4 =	vor.u32 v4, v5  }
0x334: {  	v5 =	vperm.xlane v4, v1;
	_ =	sdelay $0x1  }
0x335: {  	v5 =	vadd.s32 v2, v5;
	_ =	sdelay $0x4  }
0x336: {  	[tilespmem:s5], [sflag:$0x2] =	stream.indirect_vreg.gather [hbm4b:s1+s3], $0x80, v5, vm0, $0xb8;
	[tilespmem:$0x1C280] =	vst v63  }
0x337: {  	v4 =	vperm.xlane v4, v3  }
0x338: {  	[tilespmem:s6], [sflag:$0x2] =	stream.indirect_vreg.gather [hbm4b:s7+s3], $0x80, v5, vm0, $0xb8;
	[tilespmem:$0x1C280] =	vst v63  }
0x339: {  	v4 =	vadd.s32 v2, v4  }
0x33a: {  	[tilespmem:s10], [sflag:$0x2] =	stream.indirect_vreg.gather [hbm4b:s8+s3], $0x80, v5, vm0, $0xb8;
	[tilespmem:$0x1C280] =	vst v63  }
0x33b: {  	_ = 	snop  }
0x33c: {  	[tilespmem:s20], [sflag:$0x2] =	stream.indirect_vreg.gather [hbm4b:s9+s3], $0x80, v5, vm0, $0xb8;
	[tilespmem:$0x1C280] =	vst v63  }
0x33d: {  	_ = 	snop  }
0x33e: {  	[tilespmem:s11], [sflag:$0x2] =	stream.indirect_vreg.gather [hbm4b:s1+s3], $0x80, v4, vm0, $0xb8;
	[tilespmem:$0x1C280] =	vst v63  }
0x33f: {  	_ = 	snop  }
0x340: {  	[tilespmem:s21], [sflag:$0x2] =	stream.indirect_vreg.gather [hbm4b:s7+s3], $0x80, v4, vm0, $0xb8;
	[tilespmem:$0x1C280] =	vst v63  }
0x341: {  	_ = 	snop  }
0x342: {  	[tilespmem:s12], [sflag:$0x2] =	stream.indirect_vreg.gather [hbm4b:s8+s3], $0x80, v4, vm0, $0xb8;
	[tilespmem:$0x1C280] =	vst v63  }
0x343: {  	_ = 	snop  }
0x344: {  	[tilespmem:s22], [sflag:$0x2] =	stream.indirect_vreg.gather [hbm4b:s9+s3], $0x80, v4, vm0, $0xb8;
	[tilespmem:$0x1C280] =	vst v63  }
0x345: {  	v4 =	vld [tilespmem:$0x70];
	_ =	sdelay $0x4  }
0x346: {  	v5 =	vshll.u32 v4, $0x3  }
0x347: {  	v4 =	vand.u32 $0x7, v4;
	v5 =	vand.u32 $0xFFFFFFC0, v5  }
0x348: {  	v4 =	vor.u32 v4, v5  }
0x349: {  	v5 =	vperm.xlane v4, v1;
	_ =	sdelay $0x1  }
0x34a: {  	v5 =	vadd.s32 v2, v5;
	_ =	sdelay $0x4  }
0x34b: {  	[tilespmem:s23], [sflag:$0x2] =	stream.indirect_vreg.gather [hbm4b:s1+s3], $0x80, v5, vm0, $0xb8;
	[tilespmem:$0x1C280] =	vst v63  }
0x34c: {  	v4 =	vperm.xlane v4, v3  }
0x34d: {  	[tilespmem:s13], [sflag:$0x2] =	stream.indirect_vreg.gather [hbm4b:s7+s3], $0x80, v5, vm0, $0xb8;
	[tilespmem:$0x1C280] =	vst v63  }
0x34e: {  	v4 =	vadd.s32 v2, v4  }
0x34f: {  	[tilespmem:s24], [sflag:$0x2] =	stream.indirect_vreg.gather [hbm4b:s8+s3], $0x80, v5, vm0, $0xb8;
	[tilespmem:$0x1C280] =	vst v63  }
0x350: {  	_ = 	snop  }
0x351: {  	[tilespmem:s14], [sflag:$0x2] =	stream.indirect_vreg.gather [hbm4b:s9+s3], $0x80, v5, vm0, $0xb8;
	[tilespmem:$0x1C280] =	vst v63  }
0x352: {  	_ = 	snop  }
0x353: {  	[tilespmem:s25], [sflag:$0x2] =	stream.indirect_vreg.gather [hbm4b:s1+s3], $0x80, v4, vm0, $0xb8;
	[tilespmem:$0x1C280] =	vst v63  }
0x354: {  	_ = 	snop  }
0x355: {  	[tilespmem:s15], [sflag:$0x2] =	stream.indirect_vreg.gather [hbm4b:s7+s3], $0x80, v4, vm0, $0xb8;
	[tilespmem:$0x1C280] =	vst v63  }
0x356: {  	_ = 	snop  }
0x357: {  	[tilespmem:s26], [sflag:$0x2] =	stream.indirect_vreg.gather [hbm4b:s8+s3], $0x80, v4, vm0, $0xb8;
	[tilespmem:$0x1C280] =	vst v63  }
0x358: {  	_ = 	snop  }
0x359: {  	[tilespmem:s28], [sflag:$0x2] =	stream.indirect_vreg.gather [hbm4b:s9+s3], $0x80, v4, vm0, $0xb8;
	[tilespmem:$0x1C280] =	vst v63  }
0x35a: {  	_ =	swait.ge [sflag:s29], $0x8000  }
0x35b: {  	[sflag:s29] =	ssyncset.done $0x0  }
0x35c: {  	s17 =	simm.s32 $0x18380;
	[sflag:s29] =	ssyncadd.s32 $0xFFFF8000  }
.LBB2_6:
0x35d: {  	v5 =	vld [tilespmem:$0x80];
	_ =	sdelay $0x3  }
0x35e: {  	v6 =	vmov s3  }
0x35f: {  	v4 =	vshll.u32 v6, $0xA;
	v7 =	vshll.u32 v5, $0x3  }
0x360: {  	v4 =	vand.u32 $0x6000, v4;
	v7 =	vand.u32 $0xFFFFFC00, v7  }
0x361: {  	v8 =	vand.u32 $0x7F, v5;
	v5 =	vshll.u32 v6, $0x7;
	v7 =	vadd.s32 v4, v7  }
0x362: {  	v5 =	vand.u32 $0x380, v5;
	v32 =	vor.u32 v8, v7  }
0x363: {  	v6 =	vor.u32 v5, v32;
	_ =	sdelay $0x4  }
0x364: {  	v6 =	vld.idx.msk [tilespmem:v6+s19+$0x0], $0xffff;
	_ =	sdelay $0x4  }
0x365: {  	[tilespmem:s17+$0xFFFFFF00] =	vst v6  }
0x366: {  	v6 =	vld [tilespmem:$0x90];
	_ =	sdelay $0x4  }
0x367: {  	v33 =	vshll.u32 v6, $0x3  }
0x368: {  	v7 =	vand.u32 $0xFFFFFC00, v33  }
0x369: {  	v6 =	vand.u32 $0x7F, v6;
	v7 =	vadd.s32 v4, v7  }
0x36a: {  	v6 =	vor.u32 v6, v7  }
0x36b: {  	v6 =	vor.u32 v5, v6;
	_ =	sdelay $0x4  }
0x36c: {  	v6 =	vld.idx.msk [tilespmem:v6+s19+$0x0], $0xffff;
	_ =	sdelay $0x4  }
0x36d: {  	[tilespmem:s17+$0xFFFFFF10] =	vst v6  }
0x36e: {  	v6 =	vld [tilespmem:$0xA0];
	_ =	sdelay $0x4  }
0x36f: {  	v34 =	vshll.u32 v6, $0x3  }
0x370: {  	v7 =	vand.u32 $0xFFFFFC00, v34  }
0x371: {  	v6 =	vand.u32 $0x7F, v6;
	v7 =	vadd.s32 v4, v7  }
0x372: {  	v6 =	vor.u32 v6, v7  }
0x373: {  	v6 =	vor.u32 v5, v6;
	_ =	sdelay $0x4  }
0x374: {  	v6 =	vld.idx.msk [tilespmem:v6+s19+$0x0], $0xffff;
	_ =	sdelay $0x4  }
0x375: {  	[tilespmem:s17+$0xFFFFFF20] =	vst v6  }
0x376: {  	v6 =	vld [tilespmem:$0xB0];
	_ =	sdelay $0x4  }
0x377: {  	v35 =	vshll.u32 v6, $0x3  }
0x378: {  	v7 =	vand.u32 $0xFFFFFC00, v35  }
0x379: {  	v6 =	vand.u32 $0x7F, v6;
	v7 =	vadd.s32 v4, v7  }
0x37a: {  	v6 =	vor.u32 v6, v7  }
0x37b: {  	v6 =	vor.u32 v5, v6;
	_ =	sdelay $0x4  }
0x37c: {  	v6 =	vld.idx.msk [tilespmem:v6+s19+$0x0], $0xffff;
	_ =	sdelay $0x4  }
0x37d: {  	[tilespmem:s17+$0xFFFFFF30] =	vst v6  }
0x37e: {  	v6 =	vld [tilespmem:$0xC0];
	_ =	sdelay $0x4  }
0x37f: {  	v36 =	vshll.u32 v6, $0x3  }
0x380: {  	v7 =	vand.u32 $0xFFFFFC00, v36  }
0x381: {  	v6 =	vand.u32 $0x7F, v6;
	v7 =	vadd.s32 v4, v7  }
0x382: {  	v6 =	vor.u32 v6, v7  }
0x383: {  	v6 =	vor.u32 v5, v6;
	_ =	sdelay $0x4  }
0x384: {  	v6 =	vld.idx.msk [tilespmem:v6+s19+$0x0], $0xffff;
	_ =	sdelay $0x4  }
0x385: {  	[tilespmem:s17+$0xFFFFFF40] =	vst v6  }
0x386: {  	v6 =	vld [tilespmem:$0xD0];
	_ =	sdelay $0x4  }
0x387: {  	v37 =	vshll.u32 v6, $0x3  }
0x388: {  	v7 =	vand.u32 $0xFFFFFC00, v37  }
0x389: {  	v6 =	vand.u32 $0x7F, v6;
	v7 =	vadd.s32 v4, v7  }
0x38a: {  	v6 =	vor.u32 v6, v7  }
0x38b: {  	v6 =	vor.u32 v5, v6;
	_ =	sdelay $0x4  }
0x38c: {  	v6 =	vld.idx.msk [tilespmem:v6+s19+$0x0], $0xffff;
	_ =	sdelay $0x4  }
0x38d: {  	[tilespmem:s17+$0xFFFFFF50] =	vst v6  }
0x38e: {  	v6 =	vld [tilespmem:$0xE0];
	_ =	sdelay $0x4  }
0x38f: {  	v38 =	vshll.u32 v6, $0x3  }
0x390: {  	v7 =	vand.u32 $0xFFFFFC00, v38  }
0x391: {  	v6 =	vand.u32 $0x7F, v6;
	v7 =	vadd.s32 v4, v7  }
0x392: {  	v6 =	vor.u32 v6, v7  }
0x393: {  	v6 =	vor.u32 v5, v6;
	_ =	sdelay $0x4  }
0x394: {  	v6 =	vld.idx.msk [tilespmem:v6+s19+$0x0], $0xffff;
	_ =	sdelay $0x4  }
0x395: {  	[tilespmem:s17+$0xFFFFFF60] =	vst v6  }
0x396: {  	v6 =	vld [tilespmem:$0xF0];
	_ =	sdelay $0x4  }
0x397: {  	v39 =	vshll.u32 v6, $0x3  }
0x398: {  	v7 =	vand.u32 $0xFFFFFC00, v39  }
0x399: {  	v6 =	vand.u32 $0x7F, v6;
	v7 =	vadd.s32 v4, v7  }
0x39a: {  	v6 =	vor.u32 v6, v7  }
0x39b: {  	v6 =	vor.u32 v5, v6;
	_ =	sdelay $0x4  }
0x39c: {  	v6 =	vld.idx.msk [tilespmem:v6+s19+$0x0], $0xffff;
	_ =	sdelay $0x4  }
0x39d: {  	[tilespmem:s17+$0xFFFFFF70] =	vst v6  }
0x39e: {  	v6 =	vld [tilespmem:$0x100];
	_ =	sdelay $0x4  }
0x39f: {  	v40 =	vshll.u32 v6, $0x3  }
0x3a0: {  	v7 =	vand.u32 $0xFFFFFC00, v40  }
0x3a1: {  	v6 =	vand.u32 $0x7F, v6;
	v7 =	vadd.s32 v4, v7  }
0x3a2: {  	v6 =	vor.u32 v6, v7  }
0x3a3: {  	v6 =	vor.u32 v5, v6;
	_ =	sdelay $0x4  }
0x3a4: {  	v6 =	vld.idx.msk [tilespmem:v6+s19+$0x0], $0xffff;
	_ =	sdelay $0x4  }
0x3a5: {  	[tilespmem:s17+$0xFFFFFF80] =	vst v6  }
0x3a6: {  	v6 =	vld [tilespmem:$0x110];
	_ =	sdelay $0x4  }
0x3a7: {  	v41 =	vshll.u32 v6, $0x3  }
0x3a8: {  	v7 =	vand.u32 $0xFFFFFC00, v41  }
0x3a9: {  	v6 =	vand.u32 $0x7F, v6;
	v7 =	vadd.s32 v4, v7  }
0x3aa: {  	v6 =	vor.u32 v6, v7  }
0x3ab: {  	v6 =	vor.u32 v5, v6;
	_ =	sdelay $0x4  }
0x3ac: {  	v6 =	vld.idx.msk [tilespmem:v6+s19+$0x0], $0xffff;
	_ =	sdelay $0x4  }
0x3ad: {  	[tilespmem:s17+$0xFFFFFF90] =	vst v6  }
0x3ae: {  	v6 =	vld [tilespmem:$0x120];
	_ =	sdelay $0x4  }
0x3af: {  	v42 =	vshll.u32 v6, $0x3  }
0x3b0: {  	v7 =	vand.u32 $0xFFFFFC00, v42  }
0x3b1: {  	v6 =	vand.u32 $0x7F, v6;
	v7 =	vadd.s32 v4, v7  }
0x3b2: {  	v6 =	vor.u32 v6, v7  }
0x3b3: {  	v6 =	vor.u32 v5, v6;
	_ =	sdelay $0x4  }
0x3b4: {  	v6 =	vld.idx.msk [tilespmem:v6+s19+$0x0], $0xffff;
	_ =	sdelay $0x4  }
0x3b5: {  	[tilespmem:s17+$0xFFFFFFA0] =	vst v6  }
0x3b6: {  	v6 =	vld [tilespmem:$0x130];
	_ =	sdelay $0x4  }
0x3b7: {  	v43 =	vshll.u32 v6, $0x3  }
0x3b8: {  	v7 =	vand.u32 $0xFFFFFC00, v43  }
0x3b9: {  	v6 =	vand.u32 $0x7F, v6;
	v7 =	vadd.s32 v4, v7  }
0x3ba: {  	v6 =	vor.u32 v6, v7  }
0x3bb: {  	v6 =	vor.u32 v5, v6;
	_ =	sdelay $0x4  }
0x3bc: {  	v6 =	vld.idx.msk [tilespmem:v6+s19+$0x0], $0xffff;
	_ =	sdelay $0x4  }
0x3bd: {  	[tilespmem:s17+$0xFFFFFFB0] =	vst v6  }
0x3be: {  	v6 =	vld [tilespmem:$0x140];
	_ =	sdelay $0x4  }
0x3bf: {  	v44 =	vshll.u32 v6, $0x3  }
0x3c0: {  	v7 =	vand.u32 $0xFFFFFC00, v44  }
0x3c1: {  	v6 =	vand.u32 $0x7F, v6;
	v7 =	vadd.s32 v4, v7  }
0x3c2: {  	v6 =	vor.u32 v6, v7  }
0x3c3: {  	v6 =	vor.u32 v5, v6;
	_ =	sdelay $0x4  }
0x3c4: {  	v6 =	vld.idx.msk [tilespmem:v6+s19+$0x0], $0xffff;
	_ =	sdelay $0x4  }
0x3c5: {  	[tilespmem:s17+$0xFFFFFFC0] =	vst v6  }
0x3c6: {  	v6 =	vld [tilespmem:$0x150];
	_ =	sdelay $0x4  }
0x3c7: {  	v45 =	vshll.u32 v6, $0x3  }
0x3c8: {  	v7 =	vand.u32 $0xFFFFFC00, v45  }
0x3c9: {  	v6 =	vand.u32 $0x7F, v6;
	v7 =	vadd.s32 v4, v7  }
0x3ca: {  	v6 =	vor.u32 v6, v7  }
0x3cb: {  	v6 =	vor.u32 v5, v6;
	_ =	sdelay $0x4  }
0x3cc: {  	v6 =	vld.idx.msk [tilespmem:v6+s19+$0x0], $0xffff;
	_ =	sdelay $0x4  }
0x3cd: {  	[tilespmem:s17+$0xFFFFFFD0] =	vst v6  }
0x3ce: {  	v6 =	vld [tilespmem:$0x160];
	_ =	sdelay $0x4  }
0x3cf: {  	v46 =	vshll.u32 v6, $0x3  }
0x3d0: {  	v7 =	vand.u32 $0xFFFFFC00, v46  }
0x3d1: {  	v6 =	vand.u32 $0x7F, v6;
	v7 =	vadd.s32 v4, v7  }
0x3d2: {  	v6 =	vor.u32 v6, v7  }
0x3d3: {  	v6 =	vor.u32 v5, v6;
	_ =	sdelay $0x4  }
0x3d4: {  	v6 =	vld.idx.msk [tilespmem:v6+s19+$0x0], $0xffff;
	_ =	sdelay $0x4  }
0x3d5: {  	[tilespmem:s17+$0xFFFFFFE0] =	vst v6  }
0x3d6: {  	v6 =	vld [tilespmem:$0x170];
	_ =	sdelay $0x4  }
0x3d7: {  	v47 =	vshll.u32 v6, $0x3  }
0x3d8: {  	v7 =	vand.u32 $0xFFFFFC00, v47  }
0x3d9: {  	v6 =	vand.u32 $0x7F, v6;
	v7 =	vadd.s32 v4, v7  }
0x3da: {  	v6 =	vor.u32 v6, v7  }
0x3db: {  	v6 =	vor.u32 v5, v6;
	_ =	sdelay $0x4  }
0x3dc: {  	v6 =	vld.idx.msk [tilespmem:v6+s19+$0x0], $0xffff;
	_ =	sdelay $0x4  }
0x3dd: {  	[tilespmem:s17+$0xFFFFFFF0] =	vst v6  }
0x3de: {  	v6 =	vld [tilespmem:$0x180];
	_ =	sdelay $0x4  }
0x3df: {  	v48 =	vshll.u32 v6, $0x3  }
0x3e0: {  	v7 =	vand.u32 $0xFFFFFC00, v48  }
0x3e1: {  	v6 =	vand.u32 $0x7F, v6;
	v7 =	vadd.s32 v4, v7  }
0x3e2: {  	v6 =	vor.u32 v6, v7  }
0x3e3: {  	v6 =	vor.u32 v5, v6;
	_ =	sdelay $0x4  }
0x3e4: {  	v6 =	vld.idx.msk [tilespmem:v6+s19+$0x0], $0xffff;
	_ =	sdelay $0x4  }
0x3e5: {  	[tilespmem:s17+$0x0] =	vst v6  }
0x3e6: {  	v6 =	vld [tilespmem:$0x190];
	_ =	sdelay $0x4  }
0x3e7: {  	v49 =	vshll.u32 v6, $0x3  }
0x3e8: {  	v7 =	vand.u32 $0xFFFFFC00, v49  }
0x3e9: {  	v6 =	vand.u32 $0x7F, v6;
	v7 =	vadd.s32 v4, v7  }
0x3ea: {  	v6 =	vor.u32 v6, v7  }
0x3eb: {  	v6 =	vor.u32 v5, v6;
	_ =	sdelay $0x4  }
0x3ec: {  	v6 =	vld.idx.msk [tilespmem:v6+s19+$0x0], $0xffff;
	_ =	sdelay $0x4  }
0x3ed: {  	[tilespmem:s17+$0x10] =	vst v6  }
0x3ee: {  	v6 =	vld [tilespmem:$0x1A0];
	_ =	sdelay $0x4  }
0x3ef: {  	v50 =	vshll.u32 v6, $0x3  }
0x3f0: {  	v7 =	vand.u32 $0xFFFFFC00, v50  }
0x3f1: {  	v6 =	vand.u32 $0x7F, v6;
	v7 =	vadd.s32 v4, v7  }
0x3f2: {  	v6 =	vor.u32 v6, v7  }
0x3f3: {  	v6 =	vor.u32 v5, v6;
	_ =	sdelay $0x4  }
0x3f4: {  	v6 =	vld.idx.msk [tilespmem:v6+s19+$0x0], $0xffff;
	_ =	sdelay $0x4  }
0x3f5: {  	[tilespmem:s17+$0x20] =	vst v6  }
0x3f6: {  	v6 =	vld [tilespmem:$0x1B0];
	_ =	sdelay $0x4  }
0x3f7: {  	v51 =	vshll.u32 v6, $0x3  }
0x3f8: {  	v7 =	vand.u32 $0xFFFFFC00, v51  }
0x3f9: {  	v6 =	vand.u32 $0x7F, v6;
	v7 =	vadd.s32 v4, v7  }
0x3fa: {  	v6 =	vor.u32 v6, v7  }
0x3fb: {  	v6 =	vor.u32 v5, v6;
	_ =	sdelay $0x4  }
0x3fc: {  	v6 =	vld.idx.msk [tilespmem:v6+s19+$0x0], $0xffff;
	_ =	sdelay $0x4  }
0x3fd: {  	[tilespmem:s17+$0x30] =	vst v6  }
0x3fe: {  	v6 =	vld [tilespmem:$0x1C0];
	_ =	sdelay $0x4  }
0x3ff: {  	v52 =	vshll.u32 v6, $0x3  }
0x400: {  	v7 =	vand.u32 $0xFFFFFC00, v52  }
0x401: {  	v6 =	vand.u32 $0x7F, v6;
	v7 =	vadd.s32 v4, v7  }
0x402: {  	v6 =	vor.u32 v6, v7  }
0x403: {  	v6 =	vor.u32 v5, v6;
	_ =	sdelay $0x4  }
0x404: {  	v6 =	vld.idx.msk [tilespmem:v6+s19+$0x0], $0xffff;
	_ =	sdelay $0x4  }
0x405: {  	[tilespmem:s17+$0x40] =	vst v6  }
0x406: {  	v6 =	vld [tilespmem:$0x1D0];
	_ =	sdelay $0x4  }
0x407: {  	v53 =	vshll.u32 v6, $0x3  }
0x408: {  	v7 =	vand.u32 $0xFFFFFC00, v53  }
0x409: {  	v6 =	vand.u32 $0x7F, v6;
	v7 =	vadd.s32 v4, v7  }
0x40a: {  	v6 =	vor.u32 v6, v7  }
0x40b: {  	v6 =	vor.u32 v5, v6;
	_ =	sdelay $0x4  }
0x40c: {  	v6 =	vld.idx.msk [tilespmem:v6+s19+$0x0], $0xffff;
	_ =	sdelay $0x4  }
0x40d: {  	[tilespmem:s17+$0x50] =	vst v6  }
0x40e: {  	v6 =	vld [tilespmem:$0x1E0];
	_ =	sdelay $0x4  }
0x40f: {  	v54 =	vshll.u32 v6, $0x3  }
0x410: {  	v7 =	vand.u32 $0xFFFFFC00, v54  }
0x411: {  	v6 =	vand.u32 $0x7F, v6;
	v7 =	vadd.s32 v4, v7  }
0x412: {  	v6 =	vor.u32 v6, v7  }
0x413: {  	v6 =	vor.u32 v5, v6;
	_ =	sdelay $0x4  }
0x414: {  	v6 =	vld.idx.msk [tilespmem:v6+s19+$0x0], $0xffff;
	_ =	sdelay $0x4  }
0x415: {  	[tilespmem:s17+$0x60] =	vst v6  }
0x416: {  	v6 =	vld [tilespmem:$0x1F0];
	_ =	sdelay $0x4  }
0x417: {  	v55 =	vshll.u32 v6, $0x3  }
0x418: {  	v7 =	vand.u32 $0xFFFFFC00, v55  }
0x419: {  	v6 =	vand.u32 $0x7F, v6;
	v7 =	vadd.s32 v4, v7  }
0x41a: {  	v6 =	vor.u32 v6, v7  }
0x41b: {  	v6 =	vor.u32 v5, v6;
	_ =	sdelay $0x4  }
0x41c: {  	v6 =	vld.idx.msk [tilespmem:v6+s19+$0x0], $0xffff;
	_ =	sdelay $0x4  }
0x41d: {  	[tilespmem:s17+$0x70] =	vst v6  }
0x41e: {  	v6 =	vld [tilespmem:$0x200];
	_ =	sdelay $0x4  }
0x41f: {  	v56 =	vshll.u32 v6, $0x3  }
0x420: {  	v7 =	vand.u32 $0xFFFFFC00, v56  }
0x421: {  	v6 =	vand.u32 $0x7F, v6;
	v7 =	vadd.s32 v4, v7  }
0x422: {  	v6 =	vor.u32 v6, v7  }
0x423: {  	v6 =	vor.u32 v5, v6;
	_ =	sdelay $0x4  }
0x424: {  	v6 =	vld.idx.msk [tilespmem:v6+s19+$0x0], $0xffff;
	_ =	sdelay $0x4  }
0x425: {  	[tilespmem:s17+$0x80] =	vst v6  }
0x426: {  	v6 =	vld [tilespmem:$0x210];
	_ =	sdelay $0x4  }
0x427: {  	v57 =	vshll.u32 v6, $0x3  }
0x428: {  	v7 =	vand.u32 $0xFFFFFC00, v57  }
0x429: {  	v6 =	vand.u32 $0x7F, v6;
	v7 =	vadd.s32 v4, v7  }
0x42a: {  	v6 =	vor.u32 v6, v7  }
0x42b: {  	v6 =	vor.u32 v5, v6;
	_ =	sdelay $0x4  }
0x42c: {  	v6 =	vld.idx.msk [tilespmem:v6+s19+$0x0], $0xffff;
	_ =	sdelay $0x4  }
0x42d: {  	[tilespmem:s17+$0x90] =	vst v6  }
0x42e: {  	v6 =	vld [tilespmem:$0x220];
	_ =	sdelay $0x4  }
0x42f: {  	v58 =	vshll.u32 v6, $0x3  }
0x430: {  	v7 =	vand.u32 $0xFFFFFC00, v58  }
0x431: {  	v6 =	vand.u32 $0x7F, v6;
	v7 =	vadd.s32 v4, v7  }
0x432: {  	v6 =	vor.u32 v6, v7  }
0x433: {  	v6 =	vor.u32 v5, v6;
	_ =	sdelay $0x4  }
0x434: {  	v6 =	vld.idx.msk [tilespmem:v6+s19+$0x0], $0xffff;
	_ =	sdelay $0x4  }
0x435: {  	[tilespmem:s17+$0xA0] =	vst v6  }
0x436: {  	v6 =	vld [tilespmem:$0x230];
	_ =	sdelay $0x4  }
0x437: {  	v59 =	vshll.u32 v6, $0x3  }
0x438: {  	v7 =	vand.u32 $0xFFFFFC00, v59  }
0x439: {  	v6 =	vand.u32 $0x7F, v6;
	v7 =	vadd.s32 v4, v7  }
0x43a: {  	v6 =	vor.u32 v6, v7  }
0x43b: {  	v6 =	vor.u32 v5, v6;
	_ =	sdelay $0x4  }
0x43c: {  	v6 =	vld.idx.msk [tilespmem:v6+s19+$0x0], $0xffff;
	_ =	sdelay $0x4  }
0x43d: {  	[tilespmem:s17+$0xB0] =	vst v6  }
0x43e: {  	v6 =	vld [tilespmem:$0x240];
	_ =	sdelay $0x4  }
0x43f: {  	v60 =	vshll.u32 v6, $0x3  }
0x440: {  	v7 =	vand.u32 $0xFFFFFC00, v60  }
0x441: {  	v6 =	vand.u32 $0x7F, v6;
	v7 =	vadd.s32 v4, v7  }
0x442: {  	v6 =	vor.u32 v6, v7  }
0x443: {  	v6 =	vor.u32 v5, v6;
	_ =	sdelay $0x4  }
0x444: {  	v6 =	vld.idx.msk [tilespmem:v6+s19+$0x0], $0xffff;
	_ =	sdelay $0x4  }
0x445: {  	[tilespmem:s17+$0xC0] =	vst v6  }
0x446: {  	v6 =	vld [tilespmem:$0x250];
	_ =	sdelay $0x4  }
0x447: {  	v61 =	vshll.u32 v6, $0x3  }
0x448: {  	v7 =	vand.u32 $0xFFFFFC00, v61  }
0x449: {  	v6 =	vand.u32 $0x7F, v6;
	v7 =	vadd.s32 v4, v7  }
0x44a: {  	v6 =	vor.u32 v6, v7  }
0x44b: {  	v6 =	vor.u32 v5, v6;
	_ =	sdelay $0x4  }
0x44c: {  	v6 =	vld.idx.msk [tilespmem:v6+s19+$0x0], $0xffff;
	_ =	sdelay $0x4  }
0x44d: {  	[tilespmem:s17+$0xD0] =	vst v6  }
0x44e: {  	v6 =	vld [tilespmem:$0x260];
	_ =	sdelay $0x4  }
0x44f: {  	v62 =	vshll.u32 v6, $0x3  }
0x450: {  	v7 =	vand.u32 $0xFFFFFC00, v62  }
0x451: {  	v6 =	vand.u32 $0x7F, v6;
	v7 =	vadd.s32 v4, v7  }
0x452: {  	v6 =	vor.u32 v6, v7  }
0x453: {  	v6 =	vor.u32 v5, v6;
	_ =	sdelay $0x4  }
0x454: {  	v6 =	vld.idx.msk [tilespmem:v6+s19+$0x0], $0xffff;
	_ =	sdelay $0x4  }
0x455: {  	[tilespmem:s17+$0xE0] =	vst v6  }
0x456: {  	v6 =	vld [tilespmem:$0x270];
	_ =	sdelay $0x4  }
0x457: {  	v63 =	vshll.u32 v6, $0x3  }
0x458: {  	v7 =	vand.u32 $0xFFFFFC00, v63  }
0x459: {  	v6 =	vand.u32 $0x7F, v6;
	v4 =	vadd.s32 v4, v7  }
0x45a: {  	v4 =	vor.u32 v6, v4  }
0x45b: {  	v4 =	vor.u32 v5, v4;
	_ =	sdelay $0x4  }
0x45c: {  	p0 =	sne.s32 s3, $0x1F;
	v4 =	vld.idx.msk [tilespmem:v4+s19+$0x0], $0xffff  }
.Ltmp2:
0x45d: {  	_ = 	snop;
	(pc) =	sbr.rel @p0 .LBB2_6-.Ltmp2, $2  }
0x45e: {  	_ =	sdelay $0x2  }
0x45f: {  	s3 =	sadd.s32 $0x1, s3;
	[tilespmem:s17+$0xF0] =	vst v4;
	s17 =	sadd.s32 $0x200, s17  }
0x460: {  	s3 =	simm.s32 $0x0;
	s17 =	rddreg [dreg:$0x9]  }
0x461: {  	[hbm4b:s17+s3] =	stream.linear.scatter [tilespmem:s30], [sflag:$0x3], $0x4000, $0x38;
	[tilespmem:$0x1C280] =	vst v63  }
0x462: {  	_ =	swait.ge [sflag:s16], $0x4000  }
0x463: {  	[sflag:s16] =	ssyncset.done $0x0  }
0x464: {  	[sflag:s16] =	ssyncadd.s32 $0xFFFFC000  }
0x465: {  	_ =	swait.ge [sflag:s29], $0x8000  }
0x466: {  	[sflag:s29] =	ssyncset.done $0x0  }
0x467: {  	s17 =	simm.s32 $0x18380;
	[sflag:s29] =	ssyncadd.s32 $0xFFFF8000  }
.LBB2_8:
0x468: {  	v5 =	vld [tilespmem:$0x80];
	_ =	sdelay $0x3  }
0x469: {  	v6 =	vmov s3  }
0x46a: {  	v4 =	vshll.u32 v6, $0xA;
	v7 =	vshll.u32 v5, $0x3  }
0x46b: {  	v4 =	vand.u32 $0x6000, v4;
	v7 =	vand.u32 $0xFFFFFC00, v7  }
0x46c: {  	v8 =	vand.u32 $0x7F, v5;
	v5 =	vshll.u32 v6, $0x7;
	v7 =	vadd.s32 v4, v7  }
0x46d: {  	v5 =	vand.u32 $0x380, v5;
	v32 =	vor.u32 v8, v7  }
0x46e: {  	v6 =	vor.u32 v5, v32;
	_ =	sdelay $0x4  }
0x46f: {  	v6 =	vld.idx.msk [tilespmem:v6+s5+$0x0], $0xffff;
	_ =	sdelay $0x4  }
0x470: {  	[tilespmem:s17+$0xFFFFFF00] =	vst v6  }
0x471: {  	v6 =	vld [tilespmem:$0x90];
	_ =	sdelay $0x4  }
0x472: {  	v33 =	vshll.u32 v6, $0x3  }
0x473: {  	v7 =	vand.u32 $0xFFFFFC00, v33  }
0x474: {  	v6 =	vand.u32 $0x7F, v6;
	v7 =	vadd.s32 v4, v7  }
0x475: {  	v6 =	vor.u32 v6, v7  }
0x476: {  	v6 =	vor.u32 v5, v6;
	_ =	sdelay $0x4  }
0x477: {  	v6 =	vld.idx.msk [tilespmem:v6+s5+$0x0], $0xffff;
	_ =	sdelay $0x4  }
0x478: {  	[tilespmem:s17+$0xFFFFFF10] =	vst v6  }
0x479: {  	v6 =	vld [tilespmem:$0xA0];
	_ =	sdelay $0x4  }
0x47a: {  	v34 =	vshll.u32 v6, $0x3  }
0x47b: {  	v7 =	vand.u32 $0xFFFFFC00, v34  }
0x47c: {  	v6 =	vand.u32 $0x7F, v6;
	v7 =	vadd.s32 v4, v7  }
0x47d: {  	v6 =	vor.u32 v6, v7  }
0x47e: {  	v6 =	vor.u32 v5, v6;
	_ =	sdelay $0x4  }
0x47f: {  	v6 =	vld.idx.msk [tilespmem:v6+s5+$0x0], $0xffff;
	_ =	sdelay $0x4  }
0x480: {  	[tilespmem:s17+$0xFFFFFF20] =	vst v6  }
0x481: {  	v6 =	vld [tilespmem:$0xB0];
	_ =	sdelay $0x4  }
0x482: {  	v35 =	vshll.u32 v6, $0x3  }
0x483: {  	v7 =	vand.u32 $0xFFFFFC00, v35  }
0x484: {  	v6 =	vand.u32 $0x7F, v6;
	v7 =	vadd.s32 v4, v7  }
0x485: {  	v6 =	vor.u32 v6, v7  }
0x486: {  	v6 =	vor.u32 v5, v6;
	_ =	sdelay $0x4  }
0x487: {  	v6 =	vld.idx.msk [tilespmem:v6+s5+$0x0], $0xffff;
	_ =	sdelay $0x4  }
0x488: {  	[tilespmem:s17+$0xFFFFFF30] =	vst v6  }
0x489: {  	v6 =	vld [tilespmem:$0xC0];
	_ =	sdelay $0x4  }
0x48a: {  	v36 =	vshll.u32 v6, $0x3  }
0x48b: {  	v7 =	vand.u32 $0xFFFFFC00, v36  }
0x48c: {  	v6 =	vand.u32 $0x7F, v6;
	v7 =	vadd.s32 v4, v7  }
0x48d: {  	v6 =	vor.u32 v6, v7  }
0x48e: {  	v6 =	vor.u32 v5, v6;
	_ =	sdelay $0x4  }
0x48f: {  	v6 =	vld.idx.msk [tilespmem:v6+s5+$0x0], $0xffff;
	_ =	sdelay $0x4  }
0x490: {  	[tilespmem:s17+$0xFFFFFF40] =	vst v6  }
0x491: {  	v6 =	vld [tilespmem:$0xD0];
	_ =	sdelay $0x4  }
0x492: {  	v37 =	vshll.u32 v6, $0x3  }
0x493: {  	v7 =	vand.u32 $0xFFFFFC00, v37  }
0x494: {  	v6 =	vand.u32 $0x7F, v6;
	v7 =	vadd.s32 v4, v7  }
0x495: {  	v6 =	vor.u32 v6, v7  }
0x496: {  	v6 =	vor.u32 v5, v6;
	_ =	sdelay $0x4  }
0x497: {  	v6 =	vld.idx.msk [tilespmem:v6+s5+$0x0], $0xffff;
	_ =	sdelay $0x4  }
0x498: {  	[tilespmem:s17+$0xFFFFFF50] =	vst v6  }
0x499: {  	v6 =	vld [tilespmem:$0xE0];
	_ =	sdelay $0x4  }
0x49a: {  	v38 =	vshll.u32 v6, $0x3  }
0x49b: {  	v7 =	vand.u32 $0xFFFFFC00, v38  }
0x49c: {  	v6 =	vand.u32 $0x7F, v6;
	v7 =	vadd.s32 v4, v7  }
0x49d: {  	v6 =	vor.u32 v6, v7  }
0x49e: {  	v6 =	vor.u32 v5, v6;
	_ =	sdelay $0x4  }
0x49f: {  	v6 =	vld.idx.msk [tilespmem:v6+s5+$0x0], $0xffff;
	_ =	sdelay $0x4  }
0x4a0: {  	[tilespmem:s17+$0xFFFFFF60] =	vst v6  }
0x4a1: {  	v6 =	vld [tilespmem:$0xF0];
	_ =	sdelay $0x4  }
0x4a2: {  	v39 =	vshll.u32 v6, $0x3  }
0x4a3: {  	v7 =	vand.u32 $0xFFFFFC00, v39  }
0x4a4: {  	v6 =	vand.u32 $0x7F, v6;
	v7 =	vadd.s32 v4, v7  }
0x4a5: {  	v6 =	vor.u32 v6, v7  }
0x4a6: {  	v6 =	vor.u32 v5, v6;
	_ =	sdelay $0x4  }
0x4a7: {  	v6 =	vld.idx.msk [tilespmem:v6+s5+$0x0], $0xffff;
	_ =	sdelay $0x4  }
0x4a8: {  	[tilespmem:s17+$0xFFFFFF70] =	vst v6  }
0x4a9: {  	v6 =	vld [tilespmem:$0x100];
	_ =	sdelay $0x4  }
0x4aa: {  	v40 =	vshll.u32 v6, $0x3  }
0x4ab: {  	v7 =	vand.u32 $0xFFFFFC00, v40  }
0x4ac: {  	v6 =	vand.u32 $0x7F, v6;
	v7 =	vadd.s32 v4, v7  }
0x4ad: {  	v6 =	vor.u32 v6, v7  }
0x4ae: {  	v6 =	vor.u32 v5, v6;
	_ =	sdelay $0x4  }
0x4af: {  	v6 =	vld.idx.msk [tilespmem:v6+s5+$0x0], $0xffff;
	_ =	sdelay $0x4  }
0x4b0: {  	[tilespmem:s17+$0xFFFFFF80] =	vst v6  }
0x4b1: {  	v6 =	vld [tilespmem:$0x110];
	_ =	sdelay $0x4  }
0x4b2: {  	v41 =	vshll.u32 v6, $0x3  }
0x4b3: {  	v7 =	vand.u32 $0xFFFFFC00, v41  }
0x4b4: {  	v6 =	vand.u32 $0x7F, v6;
	v7 =	vadd.s32 v4, v7  }
0x4b5: {  	v6 =	vor.u32 v6, v7  }
0x4b6: {  	v6 =	vor.u32 v5, v6;
	_ =	sdelay $0x4  }
0x4b7: {  	v6 =	vld.idx.msk [tilespmem:v6+s5+$0x0], $0xffff;
	_ =	sdelay $0x4  }
0x4b8: {  	[tilespmem:s17+$0xFFFFFF90] =	vst v6  }
0x4b9: {  	v6 =	vld [tilespmem:$0x120];
	_ =	sdelay $0x4  }
0x4ba: {  	v42 =	vshll.u32 v6, $0x3  }
0x4bb: {  	v7 =	vand.u32 $0xFFFFFC00, v42  }
0x4bc: {  	v6 =	vand.u32 $0x7F, v6;
	v7 =	vadd.s32 v4, v7  }
0x4bd: {  	v6 =	vor.u32 v6, v7  }
0x4be: {  	v6 =	vor.u32 v5, v6;
	_ =	sdelay $0x4  }
0x4bf: {  	v6 =	vld.idx.msk [tilespmem:v6+s5+$0x0], $0xffff;
	_ =	sdelay $0x4  }
0x4c0: {  	[tilespmem:s17+$0xFFFFFFA0] =	vst v6  }
0x4c1: {  	v6 =	vld [tilespmem:$0x130];
	_ =	sdelay $0x4  }
0x4c2: {  	v43 =	vshll.u32 v6, $0x3  }
0x4c3: {  	v7 =	vand.u32 $0xFFFFFC00, v43  }
0x4c4: {  	v6 =	vand.u32 $0x7F, v6;
	v7 =	vadd.s32 v4, v7  }
0x4c5: {  	v6 =	vor.u32 v6, v7  }
0x4c6: {  	v6 =	vor.u32 v5, v6;
	_ =	sdelay $0x4  }
0x4c7: {  	v6 =	vld.idx.msk [tilespmem:v6+s5+$0x0], $0xffff;
	_ =	sdelay $0x4  }
0x4c8: {  	[tilespmem:s17+$0xFFFFFFB0] =	vst v6  }
0x4c9: {  	v6 =	vld [tilespmem:$0x140];
	_ =	sdelay $0x4  }
0x4ca: {  	v44 =	vshll.u32 v6, $0x3  }
0x4cb: {  	v7 =	vand.u32 $0xFFFFFC00, v44  }
0x4cc: {  	v6 =	vand.u32 $0x7F, v6;
	v7 =	vadd.s32 v4, v7  }
0x4cd: {  	v6 =	vor.u32 v6, v7  }
0x4ce: {  	v6 =	vor.u32 v5, v6;
	_ =	sdelay $0x4  }
0x4cf: {  	v6 =	vld.idx.msk [tilespmem:v6+s5+$0x0], $0xffff;
	_ =	sdelay $0x4  }
0x4d0: {  	[tilespmem:s17+$0xFFFFFFC0] =	vst v6  }
0x4d1: {  	v6 =	vld [tilespmem:$0x150];
	_ =	sdelay $0x4  }
0x4d2: {  	v45 =	vshll.u32 v6, $0x3  }
0x4d3: {  	v7 =	vand.u32 $0xFFFFFC00, v45  }
0x4d4: {  	v6 =	vand.u32 $0x7F, v6;
	v7 =	vadd.s32 v4, v7  }
0x4d5: {  	v6 =	vor.u32 v6, v7  }
0x4d6: {  	v6 =	vor.u32 v5, v6;
	_ =	sdelay $0x4  }
0x4d7: {  	v6 =	vld.idx.msk [tilespmem:v6+s5+$0x0], $0xffff;
	_ =	sdelay $0x4  }
0x4d8: {  	[tilespmem:s17+$0xFFFFFFD0] =	vst v6  }
0x4d9: {  	v6 =	vld [tilespmem:$0x160];
	_ =	sdelay $0x4  }
0x4da: {  	v46 =	vshll.u32 v6, $0x3  }
0x4db: {  	v7 =	vand.u32 $0xFFFFFC00, v46  }
0x4dc: {  	v6 =	vand.u32 $0x7F, v6;
	v7 =	vadd.s32 v4, v7  }
0x4dd: {  	v6 =	vor.u32 v6, v7  }
0x4de: {  	v6 =	vor.u32 v5, v6;
	_ =	sdelay $0x4  }
0x4df: {  	v6 =	vld.idx.msk [tilespmem:v6+s5+$0x0], $0xffff;
	_ =	sdelay $0x4  }
0x4e0: {  	[tilespmem:s17+$0xFFFFFFE0] =	vst v6  }
0x4e1: {  	v6 =	vld [tilespmem:$0x170];
	_ =	sdelay $0x4  }
0x4e2: {  	v47 =	vshll.u32 v6, $0x3  }
0x4e3: {  	v7 =	vand.u32 $0xFFFFFC00, v47  }
0x4e4: {  	v6 =	vand.u32 $0x7F, v6;
	v7 =	vadd.s32 v4, v7  }
0x4e5: {  	v6 =	vor.u32 v6, v7  }
0x4e6: {  	v6 =	vor.u32 v5, v6;
	_ =	sdelay $0x4  }
0x4e7: {  	v6 =	vld.idx.msk [tilespmem:v6+s5+$0x0], $0xffff;
	_ =	sdelay $0x4  }
0x4e8: {  	[tilespmem:s17+$0xFFFFFFF0] =	vst v6  }
0x4e9: {  	v6 =	vld [tilespmem:$0x180];
	_ =	sdelay $0x4  }
0x4ea: {  	v48 =	vshll.u32 v6, $0x3  }
0x4eb: {  	v7 =	vand.u32 $0xFFFFFC00, v48  }
0x4ec: {  	v6 =	vand.u32 $0x7F, v6;
	v7 =	vadd.s32 v4, v7  }
0x4ed: {  	v6 =	vor.u32 v6, v7  }
0x4ee: {  	v6 =	vor.u32 v5, v6;
	_ =	sdelay $0x4  }
0x4ef: {  	v6 =	vld.idx.msk [tilespmem:v6+s5+$0x0], $0xffff;
	_ =	sdelay $0x4  }
0x4f0: {  	[tilespmem:s17+$0x0] =	vst v6  }
0x4f1: {  	v6 =	vld [tilespmem:$0x190];
	_ =	sdelay $0x4  }
0x4f2: {  	v49 =	vshll.u32 v6, $0x3  }
0x4f3: {  	v7 =	vand.u32 $0xFFFFFC00, v49  }
0x4f4: {  	v6 =	vand.u32 $0x7F, v6;
	v7 =	vadd.s32 v4, v7  }
0x4f5: {  	v6 =	vor.u32 v6, v7  }
0x4f6: {  	v6 =	vor.u32 v5, v6;
	_ =	sdelay $0x4  }
0x4f7: {  	v6 =	vld.idx.msk [tilespmem:v6+s5+$0x0], $0xffff;
	_ =	sdelay $0x4  }
0x4f8: {  	[tilespmem:s17+$0x10] =	vst v6  }
0x4f9: {  	v6 =	vld [tilespmem:$0x1A0];
	_ =	sdelay $0x4  }
0x4fa: {  	v50 =	vshll.u32 v6, $0x3  }
0x4fb: {  	v7 =	vand.u32 $0xFFFFFC00, v50  }
0x4fc: {  	v6 =	vand.u32 $0x7F, v6;
	v7 =	vadd.s32 v4, v7  }
0x4fd: {  	v6 =	vor.u32 v6, v7  }
0x4fe: {  	v6 =	vor.u32 v5, v6;
	_ =	sdelay $0x4  }
0x4ff: {  	v6 =	vld.idx.msk [tilespmem:v6+s5+$0x0], $0xffff;
	_ =	sdelay $0x4  }
0x500: {  	[tilespmem:s17+$0x20] =	vst v6  }
0x501: {  	v6 =	vld [tilespmem:$0x1B0];
	_ =	sdelay $0x4  }
0x502: {  	v51 =	vshll.u32 v6, $0x3  }
0x503: {  	v7 =	vand.u32 $0xFFFFFC00, v51  }
0x504: {  	v6 =	vand.u32 $0x7F, v6;
	v7 =	vadd.s32 v4, v7  }
0x505: {  	v6 =	vor.u32 v6, v7  }
0x506: {  	v6 =	vor.u32 v5, v6;
	_ =	sdelay $0x4  }
0x507: {  	v6 =	vld.idx.msk [tilespmem:v6+s5+$0x0], $0xffff;
	_ =	sdelay $0x4  }
0x508: {  	[tilespmem:s17+$0x30] =	vst v6  }
0x509: {  	v6 =	vld [tilespmem:$0x1C0];
	_ =	sdelay $0x4  }
0x50a: {  	v52 =	vshll.u32 v6, $0x3  }
0x50b: {  	v7 =	vand.u32 $0xFFFFFC00, v52  }
0x50c: {  	v6 =	vand.u32 $0x7F, v6;
	v7 =	vadd.s32 v4, v7  }
0x50d: {  	v6 =	vor.u32 v6, v7  }
0x50e: {  	v6 =	vor.u32 v5, v6;
	_ =	sdelay $0x4  }
0x50f: {  	v6 =	vld.idx.msk [tilespmem:v6+s5+$0x0], $0xffff;
	_ =	sdelay $0x4  }
0x510: {  	[tilespmem:s17+$0x40] =	vst v6  }
0x511: {  	v6 =	vld [tilespmem:$0x1D0];
	_ =	sdelay $0x4  }
0x512: {  	v53 =	vshll.u32 v6, $0x3  }
0x513: {  	v7 =	vand.u32 $0xFFFFFC00, v53  }
0x514: {  	v6 =	vand.u32 $0x7F, v6;
	v7 =	vadd.s32 v4, v7  }
0x515: {  	v6 =	vor.u32 v6, v7  }
0x516: {  	v6 =	vor.u32 v5, v6;
	_ =	sdelay $0x4  }
0x517: {  	v6 =	vld.idx.msk [tilespmem:v6+s5+$0x0], $0xffff;
	_ =	sdelay $0x4  }
0x518: {  	[tilespmem:s17+$0x50] =	vst v6  }
0x519: {  	v6 =	vld [tilespmem:$0x1E0];
	_ =	sdelay $0x4  }
0x51a: {  	v54 =	vshll.u32 v6, $0x3  }
0x51b: {  	v7 =	vand.u32 $0xFFFFFC00, v54  }
0x51c: {  	v6 =	vand.u32 $0x7F, v6;
	v7 =	vadd.s32 v4, v7  }
0x51d: {  	v6 =	vor.u32 v6, v7  }
0x51e: {  	v6 =	vor.u32 v5, v6;
	_ =	sdelay $0x4  }
0x51f: {  	v6 =	vld.idx.msk [tilespmem:v6+s5+$0x0], $0xffff;
	_ =	sdelay $0x4  }
0x520: {  	[tilespmem:s17+$0x60] =	vst v6  }
0x521: {  	v6 =	vld [tilespmem:$0x1F0];
	_ =	sdelay $0x4  }
0x522: {  	v55 =	vshll.u32 v6, $0x3  }
0x523: {  	v7 =	vand.u32 $0xFFFFFC00, v55  }
0x524: {  	v6 =	vand.u32 $0x7F, v6;
	v7 =	vadd.s32 v4, v7  }
0x525: {  	v6 =	vor.u32 v6, v7  }
0x526: {  	v6 =	vor.u32 v5, v6;
	_ =	sdelay $0x4  }
0x527: {  	v6 =	vld.idx.msk [tilespmem:v6+s5+$0x0], $0xffff;
	_ =	sdelay $0x4  }
0x528: {  	[tilespmem:s17+$0x70] =	vst v6  }
0x529: {  	v6 =	vld [tilespmem:$0x200];
	_ =	sdelay $0x4  }
0x52a: {  	v56 =	vshll.u32 v6, $0x3  }
0x52b: {  	v7 =	vand.u32 $0xFFFFFC00, v56  }
0x52c: {  	v6 =	vand.u32 $0x7F, v6;
	v7 =	vadd.s32 v4, v7  }
0x52d: {  	v6 =	vor.u32 v6, v7  }
0x52e: {  	v6 =	vor.u32 v5, v6;
	_ =	sdelay $0x4  }
0x52f: {  	v6 =	vld.idx.msk [tilespmem:v6+s5+$0x0], $0xffff;
	_ =	sdelay $0x4  }
0x530: {  	[tilespmem:s17+$0x80] =	vst v6  }
0x531: {  	v6 =	vld [tilespmem:$0x210];
	_ =	sdelay $0x4  }
0x532: {  	v57 =	vshll.u32 v6, $0x3  }
0x533: {  	v7 =	vand.u32 $0xFFFFFC00, v57  }
0x534: {  	v6 =	vand.u32 $0x7F, v6;
	v7 =	vadd.s32 v4, v7  }
0x535: {  	v6 =	vor.u32 v6, v7  }
0x536: {  	v6 =	vor.u32 v5, v6;
	_ =	sdelay $0x4  }
0x537: {  	v6 =	vld.idx.msk [tilespmem:v6+s5+$0x0], $0xffff;
	_ =	sdelay $0x4  }
0x538: {  	[tilespmem:s17+$0x90] =	vst v6  }
0x539: {  	v6 =	vld [tilespmem:$0x220];
	_ =	sdelay $0x4  }
0x53a: {  	v58 =	vshll.u32 v6, $0x3  }
0x53b: {  	v7 =	vand.u32 $0xFFFFFC00, v58  }
0x53c: {  	v6 =	vand.u32 $0x7F, v6;
	v7 =	vadd.s32 v4, v7  }
0x53d: {  	v6 =	vor.u32 v6, v7  }
0x53e: {  	v6 =	vor.u32 v5, v6;
	_ =	sdelay $0x4  }
0x53f: {  	v6 =	vld.idx.msk [tilespmem:v6+s5+$0x0], $0xffff;
	_ =	sdelay $0x4  }
0x540: {  	[tilespmem:s17+$0xA0] =	vst v6  }
0x541: {  	v6 =	vld [tilespmem:$0x230];
	_ =	sdelay $0x4  }
0x542: {  	v59 =	vshll.u32 v6, $0x3  }
0x543: {  	v7 =	vand.u32 $0xFFFFFC00, v59  }
0x544: {  	v6 =	vand.u32 $0x7F, v6;
	v7 =	vadd.s32 v4, v7  }
0x545: {  	v6 =	vor.u32 v6, v7  }
0x546: {  	v6 =	vor.u32 v5, v6;
	_ =	sdelay $0x4  }
0x547: {  	v6 =	vld.idx.msk [tilespmem:v6+s5+$0x0], $0xffff;
	_ =	sdelay $0x4  }
0x548: {  	[tilespmem:s17+$0xB0] =	vst v6  }
0x549: {  	v6 =	vld [tilespmem:$0x240];
	_ =	sdelay $0x4  }
0x54a: {  	v60 =	vshll.u32 v6, $0x3  }
0x54b: {  	v7 =	vand.u32 $0xFFFFFC00, v60  }
0x54c: {  	v6 =	vand.u32 $0x7F, v6;
	v7 =	vadd.s32 v4, v7  }
0x54d: {  	v6 =	vor.u32 v6, v7  }
0x54e: {  	v6 =	vor.u32 v5, v6;
	_ =	sdelay $0x4  }
0x54f: {  	v6 =	vld.idx.msk [tilespmem:v6+s5+$0x0], $0xffff;
	_ =	sdelay $0x4  }
0x550: {  	[tilespmem:s17+$0xC0] =	vst v6  }
0x551: {  	v6 =	vld [tilespmem:$0x250];
	_ =	sdelay $0x4  }
0x552: {  	v61 =	vshll.u32 v6, $0x3  }
0x553: {  	v7 =	vand.u32 $0xFFFFFC00, v61  }
0x554: {  	v6 =	vand.u32 $0x7F, v6;
	v7 =	vadd.s32 v4, v7  }
0x555: {  	v6 =	vor.u32 v6, v7  }
0x556: {  	v6 =	vor.u32 v5, v6;
	_ =	sdelay $0x4  }
0x557: {  	v6 =	vld.idx.msk [tilespmem:v6+s5+$0x0], $0xffff;
	_ =	sdelay $0x4  }
0x558: {  	[tilespmem:s17+$0xD0] =	vst v6  }
0x559: {  	v6 =	vld [tilespmem:$0x260];
	_ =	sdelay $0x4  }
0x55a: {  	v62 =	vshll.u32 v6, $0x3  }
0x55b: {  	v7 =	vand.u32 $0xFFFFFC00, v62  }
0x55c: {  	v6 =	vand.u32 $0x7F, v6;
	v7 =	vadd.s32 v4, v7  }
0x55d: {  	v6 =	vor.u32 v6, v7  }
0x55e: {  	v6 =	vor.u32 v5, v6;
	_ =	sdelay $0x4  }
0x55f: {  	v6 =	vld.idx.msk [tilespmem:v6+s5+$0x0], $0xffff;
	_ =	sdelay $0x4  }
0x560: {  	[tilespmem:s17+$0xE0] =	vst v6  }
0x561: {  	v6 =	vld [tilespmem:$0x270];
	_ =	sdelay $0x4  }
0x562: {  	v63 =	vshll.u32 v6, $0x3  }
0x563: {  	v7 =	vand.u32 $0xFFFFFC00, v63  }
0x564: {  	v6 =	vand.u32 $0x7F, v6;
	v4 =	vadd.s32 v4, v7  }
0x565: {  	v4 =	vor.u32 v6, v4  }
0x566: {  	v4 =	vor.u32 v5, v4;
	_ =	sdelay $0x4  }
0x567: {  	p0 =	sne.s32 s3, $0x1F;
	v4 =	vld.idx.msk [tilespmem:v4+s5+$0x0], $0xffff  }
.Ltmp3:
0x568: {  	_ = 	snop;
	(pc) =	sbr.rel @p0 .LBB2_8-.Ltmp3, $2  }
0x569: {  	_ =	sdelay $0x2  }
0x56a: {  	s3 =	sadd.s32 $0x1, s3;
	[tilespmem:s17+$0xF0] =	vst v4;
	s17 =	sadd.s32 $0x200, s17  }
0x56b: {  	s3 =	rddreg [dreg:$0xa]  }
0x56c: {  	[hbm4b:s3+s4] =	stream.linear.scatter [tilespmem:s30], [sflag:$0x3], $0x4000, $0x38;
	[tilespmem:$0x1C280] =	vst v63  }
0x56d: {  	_ =	swait.ge [sflag:s16], $0x4000  }
0x56e: {  	[sflag:s16] =	ssyncset.done $0x0  }
0x56f: {  	[sflag:s16] =	ssyncadd.s32 $0xFFFFC000  }
0x570: {  	_ =	swait.ge [sflag:s31], $0x8000  }
0x571: {  	[sflag:s31] =	ssyncset.done $0x0  }
0x572: {  	s18 =	simm.s32 $0x280;
	s17 =	rddreg [dreg:$0xb];
	[sflag:s31] =	ssyncadd.s32 $0xFFFF8000  }
0x573: {  	[hbm4b:s17+s4] =	stream.linear.scatter [tilespmem:s18], [sflag:$0x3], $0x8000, $0x38;
	[tilespmem:$0x1C280] =	vst v63  }
0x574: {  	_ =	swait.ge [sflag:s16], $0x8000  }
0x575: {  	s0 =	sadd.s32 $0x1, s0;
	s17 =	rddreg [dreg:$0xc]  }
0x576: {  	p0 =	sne.s32 s0, s17  }
.Ltmp4:
0x577: {  	_ = 	snop;
	(pc) =	sbr.rel @p0 .LBB2_1-.Ltmp4, $3  }
0x578: {  	_ =	sdelay $0x1  }
0x579: {  	[sflag:s16] =	ssyncset.done $0x0  }
0x57a: {  	[sflag:s16] =	ssyncadd.s32 $0xFFFF8000  }
0x57b: {  	_ =	sfence.sel $0x180000  }
0x57c: {  	[bflag:$0x0] =	sbarrier.arrive $0xFFFF  }
0x57d: {  	_ =	strace $0x90000047  }
0x57e: {  	s0 =	stileid.u32;
	[bflag:$0x2] =	sbarrier.arrive $0xFFFF  }
0x57f: {  	p0 =	sne.s32 s0, $0x0;
	s0 =	rddreg [dreg:$0x4]  }
0x580: {  	s0 =	sadd.s32 @!p0 $0x100000, s0  }
0x581: {  	[sflag:s0] =	ssyncadd.tile.s32 @!p0 $0x1;
	_ =	shalt  }
.Lfunc_end2:
_tile_overlayer_lowered:
.L_overlay_start_2:
0x582: {  	(tag) =	ssettag $0x2  }
0x583: {  	s0 =	rddreg [dreg:$0x0];
	s2 =	stileid.u32  }
0x584: {  	s1 =	rddreg [dreg:$0x1];
	p0 =	sne.s32 s2, $0x0  }
0x585: {  	s3 =	rddreg [dreg:$0x2];
	[bflag:$0x3] =	sbarrier.arrive $0xFFFF;
	s2 =	simm.s32 @!p0 $0x1C03  }
0x586: {  	[timem:s3], [sflag:s2] =	dma.local @!p0 [hbm:s0], s1  }
0x587: {  	s0 =	simm.s32 @!p0 $0x3  }
0x588: {  	_ =	swait.ge @!p0 [sflag:s0], s1  }
0x589: {  	s1 =	ssub.s32 @!p0 $0x0, s1;
	[sflag:s0] =	ssyncset.done @!p0 $0x0  }
0x58a: {  	[sflag:s0] =	ssyncadd.s32 @!p0 s1  }
0x58b: {  	[bflag:$0x3] =	sbarrier.arrive $0xFFFF  }
0x58c: {  	_ =	shalt  }

</sc_bundles>
